<compile_context>
chip_gen: v7x
topology: tpu7x:2x2x1
jax: 0.10.2.dev20260603
libtpu: 0.0.44.dev20260713+nightly
codegen_flags: <defaults>
</compile_context>

<pallas_src>
import jax
import jax.numpy as jnp
from jax import lax
from jax.experimental import pallas as pl
from jax.experimental.pallas import tpu as pltpu
from jax.experimental.pallas import tpu_sc as plsc

N_NODES = 10000
N_MSG = 320000
D = 128
K = 128
L = 16
NC = 2
NS = 16
NCHUNK = 2 * NS
NPC = N_NODES // NC
TPC = N_MSG // NCHUNK
B = 128
NBLK = (TPC + B - 1) // B
RPT = 320
ACC_ROWS = NS * RPT
DUMMY = NPC + 8
SENTINEL = 2 ** 30
FLUSH_ROWS = 80


def _sc_body(ids_hbm, msgs_hbm, ts_hbm, psums, pcnt, pts,
             msg_buf0, msg_buf1, msg_buf2,
             idx_buf0, idx_buf1, idx_buf2, ts_st0, ts_st1, ts_st2,
             one_st, ids_buf, ts_buf, zbuf_v, zbuf_v2,
             acc_m, acc_c, acc_t, ld_sem, sct_sem, aux_sem):
    c = lax.axis_index("c")
    s = lax.axis_index("s")
    lo = c * NPC
    zero16 = jnp.zeros((L,), jnp.float32)
    iota16 = lax.iota(jnp.int32, L)

    def _z_m(q, _):
        msg_buf0[q // 8, pl.ds((q % 8) * L, L)] = zero16
        return 0
    lax.fori_loop(0, FLUSH_ROWS * 8, _z_m, 0)
    zsrc = msg_buf0.at[pl.ds(0, FLUSH_ROWS)]

    def _z_v(q, _):
        zbuf_v[pl.ds(q * L, L)] = zero16
        return 0
    lax.fori_loop(0, RPT // L, _z_v, 0)

    def _one(q, _):
        one_st[pl.ds(q * L, L)] = zero16 + 1.0
        return 0
    lax.fori_loop(0, B // L, _one, 0)

    row0 = s * RPT
    zdscs = [pltpu.async_copy(zsrc,
                              acc_m.at[pl.ds(row0 + k * FLUSH_ROWS,
                                             FLUSH_ROWS)], aux_sem)
             for k in range(RPT // FLUSH_ROWS)]
    zdscs.append(pltpu.async_copy(zbuf_v, acc_c.at[pl.ds(row0, RPT)],
                                  aux_sem))
    zdscs.append(pltpu.async_copy(zbuf_v, acc_t.at[pl.ds(row0, RPT)],
                                  aux_sem))
    for d in zdscs:
        d.wait()

    plsc.subcore_barrier()

    def _process_chunk(chunk):
        base = chunk * TPC
        sa = pltpu.async_copy(ids_hbm.at[pl.ds(base, TPC + K)], ids_buf,
                              aux_sem)
        sb = pltpu.async_copy(ts_hbm.at[pl.ds(base, TPC)], ts_buf, aux_sem)
        sa.wait()
        sb.wait()

        def _scan(g, carry):
            blk_lo, blk_hi = carry
            bidx = g * L + iota16
            off = jnp.minimum(bidx * B, TPC - B)
            first = plsc.load_gather(ids_buf, [off])
            last_id = plsc.load_gather(ids_buf, [off + B - 1])
            hit = (first < lo + NPC) & (last_id >= lo) & (bidx < NBLK)
            lo_cand = jnp.min(jnp.where(hit, bidx, NBLK))
            hi_cand = jnp.max(jnp.where(hit, bidx + 1, 0))
            return (jnp.minimum(blk_lo, lo_cand),
                    jnp.maximum(blk_hi, hi_cand))
        blk_lo, blk_hi = lax.fori_loop(0, (NBLK + L - 1) // L, _scan,
                                       (jnp.int32(NBLK), jnp.int32(0)))

        def _compute_idx(bb, idx_buf, ts_st):
            off = jnp.minimum(bb * B, TPC - B)
            blk_valid = bb < blk_hi

            def _blk(j, _):
                r = off + j * L
                pos = r + iota16
                ids_c = ids_buf[pl.ds(r, L)]
                ids_k = plsc.load_gather(ids_buf, [pos + K])
                ids_n = plsc.load_gather(ids_buf, [pos + 1])
                local = ids_c - lo
                valid = (pos >= bb * B) & blk_valid
                take = ((ids_k != ids_c) & (local >= 0) & (local < NPC)
                        & valid)
                lastm = (ids_n != ids_c) & valid
                idx_buf[pl.ds(j * L, L)] = jnp.where(take, local, DUMMY)
                ts_st[pl.ds(j * L, L)] = jnp.where(
                    lastm, ts_buf[pl.ds(r, L)], 0.0)
                return 0
            lax.fori_loop(0, B // L, _blk, 0)

        def _start_load(bb, msg_buf):
            off = jnp.minimum(bb, NBLK - 1) * B
            off = jnp.minimum(off, TPC - B)
            return pltpu.async_copy(msgs_hbm.at[pl.ds(base + off, B)],
                                    msg_buf, ld_sem)

        def _start_scatter(msg_buf, idx_buf, ts_st):
            d0 = pltpu.async_copy(msg_buf, acc_m.at[idx_buf], sct_sem,
                                  add=True)
            d1 = pltpu.async_copy(one_st, acc_c.at[idx_buf], sct_sem,
                                  add=True)
            d2 = pltpu.async_copy(ts_st, acc_t.at[idx_buf], sct_sem,
                                  add=True)
            return d0, d1, d2

        def _drain(dscs):
            for d in dscs:
                d.wait()

        ntris = (jnp.maximum(blk_hi - blk_lo, 0) + 2) // 3
        la = _start_load(blk_lo, msg_buf0)
        lb = _start_load(blk_lo + 1, msg_buf1)
        lc = _start_load(blk_lo + 2, msg_buf2)

        def _tri(t, _):
            b = blk_lo + 3 * t
            la.wait()
            _compute_idx(b, idx_buf0, ts_st0)
            s0 = _start_scatter(msg_buf0, idx_buf0, ts_st0)
            lb.wait()
            _compute_idx(b + 1, idx_buf1, ts_st1)
            s1 = _start_scatter(msg_buf1, idx_buf1, ts_st1)
            _drain(s0)
            _start_load(b + 3, msg_buf0)
            lc.wait()
            _compute_idx(b + 2, idx_buf2, ts_st2)
            s2 = _start_scatter(msg_buf2, idx_buf2, ts_st2)
            _drain(s1)
            _start_load(b + 4, msg_buf1)
            _drain(s2)
            _start_load(b + 5, msg_buf2)
            return 0

        lax.fori_loop(0, ntris, _tri, 0)
        la.wait()
        lb.wait()
        lc.wait()

    _process_chunk(s)
    _process_chunk(NCHUNK - 1 - s)

    plsc.subcore_barrier()

    def _mrow(k):
        return pl.ds(row0 + k * FLUSH_ROWS, FLUSH_ROWS)

    def _hrow(k):
        return pl.ds(row0 + k * FLUSH_ROWS, FLUSH_ROWS)

    mb = [msg_buf0.at[pl.ds(0, FLUSH_ROWS)],
          msg_buf1.at[pl.ds(0, FLUSH_ROWS)],
          msg_buf2.at[pl.ds(0, FLUSH_ROWS)]]
    d0 = pltpu.async_copy(acc_m.at[_mrow(0)], mb[0], aux_sem)
    d1 = pltpu.async_copy(acc_m.at[_mrow(1)], mb[1], aux_sem)
    d2 = pltpu.async_copy(acc_m.at[_mrow(2)], mb[2], aux_sem)
    dv0 = pltpu.async_copy(acc_c.at[pl.ds(row0, RPT)], zbuf_v, aux_sem)
    dv1 = pltpu.async_copy(acc_t.at[pl.ds(row0, RPT)], zbuf_v2, aux_sem)
    d0.wait()
    h0 = pltpu.async_copy(mb[0], psums.at[c, _hrow(0)], sct_sem)
    d1.wait()
    h1 = pltpu.async_copy(mb[1], psums.at[c, _hrow(1)], sct_sem)
    d2.wait()
    h2 = pltpu.async_copy(mb[2], psums.at[c, _hrow(2)], sct_sem)
    dv0.wait()
    hv0 = pltpu.async_copy(zbuf_v, pcnt.at[pl.ds(c * ACC_ROWS + row0, RPT)],
                           sct_sem)
    dv1.wait()
    hv1 = pltpu.async_copy(zbuf_v2, pts.at[pl.ds(c * ACC_ROWS + row0, RPT)],
                           sct_sem)
    h0.wait()
    d3 = pltpu.async_copy(acc_m.at[_mrow(3)], mb[0], aux_sem)
    d3.wait()
    h3 = pltpu.async_copy(mb[0], psums.at[c, _hrow(3)], sct_sem)
    h1.wait()
    h2.wait()
    h3.wait()
    hv0.wait()
    hv1.wait()


def _sc_aggregate(ids_pad, messages, timestamps):
    mesh = plsc.VectorSubcoreMesh(core_axis_name="c", subcore_axis_name="s")
    return pl.kernel(
        _sc_body,
        out_type=[
            jax.ShapeDtypeStruct((NC, ACC_ROWS, D), jnp.float32),
            jax.ShapeDtypeStruct((NC * ACC_ROWS,), jnp.float32),
            jax.ShapeDtypeStruct((NC * ACC_ROWS,), jnp.float32),
        ],
        mesh=mesh,
        scratch_types=[
            pltpu.VMEM((B, D), jnp.float32),
            pltpu.VMEM((B, D), jnp.float32),
            pltpu.VMEM((B, D), jnp.float32),
            pltpu.VMEM((B,), jnp.int32),
            pltpu.VMEM((B,), jnp.int32),
            pltpu.VMEM((B,), jnp.int32),
            pltpu.VMEM((B,), jnp.float32),
            pltpu.VMEM((B,), jnp.float32),
            pltpu.VMEM((B,), jnp.float32),
            pltpu.VMEM((B,), jnp.float32),
            pltpu.VMEM((TPC + K,), jnp.int32),
            pltpu.VMEM((TPC,), jnp.float32),
            pltpu.VMEM((RPT,), jnp.float32),
            pltpu.VMEM((RPT,), jnp.float32),
            pltpu.VMEM_SHARED((ACC_ROWS, D), jnp.float32),
            pltpu.VMEM_SHARED((ACC_ROWS,), jnp.float32),
            pltpu.VMEM_SHARED((ACC_ROWS,), jnp.float32),
            pltpu.SemaphoreType.DMA,
            pltpu.SemaphoreType.DMA,
            pltpu.SemaphoreType.DMA,
        ],
        compiler_params=pltpu.CompilerParams(needs_layout_passes=False),
    )(ids_pad, messages, timestamps)


def _finalize_body(ps_ref, pc_ref, pt_ref, um_ref, ts_ref, msk_ref):
    sums = jnp.concatenate([ps_ref[0, :NPC, :], ps_ref[1, :NPC, :]], axis=0)
    cnt = jnp.concatenate([pc_ref[:NPC], pc_ref[ACC_ROWS:ACC_ROWS + NPC]],
                          axis=0)
    ts = jnp.concatenate([pt_ref[:NPC], pt_ref[ACC_ROWS:ACC_ROWS + NPC]],
                         axis=0)
    um_ref[...] = sums / jnp.maximum(cnt, 1.0)[:, None]
    ts_ref[...] = ts
    msk_ref[...] = (cnt > 0.0).astype(jnp.int32)


def _finalize(psums, pcnt, pts):
    return pl.pallas_call(
        _finalize_body,
        out_shape=[
            jax.ShapeDtypeStruct((N_NODES, D), jnp.float32),
            jax.ShapeDtypeStruct((N_NODES,), jnp.float32),
            jax.ShapeDtypeStruct((N_NODES,), jnp.int32),
        ],
    )(psums, pcnt, pts)


@jax.jit
def kernel(node_ids, messages, timestamps, memory):
    del memory
    ids = node_ids.astype(jnp.int32)
    ids_pad = jnp.concatenate([ids, jnp.full((K,), SENTINEL, jnp.int32)])
    psums, pcnt, pts = _sc_aggregate(ids_pad, messages, timestamps)
    um, ts, msk = _finalize(psums, pcnt, pts)
    return um, ts, msk.astype(bool)

# --- scband reference (transcript-rebuilt; emitter-appended) ---
"""Pipeline reference for scband-mean-message-aggregator-72052371357814 (READ-ONLY COPY).

The authoritative reference and input builder live on the scoring server;
editing this copy changes nothing except your own understanding.
"""

import jax, jax.numpy as jnp
import numpy as np

N_NODES = 10000
N_MSG = 320000
D = 128
N_NEIGHBOR = 128


def setup_inputs(seed: int = 0) -> dict:
    key = jax.random.key(seed)
    k1, k2, k3 = jax.random.split(key, 3)
    node_ids = jnp.sort(jax.random.randint(k1, (N_MSG,), 0, N_NODES, dtype=jnp.int64) if jax.config.jax_enable_x64 else jax.random.randint(k1, (N_MSG,), 0, N_NODES).astype(jnp.int32))
    messages = jax.random.normal(k2, (N_MSG, D), dtype=jnp.float32)
    timestamps = jnp.arange(N_MSG, dtype=jnp.float32)
    memory = jax.random.normal(k3, (N_NODES, D), dtype=jnp.float32)
    return {"node_ids": node_ids, "messages": messages, "timestamps": timestamps, "memory": memory}


def reference(node_ids, messages, timestamps, memory):
    # Vectorized translation of MeanMessageAggregator.aggregate:
    # for each unique node id, take the LAST n_neighbor messages, mean them,
    # and keep the last (max) timestamp. node_ids are sorted, so position
    # within each segment can be computed from cumulative counts.
    n = node_ids.shape[0]
    counts = jnp.bincount(node_ids, length=N_NODES)
    seg_starts = jnp.cumsum(counts) - counts  # start offset of each segment
    pos_in_seg = jnp.arange(n) - seg_starts[node_ids]
    pos_from_end = counts[node_ids] - 1 - pos_in_seg
    keep = (pos_from_end < N_NEIGHBOR).astype(messages.dtype)
    sums = jax.ops.segment_sum(messages * keep[:, None], node_ids, num_segments=N_NODES)
    eff_counts = jnp.minimum(counts, N_NEIGHBOR)
    unique_messages = sums / jnp.maximum(eff_counts, 1).astype(messages.dtype)[:, None]
    # last timestamp per node (timestamps are nondecreasing, so segment max == last)
    last_ts = jax.ops.segment_max(timestamps, node_ids, num_segments=N_NODES)
    has_msg = counts > 0
    unique_timestamps = jnp.where(has_msg, last_ts, 0.0)
    # has_msg marks the to_update_node_ids (dense boolean mask over all node slots)
    return unique_messages, unique_timestamps, has_msg

if __name__ == "__main__":
    import jax
    _d = setup_inputs()
    print(jax.jit(kernel)(*tuple(_d.values())))

</pallas_src>

<mosaic_0001>
#map = affine_map<(d0, d1) -> (0)>
#map1 = affine_map<(d0, d1) -> (0, 0)>
#map2 = affine_map<(d0, d1) -> (0, 0, 0)>
module attributes {stable_mosaic.version = 14 : i64} {
  func.func @_sc_body(%arg0: i32, %arg1: i32, %arg2: memref<320128xi32, #tpu.memory_space<hbm>>, %arg3: memref<320000x128xf32, #tpu.memory_space<hbm>>, %arg4: memref<320000xf32, #tpu.memory_space<hbm>>, %arg5: memref<2x5120x128xf32, #tpu.memory_space<hbm>>, %arg6: memref<10240xf32, #tpu.memory_space<hbm>>, %arg7: memref<10240xf32, #tpu.memory_space<hbm>>, %arg8: memref<128x128xf32, #tpu.memory_space<vmem>>, %arg9: memref<128x128xf32, #tpu.memory_space<vmem>>, %arg10: memref<128x128xf32, #tpu.memory_space<vmem>>, %arg11: memref<128xi32, #tpu.memory_space<vmem>>, %arg12: memref<128xi32, #tpu.memory_space<vmem>>, %arg13: memref<128xi32, #tpu.memory_space<vmem>>, %arg14: memref<128xf32, #tpu.memory_space<vmem>>, %arg15: memref<128xf32, #tpu.memory_space<vmem>>, %arg16: memref<128xf32, #tpu.memory_space<vmem>>, %arg17: memref<128xf32, #tpu.memory_space<vmem>>, %arg18: memref<10128xi32, #tpu.memory_space<vmem>>, %arg19: memref<10000xf32, #tpu.memory_space<vmem>>, %arg20: memref<320xf32, #tpu.memory_space<vmem>>, %arg21: memref<320xf32, #tpu.memory_space<vmem>>, %arg22: memref<5120x128xf32, #tpu.memory_space<vmem_shared>>, %arg23: memref<5120xf32, #tpu.memory_space<vmem_shared>>, %arg24: memref<5120xf32, #tpu.memory_space<vmem_shared>>, %arg25: memref<!tpu.dma_semaphore, #tpu.memory_space<semaphore_mem>>, %arg26: memref<!tpu.dma_semaphore, #tpu.memory_space<semaphore_mem>>, %arg27: memref<!tpu.dma_semaphore, #tpu.memory_space<semaphore_mem>>) attributes {dimension_semantics = [#tpu.dimension_semantics<core_parallel>, #tpu.dimension_semantics<subcore_parallel>], iteration_bounds = array<i64: 2, 16>, scalar_prefetch = 0 : i64, scratch_operands = 20 : i64, tpu.core_type = #tpu.core_type<sc_vector_subcore>, window_params = [{transform_indices = #map}, {transform_indices = #map1}, {transform_indices = #map}, {transform_indices = #map2}, {transform_indices = #map}, {transform_indices = #map}]} {
    %mul3A = arith.constant 5000 : i32
    %mul3A_0 = arith.muli %arg0, %mul3A : i32
    %broadcast_in_dim3A = arith.constant 0.000000e+00 : f32
    %broadcast_in_dim3A_1 = vector.broadcast %broadcast_in_dim3A : f32 to vector<16xf32>
    %iota3A = tpu.iota {dimensions = array<i32: 0>} : vector<16xi32>
    %scan3A = arith.constant 0 : i32
    %scan3A_2 = arith.constant 0 : i32
    %scan3A_3 = arith.constant 640 : i32
    %scan3A_4 = arith.addi %scan3A_2, %scan3A_3 : i32
    %scan3A_5 = arith.constant 1 : i32
    %scan3A_6 = scf.for %scan3A_539 = %scan3A_2 to %scan3A_4 step %scan3A_5 iter_args(%scan3A_540 = %scan3A) -> (i32)  : i32 {
      %jit3A_541 = arith.constant 8 : i32
      %div3A_542 = arith.divsi %scan3A_539, %jit3A_541 : i32
      %sign3A_543 = arith.constant 0 : i32
      %sign3A_544 = arith.cmpi sgt, %scan3A_539, %sign3A_543 : i32
      %sign3A_545 = arith.extui %sign3A_544 : i1 to i32
      %sign3A_546 = arith.constant 0 : i32
      %sign3A_547 = arith.cmpi slt, %scan3A_539, %sign3A_546 : i32
      %sign3A_548 = arith.extui %sign3A_547 : i1 to i32
      %sign3A_549 = arith.subi %sign3A_545, %sign3A_548 : i32
      %sign3A_550 = arith.constant 0 : i32
      %sign3A_551 = arith.cmpi sgt, %jit3A_541, %sign3A_550 : i32
      %sign3A_552 = arith.extui %sign3A_551 : i1 to i32
      %sign3A_553 = arith.constant 0 : i32
      %sign3A_554 = arith.cmpi slt, %jit3A_541, %sign3A_553 : i32
      %sign3A_555 = arith.extui %sign3A_554 : i1 to i32
      %sign3A_556 = arith.subi %sign3A_552, %sign3A_555 : i32
      %ne3A_557 = arith.cmpi ne, %sign3A_549, %sign3A_556 : i32
      %rem3A_558 = arith.remsi %scan3A_539, %jit3A_541 : i32
      %ne3A_559 = arith.constant 0 : i32
      %ne3A_560 = arith.cmpi ne, %rem3A_558, %ne3A_559 : i32
      %and3A_561 = arith.andi %ne3A_557, %ne3A_560 : i1
      %sub3A_562 = arith.constant 1 : i32
      %sub3A_563 = arith.subi %div3A_542, %sub3A_562 : i32
      %select_n3A_564 = arith.select %and3A_561, %sub3A_563, %div3A_542 : i32
      %jit3A_565 = arith.constant 8 : i32
      %eq3A = arith.constant 0 : i32
      %eq3A_566 = arith.cmpi eq, %jit3A_565, %eq3A : i32
      %jit3A_567 = arith.constant 1 : i32
      %select_n3A_568 = arith.select %eq3A_566, %jit3A_567, %jit3A_565 : i32
      %rem3A_569 = arith.remsi %scan3A_539, %select_n3A_568 : i32
      %ne3A_570 = arith.constant 0 : i32
      %ne3A_571 = arith.cmpi ne, %rem3A_569, %ne3A_570 : i32
      %lt3A = arith.constant 0 : i32
      %lt3A_572 = arith.cmpi slt, %rem3A_569, %lt3A : i32
      %lt3A_573 = arith.constant 0 : i32
      %lt3A_574 = arith.cmpi slt, %select_n3A_568, %lt3A_573 : i32
      %ne3A_575 = arith.xori %lt3A_572, %lt3A_574 : i1
      %and3A_576 = arith.andi %ne3A_575, %ne3A_571 : i1
      %add3A_577 = arith.addi %rem3A_569, %select_n3A_568 : i32
      %select_n3A_578 = arith.select %and3A_576, %add3A_577, %rem3A_569 : i32
      %mul3A_579 = arith.constant 16 : i32
      %mul3A_580 = arith.muli %select_n3A_578, %mul3A_579 : i32
      %swap3A = arith.index_cast %select_n3A_564 : i32 to index
      %swap3A_581 = arith.index_cast %mul3A_580 : i32 to index
      %swap3A_582 = tpu.vector_load %arg8[%swap3A, %swap3A_581] {strides = array<i32>} : memref<128x128xf32, #tpu.memory_space<vmem>>, vector<16xf32>,
      tpu.vector_store %arg8[%swap3A, %swap3A_581], %broadcast_in_dim3A_1 {strides = array<i32>} : memref<128x128xf32, #tpu.memory_space<vmem>>, vector<16xf32>,
      %scan3A_583 = arith.constant 0 : i32
      scf.yield %scan3A_583 : i32
    }
    %scan3A_7 = arith.constant 640 : i32
    %scan3A_8 = arith.constant 0 : i32
    %scan3A_9 = arith.constant 0 : i32
    %scan3A_10 = arith.constant 20 : i32
    %scan3A_11 = arith.addi %scan3A_9, %scan3A_10 : i32
    %scan3A_12 = arith.constant 1 : i32
    %scan3A_13 = scf.for %scan3A_539 = %scan3A_9 to %scan3A_11 step %scan3A_12 iter_args(%scan3A_540 = %scan3A_8) -> (i32)  : i32 {
      %mul3A_541 = arith.constant 16 : i32
      %mul3A_542 = arith.muli %scan3A_539, %mul3A_541 : i32
      %swap3A = arith.index_cast %mul3A_542 : i32 to index
      %swap3A_543 = tpu.vector_load %arg20[%swap3A] {strides = array<i32>} : memref<320xf32, #tpu.memory_space<vmem>>, vector<16xf32>,
      tpu.vector_store %arg20[%swap3A], %broadcast_in_dim3A_1 {strides = array<i32>} : memref<320xf32, #tpu.memory_space<vmem>>, vector<16xf32>,
      %scan3A_544 = arith.constant 0 : i32
      scf.yield %scan3A_544 : i32
    }
    %scan3A_14 = arith.constant 20 : i32
    %scan3A_15 = arith.constant 0 : i32
    %scan3A_16 = arith.constant 0 : i32
    %scan3A_17 = arith.constant 8 : i32
    %scan3A_18 = arith.addi %scan3A_16, %scan3A_17 : i32
    %scan3A_19 = arith.constant 1 : i32
    %scan3A_20 = scf.for %scan3A_539 = %scan3A_16 to %scan3A_18 step %scan3A_19 iter_args(%scan3A_540 = %scan3A_15) -> (i32)  : i32 {
      %add3A_541 = arith.constant 1.000000e+00 : f32
      %add3A_542 = vector.broadcast %add3A_541 : f32 to vector<16xf32>
      %add3A_543 = arith.addf %broadcast_in_dim3A_1, %add3A_542 : vector<16xf32>
      %mul3A_544 = arith.constant 16 : i32
      %mul3A_545 = arith.muli %scan3A_539, %mul3A_544 : i32
      %swap3A = arith.index_cast %mul3A_545 : i32 to index
      %swap3A_546 = tpu.vector_load %arg17[%swap3A] {strides = array<i32>} : memref<128xf32, #tpu.memory_space<vmem>>, vector<16xf32>,
      tpu.vector_store %arg17[%swap3A], %add3A_543 {strides = array<i32>} : memref<128xf32, #tpu.memory_space<vmem>>, vector<16xf32>,
      %scan3A_547 = arith.constant 0 : i32
      scf.yield %scan3A_547 : i32
    }
    %scan3A_21 = arith.constant 8 : i32
    %mul3A_22 = arith.constant 320 : i32
    %mul3A_23 = arith.muli %arg1, %mul3A_22 : i32
    %add3A = arith.constant 0 : i32
    %add3A_24 = arith.addi %mul3A_23, %add3A : i32
    %dma_start3A = arith.constant 0 : i32
    %dma_start3A_25 = arith.constant 0 : i32
    %dma_start3A_26 = tpu.memref_slice %arg8[%dma_start3A, %dma_start3A_25] : memref<128x128xf32, #tpu.memory_space<vmem>> -> memref<80x128xf32, #tpu.memory_space<vmem>>
    %dma_start3A_27 = arith.constant 0 : i32
    %dma_start3A_28 = tpu.memref_slice %arg22[%add3A_24, %dma_start3A_27] : memref<5120x128xf32, #tpu.memory_space<vmem_shared>> -> memref<80x128xf32, #tpu.memory_space<vmem_shared>>
    %dma_start3A_29 = arith.constant 0 : i32
    %dma_start3A_30 = tpu.memref_slice %arg22[%add3A_24, %dma_start3A_29] : memref<5120x128xf32, #tpu.memory_space<vmem_shared>> -> memref<80x128xf32, #tpu.memory_space<vmem_shared>>
    %dma_start3A_31 = arith.constant 0 : i32
    %dma_start3A_32 = arith.constant 0 : i32
    %dma_start3A_33 = tpu.memref_slice %arg8[%dma_start3A_31, %dma_start3A_32] : memref<128x128xf32, #tpu.memory_space<vmem>> -> memref<80x128xf32, #tpu.memory_space<vmem>>
    tpu.enqueue_dma source(%dma_start3A_33 : memref<80x128xf32, #tpu.memory_space<vmem>>) target(%dma_start3A_30 : memref<80x128xf32, #tpu.memory_space<vmem_shared>>) target_semaphore(%arg27 : memref<!tpu.dma_semaphore, #tpu.memory_space<semaphore_mem>>)
    %add3A_34 = arith.constant 80 : i32
    %add3A_35 = arith.addi %mul3A_23, %add3A_34 : i32
    %dma_start3A_36 = arith.constant 0 : i32
    %dma_start3A_37 = arith.constant 0 : i32
    %dma_start3A_38 = tpu.memref_slice %arg8[%dma_start3A_36, %dma_start3A_37] : memref<128x128xf32, #tpu.memory_space<vmem>> -> memref<80x128xf32, #tpu.memory_space<vmem>>
    %dma_start3A_39 = arith.constant 0 : i32
    %dma_start3A_40 = tpu.memref_slice %arg22[%add3A_35, %dma_start3A_39] : memref<5120x128xf32, #tpu.memory_space<vmem_shared>> -> memref<80x128xf32, #tpu.memory_space<vmem_shared>>
    %dma_start3A_41 = arith.constant 0 : i32
    %dma_start3A_42 = tpu.memref_slice %arg22[%add3A_35, %dma_start3A_41] : memref<5120x128xf32, #tpu.memory_space<vmem_shared>> -> memref<80x128xf32, #tpu.memory_space<vmem_shared>>
    %dma_start3A_43 = arith.constant 0 : i32
    %dma_start3A_44 = arith.constant 0 : i32
    %dma_start3A_45 = tpu.memref_slice %arg8[%dma_start3A_43, %dma_start3A_44] : memref<128x128xf32, #tpu.memory_space<vmem>> -> memref<80x128xf32, #tpu.memory_space<vmem>>
    tpu.enqueue_dma source(%dma_start3A_45 : memref<80x128xf32, #tpu.memory_space<vmem>>) target(%dma_start3A_42 : memref<80x128xf32, #tpu.memory_space<vmem_shared>>) target_semaphore(%arg27 : memref<!tpu.dma_semaphore, #tpu.memory_space<semaphore_mem>>)
    %add3A_46 = arith.constant 160 : i32
    %add3A_47 = arith.addi %mul3A_23, %add3A_46 : i32
    %dma_start3A_48 = arith.constant 0 : i32
    %dma_start3A_49 = arith.constant 0 : i32
    %dma_start3A_50 = tpu.memref_slice %arg8[%dma_start3A_48, %dma_start3A_49] : memref<128x128xf32, #tpu.memory_space<vmem>> -> memref<80x128xf32, #tpu.memory_space<vmem>>
    %dma_start3A_51 = arith.constant 0 : i32
    %dma_start3A_52 = tpu.memref_slice %arg22[%add3A_47, %dma_start3A_51] : memref<5120x128xf32, #tpu.memory_space<vmem_shared>> -> memref<80x128xf32, #tpu.memory_space<vmem_shared>>
    %dma_start3A_53 = arith.constant 0 : i32
    %dma_start3A_54 = tpu.memref_slice %arg22[%add3A_47, %dma_start3A_53] : memref<5120x128xf32, #tpu.memory_space<vmem_shared>> -> memref<80x128xf32, #tpu.memory_space<vmem_shared>>
    %dma_start3A_55 = arith.constant 0 : i32
    %dma_start3A_56 = arith.constant 0 : i32
    %dma_start3A_57 = tpu.memref_slice %arg8[%dma_start3A_55, %dma_start3A_56] : memref<128x128xf32, #tpu.memory_space<vmem>> -> memref<80x128xf32, #tpu.memory_space<vmem>>
    tpu.enqueue_dma source(%dma_start3A_57 : memref<80x128xf32, #tpu.memory_space<vmem>>) target(%dma_start3A_54 : memref<80x128xf32, #tpu.memory_space<vmem_shared>>) target_semaphore(%arg27 : memref<!tpu.dma_semaphore, #tpu.memory_space<semaphore_mem>>)
    %add3A_58 = arith.constant 240 : i32
    %add3A_59 = arith.addi %mul3A_23, %add3A_58 : i32
    %dma_start3A_60 = arith.constant 0 : i32
    %dma_start3A_61 = arith.constant 0 : i32
    %dma_start3A_62 = tpu.memref_slice %arg8[%dma_start3A_60, %dma_start3A_61] : memref<128x128xf32, #tpu.memory_space<vmem>> -> memref<80x128xf32, #tpu.memory_space<vmem>>
    %dma_start3A_63 = arith.constant 0 : i32
    %dma_start3A_64 = tpu.memref_slice %arg22[%add3A_59, %dma_start3A_63] : memref<5120x128xf32, #tpu.memory_space<vmem_shared>> -> memref<80x128xf32, #tpu.memory_space<vmem_shared>>
    %dma_start3A_65 = arith.constant 0 : i32
    %dma_start3A_66 = tpu.memref_slice %arg22[%add3A_59, %dma_start3A_65] : memref<5120x128xf32, #tpu.memory_space<vmem_shared>> -> memref<80x128xf32, #tpu.memory_space<vmem_shared>>
    %dma_start3A_67 = arith.constant 0 : i32
    %dma_start3A_68 = arith.constant 0 : i32
    %dma_start3A_69 = tpu.memref_slice %arg8[%dma_start3A_67, %dma_start3A_68] : memref<128x128xf32, #tpu.memory_space<vmem>> -> memref<80x128xf32, #tpu.memory_space<vmem>>
    tpu.enqueue_dma source(%dma_start3A_69 : memref<80x128xf32, #tpu.memory_space<vmem>>) target(%dma_start3A_66 : memref<80x128xf32, #tpu.memory_space<vmem_shared>>) target_semaphore(%arg27 : memref<!tpu.dma_semaphore, #tpu.memory_space<semaphore_mem>>)
    %dma_start3A_70 = tpu.memref_slice %arg23[%mul3A_23] : memref<5120xf32, #tpu.memory_space<vmem_shared>> -> memref<320xf32, #tpu.memory_space<vmem_shared>>
    %dma_start3A_71 = tpu.memref_slice %arg23[%mul3A_23] : memref<5120xf32, #tpu.memory_space<vmem_shared>> -> memref<320xf32, #tpu.memory_space<vmem_shared>>
    tpu.enqueue_dma source(%arg20 : memref<320xf32, #tpu.memory_space<vmem>>) target(%dma_start3A_71 : memref<320xf32, #tpu.memory_space<vmem_shared>>) target_semaphore(%arg27 : memref<!tpu.dma_semaphore, #tpu.memory_space<semaphore_mem>>)
    %dma_start3A_72 = tpu.memref_slice %arg24[%mul3A_23] : memref<5120xf32, #tpu.memory_space<vmem_shared>> -> memref<320xf32, #tpu.memory_space<vmem_shared>>
    %dma_start3A_73 = tpu.memref_slice %arg24[%mul3A_23] : memref<5120xf32, #tpu.memory_space<vmem_shared>> -> memref<320xf32, #tpu.memory_space<vmem_shared>>
    tpu.enqueue_dma source(%arg20 : memref<320xf32, #tpu.memory_space<vmem>>) target(%dma_start3A_73 : memref<320xf32, #tpu.memory_space<vmem_shared>>) target_semaphore(%arg27 : memref<!tpu.dma_semaphore, #tpu.memory_space<semaphore_mem>>)
    %dma_wait3A = arith.constant 0 : i32
    %dma_wait3A_74 = arith.constant 0 : i32
    %dma_wait3A_75 = tpu.memref_slice %arg8[%dma_wait3A, %dma_wait3A_74] : memref<128x128xf32, #tpu.memory_space<vmem>> -> memref<80x128xf32, #tpu.memory_space<vmem>>
    %dma_wait3A_76 = arith.constant 0 : i32
    %dma_wait3A_77 = tpu.memref_slice %arg22[%add3A_24, %dma_wait3A_76] : memref<5120x128xf32, #tpu.memory_space<vmem_shared>> -> memref<80x128xf32, #tpu.memory_space<vmem_shared>>
    %dma_wait3A_78 = arith.constant 0 : i32
    %dma_wait3A_79 = tpu.memref_slice %arg22[%add3A_24, %dma_wait3A_78] : memref<5120x128xf32, #tpu.memory_space<vmem_shared>> -> memref<80x128xf32, #tpu.memory_space<vmem_shared>>
    %dma_wait3A_80 = arith.constant 0 : i32
    %dma_wait3A_81 = arith.constant 0 : i32
    %dma_wait3A_82 = tpu.memref_slice %arg8[%dma_wait3A_80, %dma_wait3A_81] : memref<128x128xf32, #tpu.memory_space<vmem>> -> memref<80x128xf32, #tpu.memory_space<vmem>>
    tpu.wait_dma2 semaphore(%arg27 : memref<!tpu.dma_semaphore, #tpu.memory_space<semaphore_mem>>) src(%dma_wait3A_82 : memref<80x128xf32, #tpu.memory_space<vmem>>) dst(%dma_wait3A_79 : memref<80x128xf32, #tpu.memory_space<vmem_shared>>)
    %dma_wait3A_83 = arith.constant 0 : i32
    %dma_wait3A_84 = arith.constant 0 : i32
    %dma_wait3A_85 = tpu.memref_slice %arg8[%dma_wait3A_83, %dma_wait3A_84] : memref<128x128xf32, #tpu.memory_space<vmem>> -> memref<80x128xf32, #tpu.memory_space<vmem>>
    %dma_wait3A_86 = arith.constant 0 : i32
    %dma_wait3A_87 = tpu.memref_slice %arg22[%add3A_35, %dma_wait3A_86] : memref<5120x128xf32, #tpu.memory_space<vmem_shared>> -> memref<80x128xf32, #tpu.memory_space<vmem_shared>>
    %dma_wait3A_88 = arith.constant 0 : i32
    %dma_wait3A_89 = tpu.memref_slice %arg22[%add3A_35, %dma_wait3A_88] : memref<5120x128xf32, #tpu.memory_space<vmem_shared>> -> memref<80x128xf32, #tpu.memory_space<vmem_shared>>
    %dma_wait3A_90 = arith.constant 0 : i32
    %dma_wait3A_91 = arith.constant 0 : i32
    %dma_wait3A_92 = tpu.memref_slice %arg8[%dma_wait3A_90, %dma_wait3A_91] : memref<128x128xf32, #tpu.memory_space<vmem>> -> memref<80x128xf32, #tpu.memory_space<vmem>>
    tpu.wait_dma2 semaphore(%arg27 : memref<!tpu.dma_semaphore, #tpu.memory_space<semaphore_mem>>) src(%dma_wait3A_92 : memref<80x128xf32, #tpu.memory_space<vmem>>) dst(%dma_wait3A_89 : memref<80x128xf32, #tpu.memory_space<vmem_shared>>)
    %dma_wait3A_93 = arith.constant 0 : i32
    %dma_wait3A_94 = arith.constant 0 : i32
    %dma_wait3A_95 = tpu.memref_slice %arg8[%dma_wait3A_93, %dma_wait3A_94] : memref<128x128xf32, #tpu.memory_space<vmem>> -> memref<80x128xf32, #tpu.memory_space<vmem>>
    %dma_wait3A_96 = arith.constant 0 : i32
    %dma_wait3A_97 = tpu.memref_slice %arg22[%add3A_47, %dma_wait3A_96] : memref<5120x128xf32, #tpu.memory_space<vmem_shared>> -> memref<80x128xf32, #tpu.memory_space<vmem_shared>>
    %dma_wait3A_98 = arith.constant 0 : i32
    %dma_wait3A_99 = tpu.memref_slice %arg22[%add3A_47, %dma_wait3A_98] : memref<5120x128xf32, #tpu.memory_space<vmem_shared>> -> memref<80x128xf32, #tpu.memory_space<vmem_shared>>
    %dma_wait3A_100 = arith.constant 0 : i32
    %dma_wait3A_101 = arith.constant 0 : i32
    %dma_wait3A_102 = tpu.memref_slice %arg8[%dma_wait3A_100, %dma_wait3A_101] : memref<128x128xf32, #tpu.memory_space<vmem>> -> memref<80x128xf32, #tpu.memory_space<vmem>>
    tpu.wait_dma2 semaphore(%arg27 : memref<!tpu.dma_semaphore, #tpu.memory_space<semaphore_mem>>) src(%dma_wait3A_102 : memref<80x128xf32, #tpu.memory_space<vmem>>) dst(%dma_wait3A_99 : memref<80x128xf32, #tpu.memory_space<vmem_shared>>)
    %dma_wait3A_103 = arith.constant 0 : i32
    %dma_wait3A_104 = arith.constant 0 : i32
    %dma_wait3A_105 = tpu.memref_slice %arg8[%dma_wait3A_103, %dma_wait3A_104] : memref<128x128xf32, #tpu.memory_space<vmem>> -> memref<80x128xf32, #tpu.memory_space<vmem>>
    %dma_wait3A_106 = arith.constant 0 : i32
    %dma_wait3A_107 = tpu.memref_slice %arg22[%add3A_59, %dma_wait3A_106] : memref<5120x128xf32, #tpu.memory_space<vmem_shared>> -> memref<80x128xf32, #tpu.memory_space<vmem_shared>>
    %dma_wait3A_108 = arith.constant 0 : i32
    %dma_wait3A_109 = tpu.memref_slice %arg22[%add3A_59, %dma_wait3A_108] : memref<5120x128xf32, #tpu.memory_space<vmem_shared>> -> memref<80x128xf32, #tpu.memory_space<vmem_shared>>
    %dma_wait3A_110 = arith.constant 0 : i32
    %dma_wait3A_111 = arith.constant 0 : i32
    %dma_wait3A_112 = tpu.memref_slice %arg8[%dma_wait3A_110, %dma_wait3A_111] : memref<128x128xf32, #tpu.memory_space<vmem>> -> memref<80x128xf32, #tpu.memory_space<vmem>>
    tpu.wait_dma2 semaphore(%arg27 : memref<!tpu.dma_semaphore, #tpu.memory_space<semaphore_mem>>) src(%dma_wait3A_112 : memref<80x128xf32, #tpu.memory_space<vmem>>) dst(%dma_wait3A_109 : memref<80x128xf32, #tpu.memory_space<vmem_shared>>)
    %dma_wait3A_113 = tpu.memref_slice %arg23[%mul3A_23] : memref<5120xf32, #tpu.memory_space<vmem_shared>> -> memref<320xf32, #tpu.memory_space<vmem_shared>>
    %dma_wait3A_114 = tpu.memref_slice %arg23[%mul3A_23] : memref<5120xf32, #tpu.memory_space<vmem_shared>> -> memref<320xf32, #tpu.memory_space<vmem_shared>>
    tpu.wait_dma2 semaphore(%arg27 : memref<!tpu.dma_semaphore, #tpu.memory_space<semaphore_mem>>) src(%arg20 : memref<320xf32, #tpu.memory_space<vmem>>) dst(%dma_wait3A_114 : memref<320xf32, #tpu.memory_space<vmem_shared>>)
    %dma_wait3A_115 = tpu.memref_slice %arg24[%mul3A_23] : memref<5120xf32, #tpu.memory_space<vmem_shared>> -> memref<320xf32, #tpu.memory_space<vmem_shared>>
    %dma_wait3A_116 = tpu.memref_slice %arg24[%mul3A_23] : memref<5120xf32, #tpu.memory_space<vmem_shared>> -> memref<320xf32, #tpu.memory_space<vmem_shared>>
    tpu.wait_dma2 semaphore(%arg27 : memref<!tpu.dma_semaphore, #tpu.memory_space<semaphore_mem>>) src(%arg20 : memref<320xf32, #tpu.memory_space<vmem>>) dst(%dma_wait3A_116 : memref<320xf32, #tpu.memory_space<vmem_shared>>)
    %barrier3A = arith.constant 0 : index
    tpu.barrier barrier_id(%barrier3A)
    %mul3A_117 = arith.constant 10000 : i32
    %mul3A_118 = arith.muli %arg1, %mul3A_117 : i32
    %dma_start3A_119 = tpu.memref_slice %arg2[%mul3A_118] : memref<320128xi32, #tpu.memory_space<hbm>> -> memref<10128xi32, #tpu.memory_space<hbm>>
    %dma_start3A_120 = tpu.memref_slice %arg2[%mul3A_118] : memref<320128xi32, #tpu.memory_space<hbm>> -> memref<10128xi32, #tpu.memory_space<hbm>>
    tpu.enqueue_dma source(%dma_start3A_120 : memref<10128xi32, #tpu.memory_space<hbm>>) target(%arg18 : memref<10128xi32, #tpu.memory_space<vmem>>) target_semaphore(%arg27 : memref<!tpu.dma_semaphore, #tpu.memory_space<semaphore_mem>>)
    %dma_start3A_121 = tpu.memref_slice %arg4[%mul3A_118] : memref<320000xf32, #tpu.memory_space<hbm>> -> memref<10000xf32, #tpu.memory_space<hbm>>
    %dma_start3A_122 = tpu.memref_slice %arg4[%mul3A_118] : memref<320000xf32, #tpu.memory_space<hbm>> -> memref<10000xf32, #tpu.memory_space<hbm>>
    tpu.enqueue_dma source(%dma_start3A_122 : memref<10000xf32, #tpu.memory_space<hbm>>) target(%arg19 : memref<10000xf32, #tpu.memory_space<vmem>>) target_semaphore(%arg27 : memref<!tpu.dma_semaphore, #tpu.memory_space<semaphore_mem>>)
    %dma_wait3A_123 = tpu.memref_slice %arg2[%mul3A_118] : memref<320128xi32, #tpu.memory_space<hbm>> -> memref<10128xi32, #tpu.memory_space<hbm>>
    %dma_wait3A_124 = tpu.memref_slice %arg2[%mul3A_118] : memref<320128xi32, #tpu.memory_space<hbm>> -> memref<10128xi32, #tpu.memory_space<hbm>>
    tpu.wait_dma2 semaphore(%arg27 : memref<!tpu.dma_semaphore, #tpu.memory_space<semaphore_mem>>) src(%dma_wait3A_124 : memref<10128xi32, #tpu.memory_space<hbm>>) dst(%arg18 : memref<10128xi32, #tpu.memory_space<vmem>>)
    %dma_wait3A_125 = tpu.memref_slice %arg4[%mul3A_118] : memref<320000xf32, #tpu.memory_space<hbm>> -> memref<10000xf32, #tpu.memory_space<hbm>>
    %dma_wait3A_126 = tpu.memref_slice %arg4[%mul3A_118] : memref<320000xf32, #tpu.memory_space<hbm>> -> memref<10000xf32, #tpu.memory_space<hbm>>
    tpu.wait_dma2 semaphore(%arg27 : memref<!tpu.dma_semaphore, #tpu.memory_space<semaphore_mem>>) src(%dma_wait3A_126 : memref<10000xf32, #tpu.memory_space<hbm>>) dst(%arg19 : memref<10000xf32, #tpu.memory_space<vmem>>)
    %scan3A_127 = arith.constant 79 : i32
    %scan3A_128 = arith.constant 0 : i32
    %scan3A_129 = arith.constant 0 : i32
    %scan3A_130 = arith.constant 5 : i32
    %scan3A_131 = arith.addi %scan3A_129, %scan3A_130 : i32
    %scan3A_132 = arith.constant 1 : i32
    %scan3A_133:2 = scf.for %scan3A_539 = %scan3A_129 to %scan3A_131 step %scan3A_132 iter_args(%scan3A_540 = %scan3A_127, %scan3A_541 = %scan3A_128) -> (i32, i32)  : i32 {
      %mul3A_542 = arith.constant 16 : i32
      %mul3A_543 = arith.muli %scan3A_539, %mul3A_542 : i32
      %add3A_544 = vector.broadcast %mul3A_543 : i32 to vector<16xi32>
      %add3A_545 = arith.addi %add3A_544, %iota3A : vector<16xi32>
      %mul3A_546 = arith.constant 128 : i32
      %mul3A_547 = vector.broadcast %mul3A_546 : i32 to vector<16xi32>
      %mul3A_548 = arith.muli %add3A_545, %mul3A_547 : vector<16xi32>
      %min3A_549 = arith.constant 9872 : i32
      %min3A_550 = vector.broadcast %min3A_549 : i32 to vector<16xi32>
      %min3A_551 = arith.minsi %mul3A_548, %min3A_550 : vector<16xi32>
      %gather3A = tpu.vector_load_idx %arg18[%min3A_551] : memref<10128xi32, #tpu.memory_space<vmem>>[vector<16xi32>], vector<16xi32>,
      %add3A_552 = arith.constant 128 : i32
      %add3A_553 = vector.broadcast %add3A_552 : i32 to vector<16xi32>
      %add3A_554 = arith.addi %min3A_551, %add3A_553 : vector<16xi32>
      %sub3A_555 = arith.constant 1 : i32
      %sub3A_556 = vector.broadcast %sub3A_555 : i32 to vector<16xi32>
      %sub3A_557 = arith.subi %add3A_554, %sub3A_556 : vector<16xi32>
      %gather3A_558 = tpu.vector_load_idx %arg18[%sub3A_557] : memref<10128xi32, #tpu.memory_space<vmem>>[vector<16xi32>], vector<16xi32>,
      %add3A_559 = arith.constant 5000 : i32
      %add3A_560 = arith.addi %mul3A_0, %add3A_559 : i32
      %lt3A = vector.broadcast %add3A_560 : i32 to vector<16xi32>
      %lt3A_561 = arith.cmpi slt, %gather3A, %lt3A : vector<16xi32>
      %ge3A = vector.broadcast %mul3A_0 : i32 to vector<16xi32>
      %ge3A_562 = arith.cmpi sge, %gather3A_558, %ge3A : vector<16xi32>
      %and3A_563 = arith.andi %lt3A_561, %ge3A_562 : vector<16xi1>
      %lt3A_564 = arith.constant 79 : i32
      %lt3A_565 = vector.broadcast %lt3A_564 : i32 to vector<16xi32>
      %lt3A_566 = arith.cmpi slt, %add3A_545, %lt3A_565 : vector<16xi32>
      %and3A_567 = arith.andi %and3A_563, %lt3A_566 : vector<16xi1>
      %jit3A_568 = arith.constant 79 : i32
      %broadcast_in_dim3A_569 = vector.broadcast %jit3A_568 : i32 to vector<16xi32>
      %select_n3A_570 = arith.select %and3A_567, %add3A_545, %broadcast_in_dim3A_569 : vector<16xi1>, vector<16xi32>
      %reduce_min3A = arith.constant true
      %reduce_min3A_571 = vector.broadcast %reduce_min3A : i1 to vector<16xi1>
      %reduce_min3A_572 = arith.constant -2147483648 : i32
      %reduce_min3A_573 = vector.broadcast %reduce_min3A_572 : i32 to vector<16xi32>
      %reduce_min3A_574 = arith.xori %select_n3A_570, %reduce_min3A_573 : vector<16xi32>
      %reduce_min3A_575 = tpu.scan <min>, %reduce_min3A_574 masked %reduce_min3A_571 : vector<16xi32>, vector<16xi1> -> vector<16xi32>
      %reduce_min3A_576 = arith.xori %reduce_min3A_575, %reduce_min3A_573 : vector<16xi32>
      %reduce_min3A_577 = vector.extract %reduce_min3A_576[15] : i32 from vector<16xi32>
      %add3A_578 = arith.constant 1 : i32
      %add3A_579 = vector.broadcast %add3A_578 : i32 to vector<16xi32>
      %add3A_580 = arith.addi %add3A_545, %add3A_579 : vector<16xi32>
      %jit3A_581 = arith.constant 0 : i32
      %broadcast_in_dim3A_582 = vector.broadcast %jit3A_581 : i32 to vector<16xi32>
      %select_n3A_583 = arith.select %and3A_567, %add3A_580, %broadcast_in_dim3A_582 : vector<16xi1>, vector<16xi32>
      %reduce_max3A = arith.constant true
      %reduce_max3A_584 = vector.broadcast %reduce_max3A : i1 to vector<16xi1>
      %reduce_max3A_585 = arith.constant -2147483648 : i32
      %reduce_max3A_586 = vector.broadcast %reduce_max3A_585 : i32 to vector<16xi32>
      %reduce_max3A_587 = arith.xori %select_n3A_583, %reduce_max3A_586 : vector<16xi32>
      %reduce_max3A_588 = tpu.scan <max>, %reduce_max3A_587 masked %reduce_max3A_584 : vector<16xi32>, vector<16xi1> -> vector<16xi32>
      %reduce_max3A_589 = arith.xori %reduce_max3A_588, %reduce_max3A_586 : vector<16xi32>
      %reduce_max3A_590 = vector.extract %reduce_max3A_589[15] : i32 from vector<16xi32>
      %min3A_591 = arith.minsi %scan3A_540, %reduce_min3A_577 : i32
      %max3A_592 = arith.maxsi %scan3A_541, %reduce_max3A_590 : i32
      scf.yield %min3A_591, %max3A_592 : i32, i32
    }
    %scan3A_134 = arith.constant 5 : i32
    %sub3A = arith.subi %scan3A_133#1, %scan3A_133#0 : i32
    %max3A = arith.constant 0 : i32
    %max3A_135 = arith.maxsi %sub3A, %max3A : i32
    %add3A_136 = arith.constant 2 : i32
    %add3A_137 = arith.addi %max3A_135, %add3A_136 : i32
    %jit3A = arith.constant 3 : i32
    %div3A = arith.divsi %add3A_137, %jit3A : i32
    %sign3A = arith.constant 0 : i32
    %sign3A_138 = arith.cmpi sgt, %add3A_137, %sign3A : i32
    %sign3A_139 = arith.extui %sign3A_138 : i1 to i32
    %sign3A_140 = arith.constant 0 : i32
    %sign3A_141 = arith.cmpi slt, %add3A_137, %sign3A_140 : i32
    %sign3A_142 = arith.extui %sign3A_141 : i1 to i32
    %sign3A_143 = arith.subi %sign3A_139, %sign3A_142 : i32
    %sign3A_144 = arith.constant 0 : i32
    %sign3A_145 = arith.cmpi sgt, %jit3A, %sign3A_144 : i32
    %sign3A_146 = arith.extui %sign3A_145 : i1 to i32
    %sign3A_147 = arith.constant 0 : i32
    %sign3A_148 = arith.cmpi slt, %jit3A, %sign3A_147 : i32
    %sign3A_149 = arith.extui %sign3A_148 : i1 to i32
    %sign3A_150 = arith.subi %sign3A_146, %sign3A_149 : i32
    %ne3A = arith.cmpi ne, %sign3A_143, %sign3A_150 : i32
    %rem3A = arith.remsi %add3A_137, %jit3A : i32
    %ne3A_151 = arith.constant 0 : i32
    %ne3A_152 = arith.cmpi ne, %rem3A, %ne3A_151 : i32
    %and3A = arith.andi %ne3A, %ne3A_152 : i1
    %sub3A_153 = arith.constant 1 : i32
    %sub3A_154 = arith.subi %div3A, %sub3A_153 : i32
    %select_n3A = arith.select %and3A, %sub3A_154, %div3A : i32
    %min3A = arith.constant 78 : i32
    %min3A_155 = arith.minsi %scan3A_133#0, %min3A : i32
    %mul3A_156 = arith.constant 128 : i32
    %mul3A_157 = arith.muli %min3A_155, %mul3A_156 : i32
    %min3A_158 = arith.constant 9872 : i32
    %min3A_159 = arith.minsi %mul3A_157, %min3A_158 : i32
    %add3A_160 = arith.addi %mul3A_118, %min3A_159 : i32
    %dma_start3A_161 = arith.constant 0 : i32
    %dma_start3A_162 = tpu.memref_slice %arg3[%add3A_160, %dma_start3A_161] : memref<320000x128xf32, #tpu.memory_space<hbm>> -> memref<128x128xf32, #tpu.memory_space<hbm>>
    %dma_start3A_163 = arith.constant 0 : i32
    %dma_start3A_164 = tpu.memref_slice %arg3[%add3A_160, %dma_start3A_163] : memref<320000x128xf32, #tpu.memory_space<hbm>> -> memref<128x128xf32, #tpu.memory_space<hbm>>
    tpu.enqueue_dma source(%dma_start3A_164 : memref<128x128xf32, #tpu.memory_space<hbm>>) target(%arg8 : memref<128x128xf32, #tpu.memory_space<vmem>>) target_semaphore(%arg25 : memref<!tpu.dma_semaphore, #tpu.memory_space<semaphore_mem>>)
    %add3A_165 = arith.constant 1 : i32
    %add3A_166 = arith.addi %scan3A_133#0, %add3A_165 : i32
    %min3A_167 = arith.constant 78 : i32
    %min3A_168 = arith.minsi %add3A_166, %min3A_167 : i32
    %mul3A_169 = arith.constant 128 : i32
    %mul3A_170 = arith.muli %min3A_168, %mul3A_169 : i32
    %min3A_171 = arith.constant 9872 : i32
    %min3A_172 = arith.minsi %mul3A_170, %min3A_171 : i32
    %add3A_173 = arith.addi %mul3A_118, %min3A_172 : i32
    %dma_start3A_174 = arith.constant 0 : i32
    %dma_start3A_175 = tpu.memref_slice %arg3[%add3A_173, %dma_start3A_174] : memref<320000x128xf32, #tpu.memory_space<hbm>> -> memref<128x128xf32, #tpu.memory_space<hbm>>
    %dma_start3A_176 = arith.constant 0 : i32
    %dma_start3A_177 = tpu.memref_slice %arg3[%add3A_173, %dma_start3A_176] : memref<320000x128xf32, #tpu.memory_space<hbm>> -> memref<128x128xf32, #tpu.memory_space<hbm>>
    tpu.enqueue_dma source(%dma_start3A_177 : memref<128x128xf32, #tpu.memory_space<hbm>>) target(%arg9 : memref<128x128xf32, #tpu.memory_space<vmem>>) target_semaphore(%arg25 : memref<!tpu.dma_semaphore, #tpu.memory_space<semaphore_mem>>)
    %add3A_178 = arith.constant 2 : i32
    %add3A_179 = arith.addi %scan3A_133#0, %add3A_178 : i32
    %min3A_180 = arith.constant 78 : i32
    %min3A_181 = arith.minsi %add3A_179, %min3A_180 : i32
    %mul3A_182 = arith.constant 128 : i32
    %mul3A_183 = arith.muli %min3A_181, %mul3A_182 : i32
    %min3A_184 = arith.constant 9872 : i32
    %min3A_185 = arith.minsi %mul3A_183, %min3A_184 : i32
    %add3A_186 = arith.addi %mul3A_118, %min3A_185 : i32
    %dma_start3A_187 = arith.constant 0 : i32
    %dma_start3A_188 = tpu.memref_slice %arg3[%add3A_186, %dma_start3A_187] : memref<320000x128xf32, #tpu.memory_space<hbm>> -> memref<128x128xf32, #tpu.memory_space<hbm>>
    %dma_start3A_189 = arith.constant 0 : i32
    %dma_start3A_190 = tpu.memref_slice %arg3[%add3A_186, %dma_start3A_189] : memref<320000x128xf32, #tpu.memory_space<hbm>> -> memref<128x128xf32, #tpu.memory_space<hbm>>
    tpu.enqueue_dma source(%dma_start3A_190 : memref<128x128xf32, #tpu.memory_space<hbm>>) target(%arg10 : memref<128x128xf32, #tpu.memory_space<vmem>>) target_semaphore(%arg25 : memref<!tpu.dma_semaphore, #tpu.memory_space<semaphore_mem>>)
    %while3A = arith.constant 0 : i32
    %while3A_191 = arith.constant 0 : i32
    %while3A_192 = arith.subi %select_n3A, %while3A : i32
    %while3A_193 = arith.addi %while3A, %while3A_192 : i32
    %while3A_194 = arith.constant 1 : i32
    %while3A_195 = arith.divsi %while3A_192, %while3A_194 : i32
    %while3A_196 = arith.muli %while3A_195, %while3A_194 : i32
    %while3A_197 = arith.addi %while3A, %while3A_196 : i32
    %while3A_198 = arith.constant 1 : i32
    %while3A_199 = scf.for %while3A_539 = %while3A to %while3A_197 step %while3A_198 iter_args(%while3A_540 = %while3A_191) -> (i32)  : i32 {
      %mul3A_541 = arith.constant 3 : i32
      %mul3A_542 = arith.muli %mul3A_541, %while3A_539 : i32
      %add3A_543 = arith.addi %scan3A_133#0, %mul3A_542 : i32
      %dma_wait3A_544 = arith.constant 0 : i32
      %dma_wait3A_545 = tpu.memref_slice %arg3[%add3A_160, %dma_wait3A_544] : memref<320000x128xf32, #tpu.memory_space<hbm>> -> memref<128x128xf32, #tpu.memory_space<hbm>>
      %dma_wait3A_546 = arith.constant 0 : i32
      %dma_wait3A_547 = tpu.memref_slice %arg3[%add3A_160, %dma_wait3A_546] : memref<320000x128xf32, #tpu.memory_space<hbm>> -> memref<128x128xf32, #tpu.memory_space<hbm>>
      tpu.wait_dma2 semaphore(%arg25 : memref<!tpu.dma_semaphore, #tpu.memory_space<semaphore_mem>>) src(%dma_wait3A_547 : memref<128x128xf32, #tpu.memory_space<hbm>>) dst(%arg8 : memref<128x128xf32, #tpu.memory_space<vmem>>)
      %mul3A_548 = arith.constant 128 : i32
      %mul3A_549 = arith.muli %add3A_543, %mul3A_548 : i32
      %min3A_550 = arith.constant 9872 : i32
      %min3A_551 = arith.minsi %mul3A_549, %min3A_550 : i32
      %lt3A = arith.cmpi slt, %add3A_543, %scan3A_133#1 : i32
      %scan3A_552 = arith.constant 0 : i32
      %scan3A_553 = arith.constant 0 : i32
      %scan3A_554 = arith.constant 8 : i32
      %scan3A_555 = arith.addi %scan3A_553, %scan3A_554 : i32
      %scan3A_556 = arith.constant 1 : i32
      %scan3A_557 = scf.for %scan3A_677 = %scan3A_553 to %scan3A_555 step %scan3A_556 iter_args(%scan3A_678 = %scan3A_552) -> (i32)  : i32 {
        %mul3A_679 = arith.constant 16 : i32
        %mul3A_680 = arith.muli %scan3A_677, %mul3A_679 : i32
        %add3A_681 = arith.addi %min3A_551, %mul3A_680 : i32
        %add3A_682 = vector.broadcast %add3A_681 : i32 to vector<16xi32>
        %add3A_683 = arith.addi %add3A_682, %iota3A : vector<16xi32>
        %get3A = arith.index_cast %add3A_681 : i32 to index
        %get3A_684 = tpu.vector_load %arg18[%get3A] {strides = array<i32>} : memref<10128xi32, #tpu.memory_space<vmem>>, vector<16xi32>,
        %add3A_685 = arith.constant 128 : i32
        %add3A_686 = vector.broadcast %add3A_685 : i32 to vector<16xi32>
        %add3A_687 = arith.addi %add3A_683, %add3A_686 : vector<16xi32>
        %gather3A = tpu.vector_load_idx %arg18[%add3A_687] : memref<10128xi32, #tpu.memory_space<vmem>>[vector<16xi32>], vector<16xi32>,
        %add3A_688 = arith.constant 1 : i32
        %add3A_689 = vector.broadcast %add3A_688 : i32 to vector<16xi32>
        %add3A_690 = arith.addi %add3A_683, %add3A_689 : vector<16xi32>
        %gather3A_691 = tpu.vector_load_idx %arg18[%add3A_690] : memref<10128xi32, #tpu.memory_space<vmem>>[vector<16xi32>], vector<16xi32>,
        %sub3A_692 = vector.broadcast %mul3A_0 : i32 to vector<16xi32>
        %sub3A_693 = arith.subi %get3A_684, %sub3A_692 : vector<16xi32>
        %mul3A_694 = arith.constant 128 : i32
        %mul3A_695 = arith.muli %add3A_543, %mul3A_694 : i32
        %ge3A = vector.broadcast %mul3A_695 : i32 to vector<16xi32>
        %ge3A_696 = arith.cmpi sge, %add3A_683, %ge3A : vector<16xi32>
        %and3A_697 = vector.broadcast %lt3A : i1 to vector<16xi1>
        %and3A_698 = arith.andi %ge3A_696, %and3A_697 : vector<16xi1>
        %ne3A_699 = arith.cmpi ne, %gather3A, %get3A_684 : vector<16xi32>
        %ge3A_700 = arith.constant 0 : i32
        %ge3A_701 = vector.broadcast %ge3A_700 : i32 to vector<16xi32>
        %ge3A_702 = arith.cmpi sge, %sub3A_693, %ge3A_701 : vector<16xi32>
        %and3A_703 = arith.andi %ne3A_699, %ge3A_702 : vector<16xi1>
        %lt3A_704 = arith.constant 5000 : i32
        %lt3A_705 = vector.broadcast %lt3A_704 : i32 to vector<16xi32>
        %lt3A_706 = arith.cmpi slt, %sub3A_693, %lt3A_705 : vector<16xi32>
        %and3A_707 = arith.andi %and3A_703, %lt3A_706 : vector<16xi1>
        %and3A_708 = arith.andi %and3A_707, %and3A_698 : vector<16xi1>
        %ne3A_709 = arith.cmpi ne, %gather3A_691, %get3A_684 : vector<16xi32>
        %and3A_710 = arith.andi %ne3A_709, %and3A_698 : vector<16xi1>
        %jit3A_711 = arith.constant 5008 : i32
        %broadcast_in_dim3A_712 = vector.broadcast %jit3A_711 : i32 to vector<16xi32>
        %select_n3A_713 = arith.select %and3A_708, %sub3A_693, %broadcast_in_dim3A_712 : vector<16xi1>, vector<16xi32>
        %mul3A_714 = arith.constant 16 : i32
        %mul3A_715 = arith.muli %scan3A_677, %mul3A_714 : i32
        %swap3A = arith.index_cast %mul3A_715 : i32 to index
        %swap3A_716 = tpu.vector_load %arg11[%swap3A] {strides = array<i32>} : memref<128xi32, #tpu.memory_space<vmem>>, vector<16xi32>,
        tpu.vector_store %arg11[%swap3A], %select_n3A_713 {strides = array<i32>} : memref<128xi32, #tpu.memory_space<vmem>>, vector<16xi32>,
        %get3A_717 = arith.index_cast %add3A_681 : i32 to index
        %get3A_718 = tpu.vector_load %arg19[%get3A_717] {strides = array<i32>} : memref<10000xf32, #tpu.memory_space<vmem>>, vector<16xf32>,
        %jit3A_719 = arith.constant 0.000000e+00 : f32
        %broadcast_in_dim3A_720 = vector.broadcast %jit3A_719 : f32 to vector<16xf32>
        %select_n3A_721 = arith.select %and3A_710, %get3A_718, %broadcast_in_dim3A_720 : vector<16xi1>, vector<16xf32>
        %mul3A_722 = arith.constant 16 : i32
        %mul3A_723 = arith.muli %scan3A_677, %mul3A_722 : i32
        %swap3A_724 = arith.index_cast %mul3A_723 : i32 to index
        %swap3A_725 = tpu.vector_load %arg14[%swap3A_724] {strides = array<i32>} : memref<128xf32, #tpu.memory_space<vmem>>, vector<16xf32>,
        tpu.vector_store %arg14[%swap3A_724], %select_n3A_721 {strides = array<i32>} : memref<128xf32, #tpu.memory_space<vmem>>, vector<16xf32>,
        %scan3A_726 = arith.constant 0 : i32
        scf.yield %scan3A_726 : i32
      }
      %scan3A_558 = arith.constant 8 : i32
      %dma_start3A_559 = arith.constant 0 : i32
      %dma_start3A_560 = arith.constant 0 : i32
      %dma_start3A_561 = tpu.memref_slice %arg22[%dma_start3A_559, %dma_start3A_560] : memref<5120x128xf32, #tpu.memory_space<vmem_shared>> -> memref<5120x128xf32, #tpu.memory_space<vmem_shared>>
      tpu.enqueue_indirect_dma source(%arg8 : memref<128x128xf32, #tpu.memory_space<vmem>>) target(%dma_start3A_561 : memref<5120x128xf32, #tpu.memory_space<vmem_shared>>) offsets(%arg11 : memref<128xi32, #tpu.memory_space<vmem>>) semaphore(%arg26 : memref<!tpu.dma_semaphore, #tpu.memory_space<semaphore_mem>>) {add = true}
      %dma_start3A_562 = arith.constant 0 : i32
      %dma_start3A_563 = tpu.memref_slice %arg23[%dma_start3A_562] : memref<5120xf32, #tpu.memory_space<vmem_shared>> -> memref<5120xf32, #tpu.memory_space<vmem_shared>>
      tpu.enqueue_indirect_dma source(%arg17 : memref<128xf32, #tpu.memory_space<vmem>>) target(%dma_start3A_563 : memref<5120xf32, #tpu.memory_space<vmem_shared>>) offsets(%arg11 : memref<128xi32, #tpu.memory_space<vmem>>) semaphore(%arg26 : memref<!tpu.dma_semaphore, #tpu.memory_space<semaphore_mem>>) {add = true}
      %dma_start3A_564 = arith.constant 0 : i32
      %dma_start3A_565 = tpu.memref_slice %arg24[%dma_start3A_564] : memref<5120xf32, #tpu.memory_space<vmem_shared>> -> memref<5120xf32, #tpu.memory_space<vmem_shared>>
      tpu.enqueue_indirect_dma source(%arg14 : memref<128xf32, #tpu.memory_space<vmem>>) target(%dma_start3A_565 : memref<5120xf32, #tpu.memory_space<vmem_shared>>) offsets(%arg11 : memref<128xi32, #tpu.memory_space<vmem>>) semaphore(%arg26 : memref<!tpu.dma_semaphore, #tpu.memory_space<semaphore_mem>>) {add = true}
      %dma_wait3A_566 = arith.constant 0 : i32
      %dma_wait3A_567 = tpu.memref_slice %arg3[%add3A_173, %dma_wait3A_566] : memref<320000x128xf32, #tpu.memory_space<hbm>> -> memref<128x128xf32, #tpu.memory_space<hbm>>
      %dma_wait3A_568 = arith.constant 0 : i32
      %dma_wait3A_569 = tpu.memref_slice %arg3[%add3A_173, %dma_wait3A_568] : memref<320000x128xf32, #tpu.memory_space<hbm>> -> memref<128x128xf32, #tpu.memory_space<hbm>>
      tpu.wait_dma2 semaphore(%arg25 : memref<!tpu.dma_semaphore, #tpu.memory_space<semaphore_mem>>) src(%dma_wait3A_569 : memref<128x128xf32, #tpu.memory_space<hbm>>) dst(%arg9 : memref<128x128xf32, #tpu.memory_space<vmem>>)
      %add3A_570 = arith.constant 1 : i32
      %add3A_571 = arith.addi %add3A_543, %add3A_570 : i32
      %mul3A_572 = arith.constant 128 : i32
      %mul3A_573 = arith.muli %add3A_571, %mul3A_572 : i32
      %min3A_574 = arith.constant 9872 : i32
      %min3A_575 = arith.minsi %mul3A_573, %min3A_574 : i32
      %lt3A_576 = arith.cmpi slt, %add3A_571, %scan3A_133#1 : i32
      %scan3A_577 = arith.constant 0 : i32
      %scan3A_578 = arith.constant 0 : i32
      %scan3A_579 = arith.constant 8 : i32
      %scan3A_580 = arith.addi %scan3A_578, %scan3A_579 : i32
      %scan3A_581 = arith.constant 1 : i32
      %scan3A_582 = scf.for %scan3A_677 = %scan3A_578 to %scan3A_580 step %scan3A_581 iter_args(%scan3A_678 = %scan3A_577) -> (i32)  : i32 {
        %mul3A_679 = arith.constant 16 : i32
        %mul3A_680 = arith.muli %scan3A_677, %mul3A_679 : i32
        %add3A_681 = arith.addi %min3A_575, %mul3A_680 : i32
        %add3A_682 = vector.broadcast %add3A_681 : i32 to vector<16xi32>
        %add3A_683 = arith.addi %add3A_682, %iota3A : vector<16xi32>
        %get3A = arith.index_cast %add3A_681 : i32 to index
        %get3A_684 = tpu.vector_load %arg18[%get3A] {strides = array<i32>} : memref<10128xi32, #tpu.memory_space<vmem>>, vector<16xi32>,
        %add3A_685 = arith.constant 128 : i32
        %add3A_686 = vector.broadcast %add3A_685 : i32 to vector<16xi32>
        %add3A_687 = arith.addi %add3A_683, %add3A_686 : vector<16xi32>
        %gather3A = tpu.vector_load_idx %arg18[%add3A_687] : memref<10128xi32, #tpu.memory_space<vmem>>[vector<16xi32>], vector<16xi32>,
        %add3A_688 = arith.constant 1 : i32
        %add3A_689 = vector.broadcast %add3A_688 : i32 to vector<16xi32>
        %add3A_690 = arith.addi %add3A_683, %add3A_689 : vector<16xi32>
        %gather3A_691 = tpu.vector_load_idx %arg18[%add3A_690] : memref<10128xi32, #tpu.memory_space<vmem>>[vector<16xi32>], vector<16xi32>,
        %sub3A_692 = vector.broadcast %mul3A_0 : i32 to vector<16xi32>
        %sub3A_693 = arith.subi %get3A_684, %sub3A_692 : vector<16xi32>
        %mul3A_694 = arith.constant 128 : i32
        %mul3A_695 = arith.muli %add3A_571, %mul3A_694 : i32
        %ge3A = vector.broadcast %mul3A_695 : i32 to vector<16xi32>
        %ge3A_696 = arith.cmpi sge, %add3A_683, %ge3A : vector<16xi32>
        %and3A_697 = vector.broadcast %lt3A_576 : i1 to vector<16xi1>
        %and3A_698 = arith.andi %ge3A_696, %and3A_697 : vector<16xi1>
        %ne3A_699 = arith.cmpi ne, %gather3A, %get3A_684 : vector<16xi32>
        %ge3A_700 = arith.constant 0 : i32
        %ge3A_701 = vector.broadcast %ge3A_700 : i32 to vector<16xi32>
        %ge3A_702 = arith.cmpi sge, %sub3A_693, %ge3A_701 : vector<16xi32>
        %and3A_703 = arith.andi %ne3A_699, %ge3A_702 : vector<16xi1>
        %lt3A_704 = arith.constant 5000 : i32
        %lt3A_705 = vector.broadcast %lt3A_704 : i32 to vector<16xi32>
        %lt3A_706 = arith.cmpi slt, %sub3A_693, %lt3A_705 : vector<16xi32>
        %and3A_707 = arith.andi %and3A_703, %lt3A_706 : vector<16xi1>
        %and3A_708 = arith.andi %and3A_707, %and3A_698 : vector<16xi1>
        %ne3A_709 = arith.cmpi ne, %gather3A_691, %get3A_684 : vector<16xi32>
        %and3A_710 = arith.andi %ne3A_709, %and3A_698 : vector<16xi1>
        %jit3A_711 = arith.constant 5008 : i32
        %broadcast_in_dim3A_712 = vector.broadcast %jit3A_711 : i32 to vector<16xi32>
        %select_n3A_713 = arith.select %and3A_708, %sub3A_693, %broadcast_in_dim3A_712 : vector<16xi1>, vector<16xi32>
        %mul3A_714 = arith.constant 16 : i32
        %mul3A_715 = arith.muli %scan3A_677, %mul3A_714 : i32
        %swap3A = arith.index_cast %mul3A_715 : i32 to index
        %swap3A_716 = tpu.vector_load %arg12[%swap3A] {strides = array<i32>} : memref<128xi32, #tpu.memory_space<vmem>>, vector<16xi32>,
        tpu.vector_store %arg12[%swap3A], %select_n3A_713 {strides = array<i32>} : memref<128xi32, #tpu.memory_space<vmem>>, vector<16xi32>,
        %get3A_717 = arith.index_cast %add3A_681 : i32 to index
        %get3A_718 = tpu.vector_load %arg19[%get3A_717] {strides = array<i32>} : memref<10000xf32, #tpu.memory_space<vmem>>, vector<16xf32>,
        %jit3A_719 = arith.constant 0.000000e+00 : f32
        %broadcast_in_dim3A_720 = vector.broadcast %jit3A_719 : f32 to vector<16xf32>
        %select_n3A_721 = arith.select %and3A_710, %get3A_718, %broadcast_in_dim3A_720 : vector<16xi1>, vector<16xf32>
        %mul3A_722 = arith.constant 16 : i32
        %mul3A_723 = arith.muli %scan3A_677, %mul3A_722 : i32
        %swap3A_724 = arith.index_cast %mul3A_723 : i32 to index
        %swap3A_725 = tpu.vector_load %arg15[%swap3A_724] {strides = array<i32>} : memref<128xf32, #tpu.memory_space<vmem>>, vector<16xf32>,
        tpu.vector_store %arg15[%swap3A_724], %select_n3A_721 {strides = array<i32>} : memref<128xf32, #tpu.memory_space<vmem>>, vector<16xf32>,
        %scan3A_726 = arith.constant 0 : i32
        scf.yield %scan3A_726 : i32
      }
      %scan3A_583 = arith.constant 8 : i32
      %dma_start3A_584 = arith.constant 0 : i32
      %dma_start3A_585 = arith.constant 0 : i32
      %dma_start3A_586 = tpu.memref_slice %arg22[%dma_start3A_584, %dma_start3A_585] : memref<5120x128xf32, #tpu.memory_space<vmem_shared>> -> memref<5120x128xf32, #tpu.memory_space<vmem_shared>>
      tpu.enqueue_indirect_dma source(%arg9 : memref<128x128xf32, #tpu.memory_space<vmem>>) target(%dma_start3A_586 : memref<5120x128xf32, #tpu.memory_space<vmem_shared>>) offsets(%arg12 : memref<128xi32, #tpu.memory_space<vmem>>) semaphore(%arg26 : memref<!tpu.dma_semaphore, #tpu.memory_space<semaphore_mem>>) {add = true}
      %dma_start3A_587 = arith.constant 0 : i32
      %dma_start3A_588 = tpu.memref_slice %arg23[%dma_start3A_587] : memref<5120xf32, #tpu.memory_space<vmem_shared>> -> memref<5120xf32, #tpu.memory_space<vmem_shared>>
      tpu.enqueue_indirect_dma source(%arg17 : memref<128xf32, #tpu.memory_space<vmem>>) target(%dma_start3A_588 : memref<5120xf32, #tpu.memory_space<vmem_shared>>) offsets(%arg12 : memref<128xi32, #tpu.memory_space<vmem>>) semaphore(%arg26 : memref<!tpu.dma_semaphore, #tpu.memory_space<semaphore_mem>>) {add = true}
      %dma_start3A_589 = arith.constant 0 : i32
      %dma_start3A_590 = tpu.memref_slice %arg24[%dma_start3A_589] : memref<5120xf32, #tpu.memory_space<vmem_shared>> -> memref<5120xf32, #tpu.memory_space<vmem_shared>>
      tpu.enqueue_indirect_dma source(%arg15 : memref<128xf32, #tpu.memory_space<vmem>>) target(%dma_start3A_590 : memref<5120xf32, #tpu.memory_space<vmem_shared>>) offsets(%arg12 : memref<128xi32, #tpu.memory_space<vmem>>) semaphore(%arg26 : memref<!tpu.dma_semaphore, #tpu.memory_space<semaphore_mem>>) {add = true}
      %dma_wait3A_591 = arith.constant 0 : i32
      %dma_wait3A_592 = arith.constant 0 : i32
      %dma_wait3A_593 = tpu.memref_slice %arg22[%dma_wait3A_591, %dma_wait3A_592] : memref<5120x128xf32, #tpu.memory_space<vmem_shared>> -> memref<5120x128xf32, #tpu.memory_space<vmem_shared>>
      tpu.wait_indirect_dma semaphore(%arg26 : memref<!tpu.dma_semaphore, #tpu.memory_space<semaphore_mem>>) src(%arg8 : memref<128x128xf32, #tpu.memory_space<vmem>>) dst(%dma_wait3A_593 : memref<5120x128xf32, #tpu.memory_space<vmem_shared>>)
      %dma_wait3A_594 = arith.constant 0 : i32
      %dma_wait3A_595 = tpu.memref_slice %arg23[%dma_wait3A_594] : memref<5120xf32, #tpu.memory_space<vmem_shared>> -> memref<5120xf32, #tpu.memory_space<vmem_shared>>
      tpu.wait_indirect_dma semaphore(%arg26 : memref<!tpu.dma_semaphore, #tpu.memory_space<semaphore_mem>>) src(%arg17 : memref<128xf32, #tpu.memory_space<vmem>>) dst(%dma_wait3A_595 : memref<5120xf32, #tpu.memory_space<vmem_shared>>)
      %dma_wait3A_596 = arith.constant 0 : i32
      %dma_wait3A_597 = tpu.memref_slice %arg24[%dma_wait3A_596] : memref<5120xf32, #tpu.memory_space<vmem_shared>> -> memref<5120xf32, #tpu.memory_space<vmem_shared>>
      tpu.wait_indirect_dma semaphore(%arg26 : memref<!tpu.dma_semaphore, #tpu.memory_space<semaphore_mem>>) src(%arg14 : memref<128xf32, #tpu.memory_space<vmem>>) dst(%dma_wait3A_597 : memref<5120xf32, #tpu.memory_space<vmem_shared>>)
      %add3A_598 = arith.constant 3 : i32
      %add3A_599 = arith.addi %add3A_543, %add3A_598 : i32
      %min3A_600 = arith.constant 78 : i32
      %min3A_601 = arith.minsi %add3A_599, %min3A_600 : i32
      %mul3A_602 = arith.constant 128 : i32
      %mul3A_603 = arith.muli %min3A_601, %mul3A_602 : i32
      %min3A_604 = arith.constant 9872 : i32
      %min3A_605 = arith.minsi %mul3A_603, %min3A_604 : i32
      %add3A_606 = arith.addi %mul3A_118, %min3A_605 : i32
      %dma_start3A_607 = arith.constant 0 : i32
      %dma_start3A_608 = tpu.memref_slice %arg3[%add3A_606, %dma_start3A_607] : memref<320000x128xf32, #tpu.memory_space<hbm>> -> memref<128x128xf32, #tpu.memory_space<hbm>>
      %dma_start3A_609 = arith.constant 0 : i32
      %dma_start3A_610 = tpu.memref_slice %arg3[%add3A_606, %dma_start3A_609] : memref<320000x128xf32, #tpu.memory_space<hbm>> -> memref<128x128xf32, #tpu.memory_space<hbm>>
      tpu.enqueue_dma source(%dma_start3A_610 : memref<128x128xf32, #tpu.memory_space<hbm>>) target(%arg8 : memref<128x128xf32, #tpu.memory_space<vmem>>) target_semaphore(%arg25 : memref<!tpu.dma_semaphore, #tpu.memory_space<semaphore_mem>>)
      %dma_wait3A_611 = arith.constant 0 : i32
      %dma_wait3A_612 = tpu.memref_slice %arg3[%add3A_186, %dma_wait3A_611] : memref<320000x128xf32, #tpu.memory_space<hbm>> -> memref<128x128xf32, #tpu.memory_space<hbm>>
      %dma_wait3A_613 = arith.constant 0 : i32
      %dma_wait3A_614 = tpu.memref_slice %arg3[%add3A_186, %dma_wait3A_613] : memref<320000x128xf32, #tpu.memory_space<hbm>> -> memref<128x128xf32, #tpu.memory_space<hbm>>
      tpu.wait_dma2 semaphore(%arg25 : memref<!tpu.dma_semaphore, #tpu.memory_space<semaphore_mem>>) src(%dma_wait3A_614 : memref<128x128xf32, #tpu.memory_space<hbm>>) dst(%arg10 : memref<128x128xf32, #tpu.memory_space<vmem>>)
      %add3A_615 = arith.constant 2 : i32
      %add3A_616 = arith.addi %add3A_543, %add3A_615 : i32
      %mul3A_617 = arith.constant 128 : i32
      %mul3A_618 = arith.muli %add3A_616, %mul3A_617 : i32
      %min3A_619 = arith.constant 9872 : i32
      %min3A_620 = arith.minsi %mul3A_618, %min3A_619 : i32
      %lt3A_621 = arith.cmpi slt, %add3A_616, %scan3A_133#1 : i32
      %scan3A_622 = arith.constant 0 : i32
      %scan3A_623 = arith.constant 0 : i32
      %scan3A_624 = arith.constant 8 : i32
      %scan3A_625 = arith.addi %scan3A_623, %scan3A_624 : i32
      %scan3A_626 = arith.constant 1 : i32
      %scan3A_627 = scf.for %scan3A_677 = %scan3A_623 to %scan3A_625 step %scan3A_626 iter_args(%scan3A_678 = %scan3A_622) -> (i32)  : i32 {
        %mul3A_679 = arith.constant 16 : i32
        %mul3A_680 = arith.muli %scan3A_677, %mul3A_679 : i32
        %add3A_681 = arith.addi %min3A_620, %mul3A_680 : i32
        %add3A_682 = vector.broadcast %add3A_681 : i32 to vector<16xi32>
        %add3A_683 = arith.addi %add3A_682, %iota3A : vector<16xi32>
        %get3A = arith.index_cast %add3A_681 : i32 to index
        %get3A_684 = tpu.vector_load %arg18[%get3A] {strides = array<i32>} : memref<10128xi32, #tpu.memory_space<vmem>>, vector<16xi32>,
        %add3A_685 = arith.constant 128 : i32
        %add3A_686 = vector.broadcast %add3A_685 : i32 to vector<16xi32>
        %add3A_687 = arith.addi %add3A_683, %add3A_686 : vector<16xi32>
        %gather3A = tpu.vector_load_idx %arg18[%add3A_687] : memref<10128xi32, #tpu.memory_space<vmem>>[vector<16xi32>], vector<16xi32>,
        %add3A_688 = arith.constant 1 : i32
        %add3A_689 = vector.broadcast %add3A_688 : i32 to vector<16xi32>
        %add3A_690 = arith.addi %add3A_683, %add3A_689 : vector<16xi32>
        %gather3A_691 = tpu.vector_load_idx %arg18[%add3A_690] : memref<10128xi32, #tpu.memory_space<vmem>>[vector<16xi32>], vector<16xi32>,
        %sub3A_692 = vector.broadcast %mul3A_0 : i32 to vector<16xi32>
        %sub3A_693 = arith.subi %get3A_684, %sub3A_692 : vector<16xi32>
        %mul3A_694 = arith.constant 128 : i32
        %mul3A_695 = arith.muli %add3A_616, %mul3A_694 : i32
        %ge3A = vector.broadcast %mul3A_695 : i32 to vector<16xi32>
        %ge3A_696 = arith.cmpi sge, %add3A_683, %ge3A : vector<16xi32>
        %and3A_697 = vector.broadcast %lt3A_621 : i1 to vector<16xi1>
        %and3A_698 = arith.andi %ge3A_696, %and3A_697 : vector<16xi1>
        %ne3A_699 = arith.cmpi ne, %gather3A, %get3A_684 : vector<16xi32>
        %ge3A_700 = arith.constant 0 : i32
        %ge3A_701 = vector.broadcast %ge3A_700 : i32 to vector<16xi32>
        %ge3A_702 = arith.cmpi sge, %sub3A_693, %ge3A_701 : vector<16xi32>
        %and3A_703 = arith.andi %ne3A_699, %ge3A_702 : vector<16xi1>
        %lt3A_704 = arith.constant 5000 : i32
        %lt3A_705 = vector.broadcast %lt3A_704 : i32 to vector<16xi32>
        %lt3A_706 = arith.cmpi slt, %sub3A_693, %lt3A_705 : vector<16xi32>
        %and3A_707 = arith.andi %and3A_703, %lt3A_706 : vector<16xi1>
        %and3A_708 = arith.andi %and3A_707, %and3A_698 : vector<16xi1>
        %ne3A_709 = arith.cmpi ne, %gather3A_691, %get3A_684 : vector<16xi32>
        %and3A_710 = arith.andi %ne3A_709, %and3A_698 : vector<16xi1>
        %jit3A_711 = arith.constant 5008 : i32
        %broadcast_in_dim3A_712 = vector.broadcast %jit3A_711 : i32 to vector<16xi32>
        %select_n3A_713 = arith.select %and3A_708, %sub3A_693, %broadcast_in_dim3A_712 : vector<16xi1>, vector<16xi32>
        %mul3A_714 = arith.constant 16 : i32
        %mul3A_715 = arith.muli %scan3A_677, %mul3A_714 : i32
        %swap3A = arith.index_cast %mul3A_715 : i32 to index
        %swap3A_716 = tpu.vector_load %arg13[%swap3A] {strides = array<i32>} : memref<128xi32, #tpu.memory_space<vmem>>, vector<16xi32>,
        tpu.vector_store %arg13[%swap3A], %select_n3A_713 {strides = array<i32>} : memref<128xi32, #tpu.memory_space<vmem>>, vector<16xi32>,
        %get3A_717 = arith.index_cast %add3A_681 : i32 to index
        %get3A_718 = tpu.vector_load %arg19[%get3A_717] {strides = array<i32>} : memref<10000xf32, #tpu.memory_space<vmem>>, vector<16xf32>,
        %jit3A_719 = arith.constant 0.000000e+00 : f32
        %broadcast_in_dim3A_720 = vector.broadcast %jit3A_719 : f32 to vector<16xf32>
        %select_n3A_721 = arith.select %and3A_710, %get3A_718, %broadcast_in_dim3A_720 : vector<16xi1>, vector<16xf32>
        %mul3A_722 = arith.constant 16 : i32
        %mul3A_723 = arith.muli %scan3A_677, %mul3A_722 : i32
        %swap3A_724 = arith.index_cast %mul3A_723 : i32 to index
        %swap3A_725 = tpu.vector_load %arg16[%swap3A_724] {strides = array<i32>} : memref<128xf32, #tpu.memory_space<vmem>>, vector<16xf32>,
        tpu.vector_store %arg16[%swap3A_724], %select_n3A_721 {strides = array<i32>} : memref<128xf32, #tpu.memory_space<vmem>>, vector<16xf32>,
        %scan3A_726 = arith.constant 0 : i32
        scf.yield %scan3A_726 : i32
      }
      %scan3A_628 = arith.constant 8 : i32
      %dma_start3A_629 = arith.constant 0 : i32
      %dma_start3A_630 = arith.constant 0 : i32
      %dma_start3A_631 = tpu.memref_slice %arg22[%dma_start3A_629, %dma_start3A_630] : memref<5120x128xf32, #tpu.memory_space<vmem_shared>> -> memref<5120x128xf32, #tpu.memory_space<vmem_shared>>
      tpu.enqueue_indirect_dma source(%arg10 : memref<128x128xf32, #tpu.memory_space<vmem>>) target(%dma_start3A_631 : memref<5120x128xf32, #tpu.memory_space<vmem_shared>>) offsets(%arg13 : memref<128xi32, #tpu.memory_space<vmem>>) semaphore(%arg26 : memref<!tpu.dma_semaphore, #tpu.memory_space<semaphore_mem>>) {add = true}
      %dma_start3A_632 = arith.constant 0 : i32
      %dma_start3A_633 = tpu.memref_slice %arg23[%dma_start3A_632] : memref<5120xf32, #tpu.memory_space<vmem_shared>> -> memref<5120xf32, #tpu.memory_space<vmem_shared>>
      tpu.enqueue_indirect_dma source(%arg17 : memref<128xf32, #tpu.memory_space<vmem>>) target(%dma_start3A_633 : memref<5120xf32, #tpu.memory_space<vmem_shared>>) offsets(%arg13 : memref<128xi32, #tpu.memory_space<vmem>>) semaphore(%arg26 : memref<!tpu.dma_semaphore, #tpu.memory_space<semaphore_mem>>) {add = true}
      %dma_start3A_634 = arith.constant 0 : i32
      %dma_start3A_635 = tpu.memref_slice %arg24[%dma_start3A_634] : memref<5120xf32, #tpu.memory_space<vmem_shared>> -> memref<5120xf32, #tpu.memory_space<vmem_shared>>
      tpu.enqueue_indirect_dma source(%arg16 : memref<128xf32, #tpu.memory_space<vmem>>) target(%dma_start3A_635 : memref<5120xf32, #tpu.memory_space<vmem_shared>>) offsets(%arg13 : memref<128xi32, #tpu.memory_space<vmem>>) semaphore(%arg26 : memref<!tpu.dma_semaphore, #tpu.memory_space<semaphore_mem>>) {add = true}
      %dma_wait3A_636 = arith.constant 0 : i32
      %dma_wait3A_637 = arith.constant 0 : i32
      %dma_wait3A_638 = tpu.memref_slice %arg22[%dma_wait3A_636, %dma_wait3A_637] : memref<5120x128xf32, #tpu.memory_space<vmem_shared>> -> memref<5120x128xf32, #tpu.memory_space<vmem_shared>>
      tpu.wait_indirect_dma semaphore(%arg26 : memref<!tpu.dma_semaphore, #tpu.memory_space<semaphore_mem>>) src(%arg9 : memref<128x128xf32, #tpu.memory_space<vmem>>) dst(%dma_wait3A_638 : memref<5120x128xf32, #tpu.memory_space<vmem_shared>>)
      %dma_wait3A_639 = arith.constant 0 : i32
      %dma_wait3A_640 = tpu.memref_slice %arg23[%dma_wait3A_639] : memref<5120xf32, #tpu.memory_space<vmem_shared>> -> memref<5120xf32, #tpu.memory_space<vmem_shared>>
      tpu.wait_indirect_dma semaphore(%arg26 : memref<!tpu.dma_semaphore, #tpu.memory_space<semaphore_mem>>) src(%arg17 : memref<128xf32, #tpu.memory_space<vmem>>) dst(%dma_wait3A_640 : memref<5120xf32, #tpu.memory_space<vmem_shared>>)
      %dma_wait3A_641 = arith.constant 0 : i32
      %dma_wait3A_642 = tpu.memref_slice %arg24[%dma_wait3A_641] : memref<5120xf32, #tpu.memory_space<vmem_shared>> -> memref<5120xf32, #tpu.memory_space<vmem_shared>>
      tpu.wait_indirect_dma semaphore(%arg26 : memref<!tpu.dma_semaphore, #tpu.memory_space<semaphore_mem>>) src(%arg15 : memref<128xf32, #tpu.memory_space<vmem>>) dst(%dma_wait3A_642 : memref<5120xf32, #tpu.memory_space<vmem_shared>>)
      %add3A_643 = arith.constant 4 : i32
      %add3A_644 = arith.addi %add3A_543, %add3A_643 : i32
      %min3A_645 = arith.constant 78 : i32
      %min3A_646 = arith.minsi %add3A_644, %min3A_645 : i32
      %mul3A_647 = arith.constant 128 : i32
      %mul3A_648 = arith.muli %min3A_646, %mul3A_647 : i32
      %min3A_649 = arith.constant 9872 : i32
      %min3A_650 = arith.minsi %mul3A_648, %min3A_649 : i32
      %add3A_651 = arith.addi %mul3A_118, %min3A_650 : i32
      %dma_start3A_652 = arith.constant 0 : i32
      %dma_start3A_653 = tpu.memref_slice %arg3[%add3A_651, %dma_start3A_652] : memref<320000x128xf32, #tpu.memory_space<hbm>> -> memref<128x128xf32, #tpu.memory_space<hbm>>
      %dma_start3A_654 = arith.constant 0 : i32
      %dma_start3A_655 = tpu.memref_slice %arg3[%add3A_651, %dma_start3A_654] : memref<320000x128xf32, #tpu.memory_space<hbm>> -> memref<128x128xf32, #tpu.memory_space<hbm>>
      tpu.enqueue_dma source(%dma_start3A_655 : memref<128x128xf32, #tpu.memory_space<hbm>>) target(%arg9 : memref<128x128xf32, #tpu.memory_space<vmem>>) target_semaphore(%arg25 : memref<!tpu.dma_semaphore, #tpu.memory_space<semaphore_mem>>)
      %dma_wait3A_656 = arith.constant 0 : i32
      %dma_wait3A_657 = arith.constant 0 : i32
      %dma_wait3A_658 = tpu.memref_slice %arg22[%dma_wait3A_656, %dma_wait3A_657] : memref<5120x128xf32, #tpu.memory_space<vmem_shared>> -> memref<5120x128xf32, #tpu.memory_space<vmem_shared>>
      tpu.wait_indirect_dma semaphore(%arg26 : memref<!tpu.dma_semaphore, #tpu.memory_space<semaphore_mem>>) src(%arg10 : memref<128x128xf32, #tpu.memory_space<vmem>>) dst(%dma_wait3A_658 : memref<5120x128xf32, #tpu.memory_space<vmem_shared>>)
      %dma_wait3A_659 = arith.constant 0 : i32
      %dma_wait3A_660 = tpu.memref_slice %arg23[%dma_wait3A_659] : memref<5120xf32, #tpu.memory_space<vmem_shared>> -> memref<5120xf32, #tpu.memory_space<vmem_shared>>
      tpu.wait_indirect_dma semaphore(%arg26 : memref<!tpu.dma_semaphore, #tpu.memory_space<semaphore_mem>>) src(%arg17 : memref<128xf32, #tpu.memory_space<vmem>>) dst(%dma_wait3A_660 : memref<5120xf32, #tpu.memory_space<vmem_shared>>)
      %dma_wait3A_661 = arith.constant 0 : i32
      %dma_wait3A_662 = tpu.memref_slice %arg24[%dma_wait3A_661] : memref<5120xf32, #tpu.memory_space<vmem_shared>> -> memref<5120xf32, #tpu.memory_space<vmem_shared>>
      tpu.wait_indirect_dma semaphore(%arg26 : memref<!tpu.dma_semaphore, #tpu.memory_space<semaphore_mem>>) src(%arg16 : memref<128xf32, #tpu.memory_space<vmem>>) dst(%dma_wait3A_662 : memref<5120xf32, #tpu.memory_space<vmem_shared>>)
      %add3A_663 = arith.constant 5 : i32
      %add3A_664 = arith.addi %add3A_543, %add3A_663 : i32
      %min3A_665 = arith.constant 78 : i32
      %min3A_666 = arith.minsi %add3A_664, %min3A_665 : i32
      %mul3A_667 = arith.constant 128 : i32
      %mul3A_668 = arith.muli %min3A_666, %mul3A_667 : i32
      %min3A_669 = arith.constant 9872 : i32
      %min3A_670 = arith.minsi %mul3A_668, %min3A_669 : i32
      %add3A_671 = arith.addi %mul3A_118, %min3A_670 : i32
      %dma_start3A_672 = arith.constant 0 : i32
      %dma_start3A_673 = tpu.memref_slice %arg3[%add3A_671, %dma_start3A_672] : memref<320000x128xf32, #tpu.memory_space<hbm>> -> memref<128x128xf32, #tpu.memory_space<hbm>>
      %dma_start3A_674 = arith.constant 0 : i32
      %dma_start3A_675 = tpu.memref_slice %arg3[%add3A_671, %dma_start3A_674] : memref<320000x128xf32, #tpu.memory_space<hbm>> -> memref<128x128xf32, #tpu.memory_space<hbm>>
      tpu.enqueue_dma source(%dma_start3A_675 : memref<128x128xf32, #tpu.memory_space<hbm>>) target(%arg10 : memref<128x128xf32, #tpu.memory_space<vmem>>) target_semaphore(%arg25 : memref<!tpu.dma_semaphore, #tpu.memory_space<semaphore_mem>>)
      %while3A_676 = arith.constant 0 : i32
      scf.yield %while3A_676 : i32
    }
    %while3A_200 = arith.constant 1 : i32
    %while3A_201 = scf.for %while3A_539 = %while3A_197 to %while3A_193 step %while3A_200 iter_args(%while3A_540 = %while3A_199) -> (i32)  : i32 {
      %mul3A_541 = arith.constant 3 : i32
      %mul3A_542 = arith.muli %mul3A_541, %while3A_539 : i32
      %add3A_543 = arith.addi %scan3A_133#0, %mul3A_542 : i32
      %dma_wait3A_544 = arith.constant 0 : i32
      %dma_wait3A_545 = tpu.memref_slice %arg3[%add3A_160, %dma_wait3A_544] : memref<320000x128xf32, #tpu.memory_space<hbm>> -> memref<128x128xf32, #tpu.memory_space<hbm>>
      %dma_wait3A_546 = arith.constant 0 : i32
      %dma_wait3A_547 = tpu.memref_slice %arg3[%add3A_160, %dma_wait3A_546] : memref<320000x128xf32, #tpu.memory_space<hbm>> -> memref<128x128xf32, #tpu.memory_space<hbm>>
      tpu.wait_dma2 semaphore(%arg25 : memref<!tpu.dma_semaphore, #tpu.memory_space<semaphore_mem>>) src(%dma_wait3A_547 : memref<128x128xf32, #tpu.memory_space<hbm>>) dst(%arg8 : memref<128x128xf32, #tpu.memory_space<vmem>>)
      %mul3A_548 = arith.constant 128 : i32
      %mul3A_549 = arith.muli %add3A_543, %mul3A_548 : i32
      %min3A_550 = arith.constant 9872 : i32
      %min3A_551 = arith.minsi %mul3A_549, %min3A_550 : i32
      %lt3A = arith.cmpi slt, %add3A_543, %scan3A_133#1 : i32
      %scan3A_552 = arith.constant 0 : i32
      %scan3A_553 = arith.constant 0 : i32
      %scan3A_554 = arith.constant 8 : i32
      %scan3A_555 = arith.addi %scan3A_553, %scan3A_554 : i32
      %scan3A_556 = arith.constant 1 : i32
      %scan3A_557 = scf.for %scan3A_677 = %scan3A_553 to %scan3A_555 step %scan3A_556 iter_args(%scan3A_678 = %scan3A_552) -> (i32)  : i32 {
        %mul3A_679 = arith.constant 16 : i32
        %mul3A_680 = arith.muli %scan3A_677, %mul3A_679 : i32
        %add3A_681 = arith.addi %min3A_551, %mul3A_680 : i32
        %add3A_682 = vector.broadcast %add3A_681 : i32 to vector<16xi32>
        %add3A_683 = arith.addi %add3A_682, %iota3A : vector<16xi32>
        %get3A = arith.index_cast %add3A_681 : i32 to index
        %get3A_684 = tpu.vector_load %arg18[%get3A] {strides = array<i32>} : memref<10128xi32, #tpu.memory_space<vmem>>, vector<16xi32>,
        %add3A_685 = arith.constant 128 : i32
        %add3A_686 = vector.broadcast %add3A_685 : i32 to vector<16xi32>
        %add3A_687 = arith.addi %add3A_683, %add3A_686 : vector<16xi32>
        %gather3A = tpu.vector_load_idx %arg18[%add3A_687] : memref<10128xi32, #tpu.memory_space<vmem>>[vector<16xi32>], vector<16xi32>,
        %add3A_688 = arith.constant 1 : i32
        %add3A_689 = vector.broadcast %add3A_688 : i32 to vector<16xi32>
        %add3A_690 = arith.addi %add3A_683, %add3A_689 : vector<16xi32>
        %gather3A_691 = tpu.vector_load_idx %arg18[%add3A_690] : memref<10128xi32, #tpu.memory_space<vmem>>[vector<16xi32>], vector<16xi32>,
        %sub3A_692 = vector.broadcast %mul3A_0 : i32 to vector<16xi32>
        %sub3A_693 = arith.subi %get3A_684, %sub3A_692 : vector<16xi32>
        %mul3A_694 = arith.constant 128 : i32
        %mul3A_695 = arith.muli %add3A_543, %mul3A_694 : i32
        %ge3A = vector.broadcast %mul3A_695 : i32 to vector<16xi32>
        %ge3A_696 = arith.cmpi sge, %add3A_683, %ge3A : vector<16xi32>
        %and3A_697 = vector.broadcast %lt3A : i1 to vector<16xi1>
        %and3A_698 = arith.andi %ge3A_696, %and3A_697 : vector<16xi1>
        %ne3A_699 = arith.cmpi ne, %gather3A, %get3A_684 : vector<16xi32>
        %ge3A_700 = arith.constant 0 : i32
        %ge3A_701 = vector.broadcast %ge3A_700 : i32 to vector<16xi32>
        %ge3A_702 = arith.cmpi sge, %sub3A_693, %ge3A_701 : vector<16xi32>
        %and3A_703 = arith.andi %ne3A_699, %ge3A_702 : vector<16xi1>
        %lt3A_704 = arith.constant 5000 : i32
        %lt3A_705 = vector.broadcast %lt3A_704 : i32 to vector<16xi32>
        %lt3A_706 = arith.cmpi slt, %sub3A_693, %lt3A_705 : vector<16xi32>
        %and3A_707 = arith.andi %and3A_703, %lt3A_706 : vector<16xi1>
        %and3A_708 = arith.andi %and3A_707, %and3A_698 : vector<16xi1>
        %ne3A_709 = arith.cmpi ne, %gather3A_691, %get3A_684 : vector<16xi32>
        %and3A_710 = arith.andi %ne3A_709, %and3A_698 : vector<16xi1>
        %jit3A_711 = arith.constant 5008 : i32
        %broadcast_in_dim3A_712 = vector.broadcast %jit3A_711 : i32 to vector<16xi32>
        %select_n3A_713 = arith.select %and3A_708, %sub3A_693, %broadcast_in_dim3A_712 : vector<16xi1>, vector<16xi32>
        %mul3A_714 = arith.constant 16 : i32
        %mul3A_715 = arith.muli %scan3A_677, %mul3A_714 : i32
        %swap3A = arith.index_cast %mul3A_715 : i32 to index
        %swap3A_716 = tpu.vector_load %arg11[%swap3A] {strides = array<i32>} : memref<128xi32, #tpu.memory_space<vmem>>, vector<16xi32>,
        tpu.vector_store %arg11[%swap3A], %select_n3A_713 {strides = array<i32>} : memref<128xi32, #tpu.memory_space<vmem>>, vector<16xi32>,
        %get3A_717 = arith.index_cast %add3A_681 : i32 to index
        %get3A_718 = tpu.vector_load %arg19[%get3A_717] {strides = array<i32>} : memref<10000xf32, #tpu.memory_space<vmem>>, vector<16xf32>,
        %jit3A_719 = arith.constant 0.000000e+00 : f32
        %broadcast_in_dim3A_720 = vector.broadcast %jit3A_719 : f32 to vector<16xf32>
        %select_n3A_721 = arith.select %and3A_710, %get3A_718, %broadcast_in_dim3A_720 : vector<16xi1>, vector<16xf32>
        %mul3A_722 = arith.constant 16 : i32
        %mul3A_723 = arith.muli %scan3A_677, %mul3A_722 : i32
        %swap3A_724 = arith.index_cast %mul3A_723 : i32 to index
        %swap3A_725 = tpu.vector_load %arg14[%swap3A_724] {strides = array<i32>} : memref<128xf32, #tpu.memory_space<vmem>>, vector<16xf32>,
        tpu.vector_store %arg14[%swap3A_724], %select_n3A_721 {strides = array<i32>} : memref<128xf32, #tpu.memory_space<vmem>>, vector<16xf32>,
        %scan3A_726 = arith.constant 0 : i32
        scf.yield %scan3A_726 : i32
      }
      %scan3A_558 = arith.constant 8 : i32
      %dma_start3A_559 = arith.constant 0 : i32
      %dma_start3A_560 = arith.constant 0 : i32
      %dma_start3A_561 = tpu.memref_slice %arg22[%dma_start3A_559, %dma_start3A_560] : memref<5120x128xf32, #tpu.memory_space<vmem_shared>> -> memref<5120x128xf32, #tpu.memory_space<vmem_shared>>
      tpu.enqueue_indirect_dma source(%arg8 : memref<128x128xf32, #tpu.memory_space<vmem>>) target(%dma_start3A_561 : memref<5120x128xf32, #tpu.memory_space<vmem_shared>>) offsets(%arg11 : memref<128xi32, #tpu.memory_space<vmem>>) semaphore(%arg26 : memref<!tpu.dma_semaphore, #tpu.memory_space<semaphore_mem>>) {add = true}
      %dma_start3A_562 = arith.constant 0 : i32
      %dma_start3A_563 = tpu.memref_slice %arg23[%dma_start3A_562] : memref<5120xf32, #tpu.memory_space<vmem_shared>> -> memref<5120xf32, #tpu.memory_space<vmem_shared>>
      tpu.enqueue_indirect_dma source(%arg17 : memref<128xf32, #tpu.memory_space<vmem>>) target(%dma_start3A_563 : memref<5120xf32, #tpu.memory_space<vmem_shared>>) offsets(%arg11 : memref<128xi32, #tpu.memory_space<vmem>>) semaphore(%arg26 : memref<!tpu.dma_semaphore, #tpu.memory_space<semaphore_mem>>) {add = true}
      %dma_start3A_564 = arith.constant 0 : i32
      %dma_start3A_565 = tpu.memref_slice %arg24[%dma_start3A_564] : memref<5120xf32, #tpu.memory_space<vmem_shared>> -> memref<5120xf32, #tpu.memory_space<vmem_shared>>
      tpu.enqueue_indirect_dma source(%arg14 : memref<128xf32, #tpu.memory_space<vmem>>) target(%dma_start3A_565 : memref<5120xf32, #tpu.memory_space<vmem_shared>>) offsets(%arg11 : memref<128xi32, #tpu.memory_space<vmem>>) semaphore(%arg26 : memref<!tpu.dma_semaphore, #tpu.memory_space<semaphore_mem>>) {add = true}
      %dma_wait3A_566 = arith.constant 0 : i32
      %dma_wait3A_567 = tpu.memref_slice %arg3[%add3A_173, %dma_wait3A_566] : memref<320000x128xf32, #tpu.memory_space<hbm>> -> memref<128x128xf32, #tpu.memory_space<hbm>>
      %dma_wait3A_568 = arith.constant 0 : i32
      %dma_wait3A_569 = tpu.memref_slice %arg3[%add3A_173, %dma_wait3A_568] : memref<320000x128xf32, #tpu.memory_space<hbm>> -> memref<128x128xf32, #tpu.memory_space<hbm>>
      tpu.wait_dma2 semaphore(%arg25 : memref<!tpu.dma_semaphore, #tpu.memory_space<semaphore_mem>>) src(%dma_wait3A_569 : memref<128x128xf32, #tpu.memory_space<hbm>>) dst(%arg9 : memref<128x128xf32, #tpu.memory_space<vmem>>)
      %add3A_570 = arith.constant 1 : i32
      %add3A_571 = arith.addi %add3A_543, %add3A_570 : i32
      %mul3A_572 = arith.constant 128 : i32
      %mul3A_573 = arith.muli %add3A_571, %mul3A_572 : i32
      %min3A_574 = arith.constant 9872 : i32
      %min3A_575 = arith.minsi %mul3A_573, %min3A_574 : i32
      %lt3A_576 = arith.cmpi slt, %add3A_571, %scan3A_133#1 : i32
      %scan3A_577 = arith.constant 0 : i32
      %scan3A_578 = arith.constant 0 : i32
      %scan3A_579 = arith.constant 8 : i32
      %scan3A_580 = arith.addi %scan3A_578, %scan3A_579 : i32
      %scan3A_581 = arith.constant 1 : i32
      %scan3A_582 = scf.for %scan3A_677 = %scan3A_578 to %scan3A_580 step %scan3A_581 iter_args(%scan3A_678 = %scan3A_577) -> (i32)  : i32 {
        %mul3A_679 = arith.constant 16 : i32
        %mul3A_680 = arith.muli %scan3A_677, %mul3A_679 : i32
        %add3A_681 = arith.addi %min3A_575, %mul3A_680 : i32
        %add3A_682 = vector.broadcast %add3A_681 : i32 to vector<16xi32>
        %add3A_683 = arith.addi %add3A_682, %iota3A : vector<16xi32>
        %get3A = arith.index_cast %add3A_681 : i32 to index
        %get3A_684 = tpu.vector_load %arg18[%get3A] {strides = array<i32>} : memref<10128xi32, #tpu.memory_space<vmem>>, vector<16xi32>,
        %add3A_685 = arith.constant 128 : i32
        %add3A_686 = vector.broadcast %add3A_685 : i32 to vector<16xi32>
        %add3A_687 = arith.addi %add3A_683, %add3A_686 : vector<16xi32>
        %gather3A = tpu.vector_load_idx %arg18[%add3A_687] : memref<10128xi32, #tpu.memory_space<vmem>>[vector<16xi32>], vector<16xi32>,
        %add3A_688 = arith.constant 1 : i32
        %add3A_689 = vector.broadcast %add3A_688 : i32 to vector<16xi32>
        %add3A_690 = arith.addi %add3A_683, %add3A_689 : vector<16xi32>
        %gather3A_691 = tpu.vector_load_idx %arg18[%add3A_690] : memref<10128xi32, #tpu.memory_space<vmem>>[vector<16xi32>], vector<16xi32>,
        %sub3A_692 = vector.broadcast %mul3A_0 : i32 to vector<16xi32>
        %sub3A_693 = arith.subi %get3A_684, %sub3A_692 : vector<16xi32>
        %mul3A_694 = arith.constant 128 : i32
        %mul3A_695 = arith.muli %add3A_571, %mul3A_694 : i32
        %ge3A = vector.broadcast %mul3A_695 : i32 to vector<16xi32>
        %ge3A_696 = arith.cmpi sge, %add3A_683, %ge3A : vector<16xi32>
        %and3A_697 = vector.broadcast %lt3A_576 : i1 to vector<16xi1>
        %and3A_698 = arith.andi %ge3A_696, %and3A_697 : vector<16xi1>
        %ne3A_699 = arith.cmpi ne, %gather3A, %get3A_684 : vector<16xi32>
        %ge3A_700 = arith.constant 0 : i32
        %ge3A_701 = vector.broadcast %ge3A_700 : i32 to vector<16xi32>
        %ge3A_702 = arith.cmpi sge, %sub3A_693, %ge3A_701 : vector<16xi32>
        %and3A_703 = arith.andi %ne3A_699, %ge3A_702 : vector<16xi1>
        %lt3A_704 = arith.constant 5000 : i32
        %lt3A_705 = vector.broadcast %lt3A_704 : i32 to vector<16xi32>
        %lt3A_706 = arith.cmpi slt, %sub3A_693, %lt3A_705 : vector<16xi32>
        %and3A_707 = arith.andi %and3A_703, %lt3A_706 : vector<16xi1>
        %and3A_708 = arith.andi %and3A_707, %and3A_698 : vector<16xi1>
        %ne3A_709 = arith.cmpi ne, %gather3A_691, %get3A_684 : vector<16xi32>
        %and3A_710 = arith.andi %ne3A_709, %and3A_698 : vector<16xi1>
        %jit3A_711 = arith.constant 5008 : i32
        %broadcast_in_dim3A_712 = vector.broadcast %jit3A_711 : i32 to vector<16xi32>
        %select_n3A_713 = arith.select %and3A_708, %sub3A_693, %broadcast_in_dim3A_712 : vector<16xi1>, vector<16xi32>
        %mul3A_714 = arith.constant 16 : i32
        %mul3A_715 = arith.muli %scan3A_677, %mul3A_714 : i32
        %swap3A = arith.index_cast %mul3A_715 : i32 to index
        %swap3A_716 = tpu.vector_load %arg12[%swap3A] {strides = array<i32>} : memref<128xi32, #tpu.memory_space<vmem>>, vector<16xi32>,
        tpu.vector_store %arg12[%swap3A], %select_n3A_713 {strides = array<i32>} : memref<128xi32, #tpu.memory_space<vmem>>, vector<16xi32>,
        %get3A_717 = arith.index_cast %add3A_681 : i32 to index
        %get3A_718 = tpu.vector_load %arg19[%get3A_717] {strides = array<i32>} : memref<10000xf32, #tpu.memory_space<vmem>>, vector<16xf32>,
        %jit3A_719 = arith.constant 0.000000e+00 : f32
        %broadcast_in_dim3A_720 = vector.broadcast %jit3A_719 : f32 to vector<16xf32>
        %select_n3A_721 = arith.select %and3A_710, %get3A_718, %broadcast_in_dim3A_720 : vector<16xi1>, vector<16xf32>
        %mul3A_722 = arith.constant 16 : i32
        %mul3A_723 = arith.muli %scan3A_677, %mul3A_722 : i32
        %swap3A_724 = arith.index_cast %mul3A_723 : i32 to index
        %swap3A_725 = tpu.vector_load %arg15[%swap3A_724] {strides = array<i32>} : memref<128xf32, #tpu.memory_space<vmem>>, vector<16xf32>,
        tpu.vector_store %arg15[%swap3A_724], %select_n3A_721 {strides = array<i32>} : memref<128xf32, #tpu.memory_space<vmem>>, vector<16xf32>,
        %scan3A_726 = arith.constant 0 : i32
        scf.yield %scan3A_726 : i32
      }
      %scan3A_583 = arith.constant 8 : i32
      %dma_start3A_584 = arith.constant 0 : i32
      %dma_start3A_585 = arith.constant 0 : i32
      %dma_start3A_586 = tpu.memref_slice %arg22[%dma_start3A_584, %dma_start3A_585] : memref<5120x128xf32, #tpu.memory_space<vmem_shared>> -> memref<5120x128xf32, #tpu.memory_space<vmem_shared>>
      tpu.enqueue_indirect_dma source(%arg9 : memref<128x128xf32, #tpu.memory_space<vmem>>) target(%dma_start3A_586 : memref<5120x128xf32, #tpu.memory_space<vmem_shared>>) offsets(%arg12 : memref<128xi32, #tpu.memory_space<vmem>>) semaphore(%arg26 : memref<!tpu.dma_semaphore, #tpu.memory_space<semaphore_mem>>) {add = true}
      %dma_start3A_587 = arith.constant 0 : i32
      %dma_start3A_588 = tpu.memref_slice %arg23[%dma_start3A_587] : memref<5120xf32, #tpu.memory_space<vmem_shared>> -> memref<5120xf32, #tpu.memory_space<vmem_shared>>
      tpu.enqueue_indirect_dma source(%arg17 : memref<128xf32, #tpu.memory_space<vmem>>) target(%dma_start3A_588 : memref<5120xf32, #tpu.memory_space<vmem_shared>>) offsets(%arg12 : memref<128xi32, #tpu.memory_space<vmem>>) semaphore(%arg26 : memref<!tpu.dma_semaphore, #tpu.memory_space<semaphore_mem>>) {add = true}
      %dma_start3A_589 = arith.constant 0 : i32
      %dma_start3A_590 = tpu.memref_slice %arg24[%dma_start3A_589] : memref<5120xf32, #tpu.memory_space<vmem_shared>> -> memref<5120xf32, #tpu.memory_space<vmem_shared>>
      tpu.enqueue_indirect_dma source(%arg15 : memref<128xf32, #tpu.memory_space<vmem>>) target(%dma_start3A_590 : memref<5120xf32, #tpu.memory_space<vmem_shared>>) offsets(%arg12 : memref<128xi32, #tpu.memory_space<vmem>>) semaphore(%arg26 : memref<!tpu.dma_semaphore, #tpu.memory_space<semaphore_mem>>) {add = true}
      %dma_wait3A_591 = arith.constant 0 : i32
      %dma_wait3A_592 = arith.constant 0 : i32
      %dma_wait3A_593 = tpu.memref_slice %arg22[%dma_wait3A_591, %dma_wait3A_592] : memref<5120x128xf32, #tpu.memory_space<vmem_shared>> -> memref<5120x128xf32, #tpu.memory_space<vmem_shared>>
      tpu.wait_indirect_dma semaphore(%arg26 : memref<!tpu.dma_semaphore, #tpu.memory_space<semaphore_mem>>) src(%arg8 : memref<128x128xf32, #tpu.memory_space<vmem>>) dst(%dma_wait3A_593 : memref<5120x128xf32, #tpu.memory_space<vmem_shared>>)
      %dma_wait3A_594 = arith.constant 0 : i32
      %dma_wait3A_595 = tpu.memref_slice %arg23[%dma_wait3A_594] : memref<5120xf32, #tpu.memory_space<vmem_shared>> -> memref<5120xf32, #tpu.memory_space<vmem_shared>>
      tpu.wait_indirect_dma semaphore(%arg26 : memref<!tpu.dma_semaphore, #tpu.memory_space<semaphore_mem>>) src(%arg17 : memref<128xf32, #tpu.memory_space<vmem>>) dst(%dma_wait3A_595 : memref<5120xf32, #tpu.memory_space<vmem_shared>>)
      %dma_wait3A_596 = arith.constant 0 : i32
      %dma_wait3A_597 = tpu.memref_slice %arg24[%dma_wait3A_596] : memref<5120xf32, #tpu.memory_space<vmem_shared>> -> memref<5120xf32, #tpu.memory_space<vmem_shared>>
      tpu.wait_indirect_dma semaphore(%arg26 : memref<!tpu.dma_semaphore, #tpu.memory_space<semaphore_mem>>) src(%arg14 : memref<128xf32, #tpu.memory_space<vmem>>) dst(%dma_wait3A_597 : memref<5120xf32, #tpu.memory_space<vmem_shared>>)
      %add3A_598 = arith.constant 3 : i32
      %add3A_599 = arith.addi %add3A_543, %add3A_598 : i32
      %min3A_600 = arith.constant 78 : i32
      %min3A_601 = arith.minsi %add3A_599, %min3A_600 : i32
      %mul3A_602 = arith.constant 128 : i32
      %mul3A_603 = arith.muli %min3A_601, %mul3A_602 : i32
      %min3A_604 = arith.constant 9872 : i32
      %min3A_605 = arith.minsi %mul3A_603, %min3A_604 : i32
      %add3A_606 = arith.addi %mul3A_118, %min3A_605 : i32
      %dma_start3A_607 = arith.constant 0 : i32
      %dma_start3A_608 = tpu.memref_slice %arg3[%add3A_606, %dma_start3A_607] : memref<320000x128xf32, #tpu.memory_space<hbm>> -> memref<128x128xf32, #tpu.memory_space<hbm>>
      %dma_start3A_609 = arith.constant 0 : i32
      %dma_start3A_610 = tpu.memref_slice %arg3[%add3A_606, %dma_start3A_609] : memref<320000x128xf32, #tpu.memory_space<hbm>> -> memref<128x128xf32, #tpu.memory_space<hbm>>
      tpu.enqueue_dma source(%dma_start3A_610 : memref<128x128xf32, #tpu.memory_space<hbm>>) target(%arg8 : memref<128x128xf32, #tpu.memory_space<vmem>>) target_semaphore(%arg25 : memref<!tpu.dma_semaphore, #tpu.memory_space<semaphore_mem>>)
      %dma_wait3A_611 = arith.constant 0 : i32
      %dma_wait3A_612 = tpu.memref_slice %arg3[%add3A_186, %dma_wait3A_611] : memref<320000x128xf32, #tpu.memory_space<hbm>> -> memref<128x128xf32, #tpu.memory_space<hbm>>
      %dma_wait3A_613 = arith.constant 0 : i32
      %dma_wait3A_614 = tpu.memref_slice %arg3[%add3A_186, %dma_wait3A_613] : memref<320000x128xf32, #tpu.memory_space<hbm>> -> memref<128x128xf32, #tpu.memory_space<hbm>>
      tpu.wait_dma2 semaphore(%arg25 : memref<!tpu.dma_semaphore, #tpu.memory_space<semaphore_mem>>) src(%dma_wait3A_614 : memref<128x128xf32, #tpu.memory_space<hbm>>) dst(%arg10 : memref<128x128xf32, #tpu.memory_space<vmem>>)
      %add3A_615 = arith.constant 2 : i32
      %add3A_616 = arith.addi %add3A_543, %add3A_615 : i32
      %mul3A_617 = arith.constant 128 : i32
      %mul3A_618 = arith.muli %add3A_616, %mul3A_617 : i32
      %min3A_619 = arith.constant 9872 : i32
      %min3A_620 = arith.minsi %mul3A_618, %min3A_619 : i32
      %lt3A_621 = arith.cmpi slt, %add3A_616, %scan3A_133#1 : i32
      %scan3A_622 = arith.constant 0 : i32
      %scan3A_623 = arith.constant 0 : i32
      %scan3A_624 = arith.constant 8 : i32
      %scan3A_625 = arith.addi %scan3A_623, %scan3A_624 : i32
      %scan3A_626 = arith.constant 1 : i32
      %scan3A_627 = scf.for %scan3A_677 = %scan3A_623 to %scan3A_625 step %scan3A_626 iter_args(%scan3A_678 = %scan3A_622) -> (i32)  : i32 {
        %mul3A_679 = arith.constant 16 : i32
        %mul3A_680 = arith.muli %scan3A_677, %mul3A_679 : i32
        %add3A_681 = arith.addi %min3A_620, %mul3A_680 : i32
        %add3A_682 = vector.broadcast %add3A_681 : i32 to vector<16xi32>
        %add3A_683 = arith.addi %add3A_682, %iota3A : vector<16xi32>
        %get3A = arith.index_cast %add3A_681 : i32 to index
        %get3A_684 = tpu.vector_load %arg18[%get3A] {strides = array<i32>} : memref<10128xi32, #tpu.memory_space<vmem>>, vector<16xi32>,
        %add3A_685 = arith.constant 128 : i32
        %add3A_686 = vector.broadcast %add3A_685 : i32 to vector<16xi32>
        %add3A_687 = arith.addi %add3A_683, %add3A_686 : vector<16xi32>
        %gather3A = tpu.vector_load_idx %arg18[%add3A_687] : memref<10128xi32, #tpu.memory_space<vmem>>[vector<16xi32>], vector<16xi32>,
        %add3A_688 = arith.constant 1 : i32
        %add3A_689 = vector.broadcast %add3A_688 : i32 to vector<16xi32>
        %add3A_690 = arith.addi %add3A_683, %add3A_689 : vector<16xi32>
        %gather3A_691 = tpu.vector_load_idx %arg18[%add3A_690] : memref<10128xi32, #tpu.memory_space<vmem>>[vector<16xi32>], vector<16xi32>,
        %sub3A_692 = vector.broadcast %mul3A_0 : i32 to vector<16xi32>
        %sub3A_693 = arith.subi %get3A_684, %sub3A_692 : vector<16xi32>
        %mul3A_694 = arith.constant 128 : i32
        %mul3A_695 = arith.muli %add3A_616, %mul3A_694 : i32
        %ge3A = vector.broadcast %mul3A_695 : i32 to vector<16xi32>
        %ge3A_696 = arith.cmpi sge, %add3A_683, %ge3A : vector<16xi32>
        %and3A_697 = vector.broadcast %lt3A_621 : i1 to vector<16xi1>
        %and3A_698 = arith.andi %ge3A_696, %and3A_697 : vector<16xi1>
        %ne3A_699 = arith.cmpi ne, %gather3A, %get3A_684 : vector<16xi32>
        %ge3A_700 = arith.constant 0 : i32
        %ge3A_701 = vector.broadcast %ge3A_700 : i32 to vector<16xi32>
        %ge3A_702 = arith.cmpi sge, %sub3A_693, %ge3A_701 : vector<16xi32>
        %and3A_703 = arith.andi %ne3A_699, %ge3A_702 : vector<16xi1>
        %lt3A_704 = arith.constant 5000 : i32
        %lt3A_705 = vector.broadcast %lt3A_704 : i32 to vector<16xi32>
        %lt3A_706 = arith.cmpi slt, %sub3A_693, %lt3A_705 : vector<16xi32>
        %and3A_707 = arith.andi %and3A_703, %lt3A_706 : vector<16xi1>
        %and3A_708 = arith.andi %and3A_707, %and3A_698 : vector<16xi1>
        %ne3A_709 = arith.cmpi ne, %gather3A_691, %get3A_684 : vector<16xi32>
        %and3A_710 = arith.andi %ne3A_709, %and3A_698 : vector<16xi1>
        %jit3A_711 = arith.constant 5008 : i32
        %broadcast_in_dim3A_712 = vector.broadcast %jit3A_711 : i32 to vector<16xi32>
        %select_n3A_713 = arith.select %and3A_708, %sub3A_693, %broadcast_in_dim3A_712 : vector<16xi1>, vector<16xi32>
        %mul3A_714 = arith.constant 16 : i32
        %mul3A_715 = arith.muli %scan3A_677, %mul3A_714 : i32
        %swap3A = arith.index_cast %mul3A_715 : i32 to index
        %swap3A_716 = tpu.vector_load %arg13[%swap3A] {strides = array<i32>} : memref<128xi32, #tpu.memory_space<vmem>>, vector<16xi32>,
        tpu.vector_store %arg13[%swap3A], %select_n3A_713 {strides = array<i32>} : memref<128xi32, #tpu.memory_space<vmem>>, vector<16xi32>,
        %get3A_717 = arith.index_cast %add3A_681 : i32 to index
        %get3A_718 = tpu.vector_load %arg19[%get3A_717] {strides = array<i32>} : memref<10000xf32, #tpu.memory_space<vmem>>, vector<16xf32>,
        %jit3A_719 = arith.constant 0.000000e+00 : f32
        %broadcast_in_dim3A_720 = vector.broadcast %jit3A_719 : f32 to vector<16xf32>
        %select_n3A_721 = arith.select %and3A_710, %get3A_718, %broadcast_in_dim3A_720 : vector<16xi1>, vector<16xf32>
        %mul3A_722 = arith.constant 16 : i32
        %mul3A_723 = arith.muli %scan3A_677, %mul3A_722 : i32
        %swap3A_724 = arith.index_cast %mul3A_723 : i32 to index
        %swap3A_725 = tpu.vector_load %arg16[%swap3A_724] {strides = array<i32>} : memref<128xf32, #tpu.memory_space<vmem>>, vector<16xf32>,
        tpu.vector_store %arg16[%swap3A_724], %select_n3A_721 {strides = array<i32>} : memref<128xf32, #tpu.memory_space<vmem>>, vector<16xf32>,
        %scan3A_726 = arith.constant 0 : i32
        scf.yield %scan3A_726 : i32
      }
      %scan3A_628 = arith.constant 8 : i32
      %dma_start3A_629 = arith.constant 0 : i32
      %dma_start3A_630 = arith.constant 0 : i32
      %dma_start3A_631 = tpu.memref_slice %arg22[%dma_start3A_629, %dma_start3A_630] : memref<5120x128xf32, #tpu.memory_space<vmem_shared>> -> memref<5120x128xf32, #tpu.memory_space<vmem_shared>>
      tpu.enqueue_indirect_dma source(%arg10 : memref<128x128xf32, #tpu.memory_space<vmem>>) target(%dma_start3A_631 : memref<5120x128xf32, #tpu.memory_space<vmem_shared>>) offsets(%arg13 : memref<128xi32, #tpu.memory_space<vmem>>) semaphore(%arg26 : memref<!tpu.dma_semaphore, #tpu.memory_space<semaphore_mem>>) {add = true}
      %dma_start3A_632 = arith.constant 0 : i32
      %dma_start3A_633 = tpu.memref_slice %arg23[%dma_start3A_632] : memref<5120xf32, #tpu.memory_space<vmem_shared>> -> memref<5120xf32, #tpu.memory_space<vmem_shared>>
      tpu.enqueue_indirect_dma source(%arg17 : memref<128xf32, #tpu.memory_space<vmem>>) target(%dma_start3A_633 : memref<5120xf32, #tpu.memory_space<vmem_shared>>) offsets(%arg13 : memref<128xi32, #tpu.memory_space<vmem>>) semaphore(%arg26 : memref<!tpu.dma_semaphore, #tpu.memory_space<semaphore_mem>>) {add = true}
      %dma_start3A_634 = arith.constant 0 : i32
      %dma_start3A_635 = tpu.memref_slice %arg24[%dma_start3A_634] : memref<5120xf32, #tpu.memory_space<vmem_shared>> -> memref<5120xf32, #tpu.memory_space<vmem_shared>>
      tpu.enqueue_indirect_dma source(%arg16 : memref<128xf32, #tpu.memory_space<vmem>>) target(%dma_start3A_635 : memref<5120xf32, #tpu.memory_space<vmem_shared>>) offsets(%arg13 : memref<128xi32, #tpu.memory_space<vmem>>) semaphore(%arg26 : memref<!tpu.dma_semaphore, #tpu.memory_space<semaphore_mem>>) {add = true}
      %dma_wait3A_636 = arith.constant 0 : i32
      %dma_wait3A_637 = arith.constant 0 : i32
      %dma_wait3A_638 = tpu.memref_slice %arg22[%dma_wait3A_636, %dma_wait3A_637] : memref<5120x128xf32, #tpu.memory_space<vmem_shared>> -> memref<5120x128xf32, #tpu.memory_space<vmem_shared>>
      tpu.wait_indirect_dma semaphore(%arg26 : memref<!tpu.dma_semaphore, #tpu.memory_space<semaphore_mem>>) src(%arg9 : memref<128x128xf32, #tpu.memory_space<vmem>>) dst(%dma_wait3A_638 : memref<5120x128xf32, #tpu.memory_space<vmem_shared>>)
      %dma_wait3A_639 = arith.constant 0 : i32
      %dma_wait3A_640 = tpu.memref_slice %arg23[%dma_wait3A_639] : memref<5120xf32, #tpu.memory_space<vmem_shared>> -> memref<5120xf32, #tpu.memory_space<vmem_shared>>
      tpu.wait_indirect_dma semaphore(%arg26 : memref<!tpu.dma_semaphore, #tpu.memory_space<semaphore_mem>>) src(%arg17 : memref<128xf32, #tpu.memory_space<vmem>>) dst(%dma_wait3A_640 : memref<5120xf32, #tpu.memory_space<vmem_shared>>)
      %dma_wait3A_641 = arith.constant 0 : i32
      %dma_wait3A_642 = tpu.memref_slice %arg24[%dma_wait3A_641] : memref<5120xf32, #tpu.memory_space<vmem_shared>> -> memref<5120xf32, #tpu.memory_space<vmem_shared>>
      tpu.wait_indirect_dma semaphore(%arg26 : memref<!tpu.dma_semaphore, #tpu.memory_space<semaphore_mem>>) src(%arg15 : memref<128xf32, #tpu.memory_space<vmem>>) dst(%dma_wait3A_642 : memref<5120xf32, #tpu.memory_space<vmem_shared>>)
      %add3A_643 = arith.constant 4 : i32
      %add3A_644 = arith.addi %add3A_543, %add3A_643 : i32
      %min3A_645 = arith.constant 78 : i32
      %min3A_646 = arith.minsi %add3A_644, %min3A_645 : i32
      %mul3A_647 = arith.constant 128 : i32
      %mul3A_648 = arith.muli %min3A_646, %mul3A_647 : i32
      %min3A_649 = arith.constant 9872 : i32
      %min3A_650 = arith.minsi %mul3A_648, %min3A_649 : i32
      %add3A_651 = arith.addi %mul3A_118, %min3A_650 : i32
      %dma_start3A_652 = arith.constant 0 : i32
      %dma_start3A_653 = tpu.memref_slice %arg3[%add3A_651, %dma_start3A_652] : memref<320000x128xf32, #tpu.memory_space<hbm>> -> memref<128x128xf32, #tpu.memory_space<hbm>>
      %dma_start3A_654 = arith.constant 0 : i32
      %dma_start3A_655 = tpu.memref_slice %arg3[%add3A_651, %dma_start3A_654] : memref<320000x128xf32, #tpu.memory_space<hbm>> -> memref<128x128xf32, #tpu.memory_space<hbm>>
      tpu.enqueue_dma source(%dma_start3A_655 : memref<128x128xf32, #tpu.memory_space<hbm>>) target(%arg9 : memref<128x128xf32, #tpu.memory_space<vmem>>) target_semaphore(%arg25 : memref<!tpu.dma_semaphore, #tpu.memory_space<semaphore_mem>>)
      %dma_wait3A_656 = arith.constant 0 : i32
      %dma_wait3A_657 = arith.constant 0 : i32
      %dma_wait3A_658 = tpu.memref_slice %arg22[%dma_wait3A_656, %dma_wait3A_657] : memref<5120x128xf32, #tpu.memory_space<vmem_shared>> -> memref<5120x128xf32, #tpu.memory_space<vmem_shared>>
      tpu.wait_indirect_dma semaphore(%arg26 : memref<!tpu.dma_semaphore, #tpu.memory_space<semaphore_mem>>) src(%arg10 : memref<128x128xf32, #tpu.memory_space<vmem>>) dst(%dma_wait3A_658 : memref<5120x128xf32, #tpu.memory_space<vmem_shared>>)
      %dma_wait3A_659 = arith.constant 0 : i32
      %dma_wait3A_660 = tpu.memref_slice %arg23[%dma_wait3A_659] : memref<5120xf32, #tpu.memory_space<vmem_shared>> -> memref<5120xf32, #tpu.memory_space<vmem_shared>>
      tpu.wait_indirect_dma semaphore(%arg26 : memref<!tpu.dma_semaphore, #tpu.memory_space<semaphore_mem>>) src(%arg17 : memref<128xf32, #tpu.memory_space<vmem>>) dst(%dma_wait3A_660 : memref<5120xf32, #tpu.memory_space<vmem_shared>>)
      %dma_wait3A_661 = arith.constant 0 : i32
      %dma_wait3A_662 = tpu.memref_slice %arg24[%dma_wait3A_661] : memref<5120xf32, #tpu.memory_space<vmem_shared>> -> memref<5120xf32, #tpu.memory_space<vmem_shared>>
      tpu.wait_indirect_dma semaphore(%arg26 : memref<!tpu.dma_semaphore, #tpu.memory_space<semaphore_mem>>) src(%arg16 : memref<128xf32, #tpu.memory_space<vmem>>) dst(%dma_wait3A_662 : memref<5120xf32, #tpu.memory_space<vmem_shared>>)
      %add3A_663 = arith.constant 5 : i32
      %add3A_664 = arith.addi %add3A_543, %add3A_663 : i32
      %min3A_665 = arith.constant 78 : i32
      %min3A_666 = arith.minsi %add3A_664, %min3A_665 : i32
      %mul3A_667 = arith.constant 128 : i32
      %mul3A_668 = arith.muli %min3A_666, %mul3A_667 : i32
      %min3A_669 = arith.constant 9872 : i32
      %min3A_670 = arith.minsi %mul3A_668, %min3A_669 : i32
      %add3A_671 = arith.addi %mul3A_118, %min3A_670 : i32
      %dma_start3A_672 = arith.constant 0 : i32
      %dma_start3A_673 = tpu.memref_slice %arg3[%add3A_671, %dma_start3A_672] : memref<320000x128xf32, #tpu.memory_space<hbm>> -> memref<128x128xf32, #tpu.memory_space<hbm>>
      %dma_start3A_674 = arith.constant 0 : i32
      %dma_start3A_675 = tpu.memref_slice %arg3[%add3A_671, %dma_start3A_674] : memref<320000x128xf32, #tpu.memory_space<hbm>> -> memref<128x128xf32, #tpu.memory_space<hbm>>
      tpu.enqueue_dma source(%dma_start3A_675 : memref<128x128xf32, #tpu.memory_space<hbm>>) target(%arg10 : memref<128x128xf32, #tpu.memory_space<vmem>>) target_semaphore(%arg25 : memref<!tpu.dma_semaphore, #tpu.memory_space<semaphore_mem>>)
      %while3A_676 = arith.constant 0 : i32
      scf.yield %while3A_676 : i32
    }
    %dma_wait3A_202 = arith.constant 0 : i32
    %dma_wait3A_203 = tpu.memref_slice %arg3[%add3A_160, %dma_wait3A_202] : memref<320000x128xf32, #tpu.memory_space<hbm>> -> memref<128x128xf32, #tpu.memory_space<hbm>>
    %dma_wait3A_204 = arith.constant 0 : i32
    %dma_wait3A_205 = tpu.memref_slice %arg3[%add3A_160, %dma_wait3A_204] : memref<320000x128xf32, #tpu.memory_space<hbm>> -> memref<128x128xf32, #tpu.memory_space<hbm>>
    tpu.wait_dma2 semaphore(%arg25 : memref<!tpu.dma_semaphore, #tpu.memory_space<semaphore_mem>>) src(%dma_wait3A_205 : memref<128x128xf32, #tpu.memory_space<hbm>>) dst(%arg8 : memref<128x128xf32, #tpu.memory_space<vmem>>)
    %dma_wait3A_206 = arith.constant 0 : i32
    %dma_wait3A_207 = tpu.memref_slice %arg3[%add3A_173, %dma_wait3A_206] : memref<320000x128xf32, #tpu.memory_space<hbm>> -> memref<128x128xf32, #tpu.memory_space<hbm>>
    %dma_wait3A_208 = arith.constant 0 : i32
    %dma_wait3A_209 = tpu.memref_slice %arg3[%add3A_173, %dma_wait3A_208] : memref<320000x128xf32, #tpu.memory_space<hbm>> -> memref<128x128xf32, #tpu.memory_space<hbm>>
    tpu.wait_dma2 semaphore(%arg25 : memref<!tpu.dma_semaphore, #tpu.memory_space<semaphore_mem>>) src(%dma_wait3A_209 : memref<128x128xf32, #tpu.memory_space<hbm>>) dst(%arg9 : memref<128x128xf32, #tpu.memory_space<vmem>>)
    %dma_wait3A_210 = arith.constant 0 : i32
    %dma_wait3A_211 = tpu.memref_slice %arg3[%add3A_186, %dma_wait3A_210] : memref<320000x128xf32, #tpu.memory_space<hbm>> -> memref<128x128xf32, #tpu.memory_space<hbm>>
    %dma_wait3A_212 = arith.constant 0 : i32
    %dma_wait3A_213 = tpu.memref_slice %arg3[%add3A_186, %dma_wait3A_212] : memref<320000x128xf32, #tpu.memory_space<hbm>> -> memref<128x128xf32, #tpu.memory_space<hbm>>
    tpu.wait_dma2 semaphore(%arg25 : memref<!tpu.dma_semaphore, #tpu.memory_space<semaphore_mem>>) src(%dma_wait3A_213 : memref<128x128xf32, #tpu.memory_space<hbm>>) dst(%arg10 : memref<128x128xf32, #tpu.memory_space<vmem>>)
    %sub3A_214 = arith.constant 31 : i32
    %sub3A_215 = arith.subi %sub3A_214, %arg1 : i32
    %mul3A_216 = arith.constant 10000 : i32
    %mul3A_217 = arith.muli %sub3A_215, %mul3A_216 : i32
    %dma_start3A_218 = tpu.memref_slice %arg2[%mul3A_217] : memref<320128xi32, #tpu.memory_space<hbm>> -> memref<10128xi32, #tpu.memory_space<hbm>>
    %dma_start3A_219 = tpu.memref_slice %arg2[%mul3A_217] : memref<320128xi32, #tpu.memory_space<hbm>> -> memref<10128xi32, #tpu.memory_space<hbm>>
    tpu.enqueue_dma source(%dma_start3A_219 : memref<10128xi32, #tpu.memory_space<hbm>>) target(%arg18 : memref<10128xi32, #tpu.memory_space<vmem>>) target_semaphore(%arg27 : memref<!tpu.dma_semaphore, #tpu.memory_space<semaphore_mem>>)
    %dma_start3A_220 = tpu.memref_slice %arg4[%mul3A_217] : memref<320000xf32, #tpu.memory_space<hbm>> -> memref<10000xf32, #tpu.memory_space<hbm>>
    %dma_start3A_221 = tpu.memref_slice %arg4[%mul3A_217] : memref<320000xf32, #tpu.memory_space<hbm>> -> memref<10000xf32, #tpu.memory_space<hbm>>
    tpu.enqueue_dma source(%dma_start3A_221 : memref<10000xf32, #tpu.memory_space<hbm>>) target(%arg19 : memref<10000xf32, #tpu.memory_space<vmem>>) target_semaphore(%arg27 : memref<!tpu.dma_semaphore, #tpu.memory_space<semaphore_mem>>)
    %dma_wait3A_222 = tpu.memref_slice %arg2[%mul3A_217] : memref<320128xi32, #tpu.memory_space<hbm>> -> memref<10128xi32, #tpu.memory_space<hbm>>
    %dma_wait3A_223 = tpu.memref_slice %arg2[%mul3A_217] : memref<320128xi32, #tpu.memory_space<hbm>> -> memref<10128xi32, #tpu.memory_space<hbm>>
    tpu.wait_dma2 semaphore(%arg27 : memref<!tpu.dma_semaphore, #tpu.memory_space<semaphore_mem>>) src(%dma_wait3A_223 : memref<10128xi32, #tpu.memory_space<hbm>>) dst(%arg18 : memref<10128xi32, #tpu.memory_space<vmem>>)
    %dma_wait3A_224 = tpu.memref_slice %arg4[%mul3A_217] : memref<320000xf32, #tpu.memory_space<hbm>> -> memref<10000xf32, #tpu.memory_space<hbm>>
    %dma_wait3A_225 = tpu.memref_slice %arg4[%mul3A_217] : memref<320000xf32, #tpu.memory_space<hbm>> -> memref<10000xf32, #tpu.memory_space<hbm>>
    tpu.wait_dma2 semaphore(%arg27 : memref<!tpu.dma_semaphore, #tpu.memory_space<semaphore_mem>>) src(%dma_wait3A_225 : memref<10000xf32, #tpu.memory_space<hbm>>) dst(%arg19 : memref<10000xf32, #tpu.memory_space<vmem>>)
    %scan3A_226 = arith.constant 79 : i32
    %scan3A_227 = arith.constant 0 : i32
    %scan3A_228 = arith.constant 0 : i32
    %scan3A_229 = arith.constant 5 : i32
    %scan3A_230 = arith.addi %scan3A_228, %scan3A_229 : i32
    %scan3A_231 = arith.constant 1 : i32
    %scan3A_232:2 = scf.for %scan3A_539 = %scan3A_228 to %scan3A_230 step %scan3A_231 iter_args(%scan3A_540 = %scan3A_226, %scan3A_541 = %scan3A_227) -> (i32, i32)  : i32 {
      %mul3A_542 = arith.constant 16 : i32
      %mul3A_543 = arith.muli %scan3A_539, %mul3A_542 : i32
      %add3A_544 = vector.broadcast %mul3A_543 : i32 to vector<16xi32>
      %add3A_545 = arith.addi %add3A_544, %iota3A : vector<16xi32>
      %mul3A_546 = arith.constant 128 : i32
      %mul3A_547 = vector.broadcast %mul3A_546 : i32 to vector<16xi32>
      %mul3A_548 = arith.muli %add3A_545, %mul3A_547 : vector<16xi32>
      %min3A_549 = arith.constant 9872 : i32
      %min3A_550 = vector.broadcast %min3A_549 : i32 to vector<16xi32>
      %min3A_551 = arith.minsi %mul3A_548, %min3A_550 : vector<16xi32>
      %gather3A = tpu.vector_load_idx %arg18[%min3A_551] : memref<10128xi32, #tpu.memory_space<vmem>>[vector<16xi32>], vector<16xi32>,
      %add3A_552 = arith.constant 128 : i32
      %add3A_553 = vector.broadcast %add3A_552 : i32 to vector<16xi32>
      %add3A_554 = arith.addi %min3A_551, %add3A_553 : vector<16xi32>
      %sub3A_555 = arith.constant 1 : i32
      %sub3A_556 = vector.broadcast %sub3A_555 : i32 to vector<16xi32>
      %sub3A_557 = arith.subi %add3A_554, %sub3A_556 : vector<16xi32>
      %gather3A_558 = tpu.vector_load_idx %arg18[%sub3A_557] : memref<10128xi32, #tpu.memory_space<vmem>>[vector<16xi32>], vector<16xi32>,
      %add3A_559 = arith.constant 5000 : i32
      %add3A_560 = arith.addi %mul3A_0, %add3A_559 : i32
      %lt3A = vector.broadcast %add3A_560 : i32 to vector<16xi32>
      %lt3A_561 = arith.cmpi slt, %gather3A, %lt3A : vector<16xi32>
      %ge3A = vector.broadcast %mul3A_0 : i32 to vector<16xi32>
      %ge3A_562 = arith.cmpi sge, %gather3A_558, %ge3A : vector<16xi32>
      %and3A_563 = arith.andi %lt3A_561, %ge3A_562 : vector<16xi1>
      %lt3A_564 = arith.constant 79 : i32
      %lt3A_565 = vector.broadcast %lt3A_564 : i32 to vector<16xi32>
      %lt3A_566 = arith.cmpi slt, %add3A_545, %lt3A_565 : vector<16xi32>
      %and3A_567 = arith.andi %and3A_563, %lt3A_566 : vector<16xi1>
      %jit3A_568 = arith.constant 79 : i32
      %broadcast_in_dim3A_569 = vector.broadcast %jit3A_568 : i32 to vector<16xi32>
      %select_n3A_570 = arith.select %and3A_567, %add3A_545, %broadcast_in_dim3A_569 : vector<16xi1>, vector<16xi32>
      %reduce_min3A = arith.constant true
      %reduce_min3A_571 = vector.broadcast %reduce_min3A : i1 to vector<16xi1>
      %reduce_min3A_572 = arith.constant -2147483648 : i32
      %reduce_min3A_573 = vector.broadcast %reduce_min3A_572 : i32 to vector<16xi32>
      %reduce_min3A_574 = arith.xori %select_n3A_570, %reduce_min3A_573 : vector<16xi32>
      %reduce_min3A_575 = tpu.scan <min>, %reduce_min3A_574 masked %reduce_min3A_571 : vector<16xi32>, vector<16xi1> -> vector<16xi32>
      %reduce_min3A_576 = arith.xori %reduce_min3A_575, %reduce_min3A_573 : vector<16xi32>
      %reduce_min3A_577 = vector.extract %reduce_min3A_576[15] : i32 from vector<16xi32>
      %add3A_578 = arith.constant 1 : i32
      %add3A_579 = vector.broadcast %add3A_578 : i32 to vector<16xi32>
      %add3A_580 = arith.addi %add3A_545, %add3A_579 : vector<16xi32>
      %jit3A_581 = arith.constant 0 : i32
      %broadcast_in_dim3A_582 = vector.broadcast %jit3A_581 : i32 to vector<16xi32>
      %select_n3A_583 = arith.select %and3A_567, %add3A_580, %broadcast_in_dim3A_582 : vector<16xi1>, vector<16xi32>
      %reduce_max3A = arith.constant true
      %reduce_max3A_584 = vector.broadcast %reduce_max3A : i1 to vector<16xi1>
      %reduce_max3A_585 = arith.constant -2147483648 : i32
      %reduce_max3A_586 = vector.broadcast %reduce_max3A_585 : i32 to vector<16xi32>
      %reduce_max3A_587 = arith.xori %select_n3A_583, %reduce_max3A_586 : vector<16xi32>
      %reduce_max3A_588 = tpu.scan <max>, %reduce_max3A_587 masked %reduce_max3A_584 : vector<16xi32>, vector<16xi1> -> vector<16xi32>
      %reduce_max3A_589 = arith.xori %reduce_max3A_588, %reduce_max3A_586 : vector<16xi32>
      %reduce_max3A_590 = vector.extract %reduce_max3A_589[15] : i32 from vector<16xi32>
      %min3A_591 = arith.minsi %scan3A_540, %reduce_min3A_577 : i32
      %max3A_592 = arith.maxsi %scan3A_541, %reduce_max3A_590 : i32
      scf.yield %min3A_591, %max3A_592 : i32, i32
    }
    %scan3A_233 = arith.constant 5 : i32
    %sub3A_234 = arith.subi %scan3A_232#1, %scan3A_232#0 : i32
    %max3A_235 = arith.constant 0 : i32
    %max3A_236 = arith.maxsi %sub3A_234, %max3A_235 : i32
    %add3A_237 = arith.constant 2 : i32
    %add3A_238 = arith.addi %max3A_236, %add3A_237 : i32
    %jit3A_239 = arith.constant 3 : i32
    %div3A_240 = arith.divsi %add3A_238, %jit3A_239 : i32
    %sign3A_241 = arith.constant 0 : i32
    %sign3A_242 = arith.cmpi sgt, %add3A_238, %sign3A_241 : i32
    %sign3A_243 = arith.extui %sign3A_242 : i1 to i32
    %sign3A_244 = arith.constant 0 : i32
    %sign3A_245 = arith.cmpi slt, %add3A_238, %sign3A_244 : i32
    %sign3A_246 = arith.extui %sign3A_245 : i1 to i32
    %sign3A_247 = arith.subi %sign3A_243, %sign3A_246 : i32
    %sign3A_248 = arith.constant 0 : i32
    %sign3A_249 = arith.cmpi sgt, %jit3A_239, %sign3A_248 : i32
    %sign3A_250 = arith.extui %sign3A_249 : i1 to i32
    %sign3A_251 = arith.constant 0 : i32
    %sign3A_252 = arith.cmpi slt, %jit3A_239, %sign3A_251 : i32
    %sign3A_253 = arith.extui %sign3A_252 : i1 to i32
    %sign3A_254 = arith.subi %sign3A_250, %sign3A_253 : i32
    %ne3A_255 = arith.cmpi ne, %sign3A_247, %sign3A_254 : i32
    %rem3A_256 = arith.remsi %add3A_238, %jit3A_239 : i32
    %ne3A_257 = arith.constant 0 : i32
    %ne3A_258 = arith.cmpi ne, %rem3A_256, %ne3A_257 : i32
    %and3A_259 = arith.andi %ne3A_255, %ne3A_258 : i1
    %sub3A_260 = arith.constant 1 : i32
    %sub3A_261 = arith.subi %div3A_240, %sub3A_260 : i32
    %select_n3A_262 = arith.select %and3A_259, %sub3A_261, %div3A_240 : i32
    %min3A_263 = arith.constant 78 : i32
    %min3A_264 = arith.minsi %scan3A_232#0, %min3A_263 : i32
    %mul3A_265 = arith.constant 128 : i32
    %mul3A_266 = arith.muli %min3A_264, %mul3A_265 : i32
    %min3A_267 = arith.constant 9872 : i32
    %min3A_268 = arith.minsi %mul3A_266, %min3A_267 : i32
    %add3A_269 = arith.addi %mul3A_217, %min3A_268 : i32
    %dma_start3A_270 = arith.constant 0 : i32
    %dma_start3A_271 = tpu.memref_slice %arg3[%add3A_269, %dma_start3A_270] : memref<320000x128xf32, #tpu.memory_space<hbm>> -> memref<128x128xf32, #tpu.memory_space<hbm>>
    %dma_start3A_272 = arith.constant 0 : i32
    %dma_start3A_273 = tpu.memref_slice %arg3[%add3A_269, %dma_start3A_272] : memref<320000x128xf32, #tpu.memory_space<hbm>> -> memref<128x128xf32, #tpu.memory_space<hbm>>
    tpu.enqueue_dma source(%dma_start3A_273 : memref<128x128xf32, #tpu.memory_space<hbm>>) target(%arg8 : memref<128x128xf32, #tpu.memory_space<vmem>>) target_semaphore(%arg25 : memref<!tpu.dma_semaphore, #tpu.memory_space<semaphore_mem>>)
    %add3A_274 = arith.constant 1 : i32
    %add3A_275 = arith.addi %scan3A_232#0, %add3A_274 : i32
    %min3A_276 = arith.constant 78 : i32
    %min3A_277 = arith.minsi %add3A_275, %min3A_276 : i32
    %mul3A_278 = arith.constant 128 : i32
    %mul3A_279 = arith.muli %min3A_277, %mul3A_278 : i32
    %min3A_280 = arith.constant 9872 : i32
    %min3A_281 = arith.minsi %mul3A_279, %min3A_280 : i32
    %add3A_282 = arith.addi %mul3A_217, %min3A_281 : i32
    %dma_start3A_283 = arith.constant 0 : i32
    %dma_start3A_284 = tpu.memref_slice %arg3[%add3A_282, %dma_start3A_283] : memref<320000x128xf32, #tpu.memory_space<hbm>> -> memref<128x128xf32, #tpu.memory_space<hbm>>
    %dma_start3A_285 = arith.constant 0 : i32
    %dma_start3A_286 = tpu.memref_slice %arg3[%add3A_282, %dma_start3A_285] : memref<320000x128xf32, #tpu.memory_space<hbm>> -> memref<128x128xf32, #tpu.memory_space<hbm>>
    tpu.enqueue_dma source(%dma_start3A_286 : memref<128x128xf32, #tpu.memory_space<hbm>>) target(%arg9 : memref<128x128xf32, #tpu.memory_space<vmem>>) target_semaphore(%arg25 : memref<!tpu.dma_semaphore, #tpu.memory_space<semaphore_mem>>)
    %add3A_287 = arith.constant 2 : i32
    %add3A_288 = arith.addi %scan3A_232#0, %add3A_287 : i32
    %min3A_289 = arith.constant 78 : i32
    %min3A_290 = arith.minsi %add3A_288, %min3A_289 : i32
    %mul3A_291 = arith.constant 128 : i32
    %mul3A_292 = arith.muli %min3A_290, %mul3A_291 : i32
    %min3A_293 = arith.constant 9872 : i32
    %min3A_294 = arith.minsi %mul3A_292, %min3A_293 : i32
    %add3A_295 = arith.addi %mul3A_217, %min3A_294 : i32
    %dma_start3A_296 = arith.constant 0 : i32
    %dma_start3A_297 = tpu.memref_slice %arg3[%add3A_295, %dma_start3A_296] : memref<320000x128xf32, #tpu.memory_space<hbm>> -> memref<128x128xf32, #tpu.memory_space<hbm>>
    %dma_start3A_298 = arith.constant 0 : i32
    %dma_start3A_299 = tpu.memref_slice %arg3[%add3A_295, %dma_start3A_298] : memref<320000x128xf32, #tpu.memory_space<hbm>> -> memref<128x128xf32, #tpu.memory_space<hbm>>
    tpu.enqueue_dma source(%dma_start3A_299 : memref<128x128xf32, #tpu.memory_space<hbm>>) target(%arg10 : memref<128x128xf32, #tpu.memory_space<vmem>>) target_semaphore(%arg25 : memref<!tpu.dma_semaphore, #tpu.memory_space<semaphore_mem>>)
    %while3A_300 = arith.constant 0 : i32
    %while3A_301 = arith.constant 0 : i32
    %while3A_302 = arith.subi %select_n3A_262, %while3A_300 : i32
    %while3A_303 = arith.addi %while3A_300, %while3A_302 : i32
    %while3A_304 = arith.constant 1 : i32
    %while3A_305 = arith.divsi %while3A_302, %while3A_304 : i32
    %while3A_306 = arith.muli %while3A_305, %while3A_304 : i32
    %while3A_307 = arith.addi %while3A_300, %while3A_306 : i32
    %while3A_308 = arith.constant 1 : i32
    %while3A_309 = scf.for %while3A_539 = %while3A_300 to %while3A_307 step %while3A_308 iter_args(%while3A_540 = %while3A_301) -> (i32)  : i32 {
      %mul3A_541 = arith.constant 3 : i32
      %mul3A_542 = arith.muli %mul3A_541, %while3A_539 : i32
      %add3A_543 = arith.addi %scan3A_232#0, %mul3A_542 : i32
      %dma_wait3A_544 = arith.constant 0 : i32
      %dma_wait3A_545 = tpu.memref_slice %arg3[%add3A_269, %dma_wait3A_544] : memref<320000x128xf32, #tpu.memory_space<hbm>> -> memref<128x128xf32, #tpu.memory_space<hbm>>
      %dma_wait3A_546 = arith.constant 0 : i32
      %dma_wait3A_547 = tpu.memref_slice %arg3[%add3A_269, %dma_wait3A_546] : memref<320000x128xf32, #tpu.memory_space<hbm>> -> memref<128x128xf32, #tpu.memory_space<hbm>>
      tpu.wait_dma2 semaphore(%arg25 : memref<!tpu.dma_semaphore, #tpu.memory_space<semaphore_mem>>) src(%dma_wait3A_547 : memref<128x128xf32, #tpu.memory_space<hbm>>) dst(%arg8 : memref<128x128xf32, #tpu.memory_space<vmem>>)
      %mul3A_548 = arith.constant 128 : i32
      %mul3A_549 = arith.muli %add3A_543, %mul3A_548 : i32
      %min3A_550 = arith.constant 9872 : i32
      %min3A_551 = arith.minsi %mul3A_549, %min3A_550 : i32
      %lt3A = arith.cmpi slt, %add3A_543, %scan3A_232#1 : i32
      %scan3A_552 = arith.constant 0 : i32
      %scan3A_553 = arith.constant 0 : i32
      %scan3A_554 = arith.constant 8 : i32
      %scan3A_555 = arith.addi %scan3A_553, %scan3A_554 : i32
      %scan3A_556 = arith.constant 1 : i32
      %scan3A_557 = scf.for %scan3A_677 = %scan3A_553 to %scan3A_555 step %scan3A_556 iter_args(%scan3A_678 = %scan3A_552) -> (i32)  : i32 {
        %mul3A_679 = arith.constant 16 : i32
        %mul3A_680 = arith.muli %scan3A_677, %mul3A_679 : i32
        %add3A_681 = arith.addi %min3A_551, %mul3A_680 : i32
        %add3A_682 = vector.broadcast %add3A_681 : i32 to vector<16xi32>
        %add3A_683 = arith.addi %add3A_682, %iota3A : vector<16xi32>
        %get3A = arith.index_cast %add3A_681 : i32 to index
        %get3A_684 = tpu.vector_load %arg18[%get3A] {strides = array<i32>} : memref<10128xi32, #tpu.memory_space<vmem>>, vector<16xi32>,
        %add3A_685 = arith.constant 128 : i32
        %add3A_686 = vector.broadcast %add3A_685 : i32 to vector<16xi32>
        %add3A_687 = arith.addi %add3A_683, %add3A_686 : vector<16xi32>
        %gather3A = tpu.vector_load_idx %arg18[%add3A_687] : memref<10128xi32, #tpu.memory_space<vmem>>[vector<16xi32>], vector<16xi32>,
        %add3A_688 = arith.constant 1 : i32
        %add3A_689 = vector.broadcast %add3A_688 : i32 to vector<16xi32>
        %add3A_690 = arith.addi %add3A_683, %add3A_689 : vector<16xi32>
        %gather3A_691 = tpu.vector_load_idx %arg18[%add3A_690] : memref<10128xi32, #tpu.memory_space<vmem>>[vector<16xi32>], vector<16xi32>,
        %sub3A_692 = vector.broadcast %mul3A_0 : i32 to vector<16xi32>
        %sub3A_693 = arith.subi %get3A_684, %sub3A_692 : vector<16xi32>
        %mul3A_694 = arith.constant 128 : i32
        %mul3A_695 = arith.muli %add3A_543, %mul3A_694 : i32
        %ge3A = vector.broadcast %mul3A_695 : i32 to vector<16xi32>
        %ge3A_696 = arith.cmpi sge, %add3A_683, %ge3A : vector<16xi32>
        %and3A_697 = vector.broadcast %lt3A : i1 to vector<16xi1>
        %and3A_698 = arith.andi %ge3A_696, %and3A_697 : vector<16xi1>
        %ne3A_699 = arith.cmpi ne, %gather3A, %get3A_684 : vector<16xi32>
        %ge3A_700 = arith.constant 0 : i32
        %ge3A_701 = vector.broadcast %ge3A_700 : i32 to vector<16xi32>
        %ge3A_702 = arith.cmpi sge, %sub3A_693, %ge3A_701 : vector<16xi32>
        %and3A_703 = arith.andi %ne3A_699, %ge3A_702 : vector<16xi1>
        %lt3A_704 = arith.constant 5000 : i32
        %lt3A_705 = vector.broadcast %lt3A_704 : i32 to vector<16xi32>
        %lt3A_706 = arith.cmpi slt, %sub3A_693, %lt3A_705 : vector<16xi32>
        %and3A_707 = arith.andi %and3A_703, %lt3A_706 : vector<16xi1>
        %and3A_708 = arith.andi %and3A_707, %and3A_698 : vector<16xi1>
        %ne3A_709 = arith.cmpi ne, %gather3A_691, %get3A_684 : vector<16xi32>
        %and3A_710 = arith.andi %ne3A_709, %and3A_698 : vector<16xi1>
        %jit3A_711 = arith.constant 5008 : i32
        %broadcast_in_dim3A_712 = vector.broadcast %jit3A_711 : i32 to vector<16xi32>
        %select_n3A_713 = arith.select %and3A_708, %sub3A_693, %broadcast_in_dim3A_712 : vector<16xi1>, vector<16xi32>
        %mul3A_714 = arith.constant 16 : i32
        %mul3A_715 = arith.muli %scan3A_677, %mul3A_714 : i32
        %swap3A = arith.index_cast %mul3A_715 : i32 to index
        %swap3A_716 = tpu.vector_load %arg11[%swap3A] {strides = array<i32>} : memref<128xi32, #tpu.memory_space<vmem>>, vector<16xi32>,
        tpu.vector_store %arg11[%swap3A], %select_n3A_713 {strides = array<i32>} : memref<128xi32, #tpu.memory_space<vmem>>, vector<16xi32>,
        %get3A_717 = arith.index_cast %add3A_681 : i32 to index
        %get3A_718 = tpu.vector_load %arg19[%get3A_717] {strides = array<i32>} : memref<10000xf32, #tpu.memory_space<vmem>>, vector<16xf32>,
        %jit3A_719 = arith.constant 0.000000e+00 : f32
        %broadcast_in_dim3A_720 = vector.broadcast %jit3A_719 : f32 to vector<16xf32>
        %select_n3A_721 = arith.select %and3A_710, %get3A_718, %broadcast_in_dim3A_720 : vector<16xi1>, vector<16xf32>
        %mul3A_722 = arith.constant 16 : i32
        %mul3A_723 = arith.muli %scan3A_677, %mul3A_722 : i32
        %swap3A_724 = arith.index_cast %mul3A_723 : i32 to index
        %swap3A_725 = tpu.vector_load %arg14[%swap3A_724] {strides = array<i32>} : memref<128xf32, #tpu.memory_space<vmem>>, vector<16xf32>,
        tpu.vector_store %arg14[%swap3A_724], %select_n3A_721 {strides = array<i32>} : memref<128xf32, #tpu.memory_space<vmem>>, vector<16xf32>,
        %scan3A_726 = arith.constant 0 : i32
        scf.yield %scan3A_726 : i32
      }
      %scan3A_558 = arith.constant 8 : i32
      %dma_start3A_559 = arith.constant 0 : i32
      %dma_start3A_560 = arith.constant 0 : i32
      %dma_start3A_561 = tpu.memref_slice %arg22[%dma_start3A_559, %dma_start3A_560] : memref<5120x128xf32, #tpu.memory_space<vmem_shared>> -> memref<5120x128xf32, #tpu.memory_space<vmem_shared>>
      tpu.enqueue_indirect_dma source(%arg8 : memref<128x128xf32, #tpu.memory_space<vmem>>) target(%dma_start3A_561 : memref<5120x128xf32, #tpu.memory_space<vmem_shared>>) offsets(%arg11 : memref<128xi32, #tpu.memory_space<vmem>>) semaphore(%arg26 : memref<!tpu.dma_semaphore, #tpu.memory_space<semaphore_mem>>) {add = true}
      %dma_start3A_562 = arith.constant 0 : i32
      %dma_start3A_563 = tpu.memref_slice %arg23[%dma_start3A_562] : memref<5120xf32, #tpu.memory_space<vmem_shared>> -> memref<5120xf32, #tpu.memory_space<vmem_shared>>
      tpu.enqueue_indirect_dma source(%arg17 : memref<128xf32, #tpu.memory_space<vmem>>) target(%dma_start3A_563 : memref<5120xf32, #tpu.memory_space<vmem_shared>>) offsets(%arg11 : memref<128xi32, #tpu.memory_space<vmem>>) semaphore(%arg26 : memref<!tpu.dma_semaphore, #tpu.memory_space<semaphore_mem>>) {add = true}
      %dma_start3A_564 = arith.constant 0 : i32
      %dma_start3A_565 = tpu.memref_slice %arg24[%dma_start3A_564] : memref<5120xf32, #tpu.memory_space<vmem_shared>> -> memref<5120xf32, #tpu.memory_space<vmem_shared>>
      tpu.enqueue_indirect_dma source(%arg14 : memref<128xf32, #tpu.memory_space<vmem>>) target(%dma_start3A_565 : memref<5120xf32, #tpu.memory_space<vmem_shared>>) offsets(%arg11 : memref<128xi32, #tpu.memory_space<vmem>>) semaphore(%arg26 : memref<!tpu.dma_semaphore, #tpu.memory_space<semaphore_mem>>) {add = true}
      %dma_wait3A_566 = arith.constant 0 : i32
      %dma_wait3A_567 = tpu.memref_slice %arg3[%add3A_282, %dma_wait3A_566] : memref<320000x128xf32, #tpu.memory_space<hbm>> -> memref<128x128xf32, #tpu.memory_space<hbm>>
      %dma_wait3A_568 = arith.constant 0 : i32
      %dma_wait3A_569 = tpu.memref_slice %arg3[%add3A_282, %dma_wait3A_568] : memref<320000x128xf32, #tpu.memory_space<hbm>> -> memref<128x128xf32, #tpu.memory_space<hbm>>
      tpu.wait_dma2 semaphore(%arg25 : memref<!tpu.dma_semaphore, #tpu.memory_space<semaphore_mem>>) src(%dma_wait3A_569 : memref<128x128xf32, #tpu.memory_space<hbm>>) dst(%arg9 : memref<128x128xf32, #tpu.memory_space<vmem>>)
      %add3A_570 = arith.constant 1 : i32
      %add3A_571 = arith.addi %add3A_543, %add3A_570 : i32
      %mul3A_572 = arith.constant 128 : i32
      %mul3A_573 = arith.muli %add3A_571, %mul3A_572 : i32
      %min3A_574 = arith.constant 9872 : i32
      %min3A_575 = arith.minsi %mul3A_573, %min3A_574 : i32
      %lt3A_576 = arith.cmpi slt, %add3A_571, %scan3A_232#1 : i32
      %scan3A_577 = arith.constant 0 : i32
      %scan3A_578 = arith.constant 0 : i32
      %scan3A_579 = arith.constant 8 : i32
      %scan3A_580 = arith.addi %scan3A_578, %scan3A_579 : i32
      %scan3A_581 = arith.constant 1 : i32
      %scan3A_582 = scf.for %scan3A_677 = %scan3A_578 to %scan3A_580 step %scan3A_581 iter_args(%scan3A_678 = %scan3A_577) -> (i32)  : i32 {
        %mul3A_679 = arith.constant 16 : i32
        %mul3A_680 = arith.muli %scan3A_677, %mul3A_679 : i32
        %add3A_681 = arith.addi %min3A_575, %mul3A_680 : i32
        %add3A_682 = vector.broadcast %add3A_681 : i32 to vector<16xi32>
        %add3A_683 = arith.addi %add3A_682, %iota3A : vector<16xi32>
        %get3A = arith.index_cast %add3A_681 : i32 to index
        %get3A_684 = tpu.vector_load %arg18[%get3A] {strides = array<i32>} : memref<10128xi32, #tpu.memory_space<vmem>>, vector<16xi32>,
        %add3A_685 = arith.constant 128 : i32
        %add3A_686 = vector.broadcast %add3A_685 : i32 to vector<16xi32>
        %add3A_687 = arith.addi %add3A_683, %add3A_686 : vector<16xi32>
        %gather3A = tpu.vector_load_idx %arg18[%add3A_687] : memref<10128xi32, #tpu.memory_space<vmem>>[vector<16xi32>], vector<16xi32>,
        %add3A_688 = arith.constant 1 : i32
        %add3A_689 = vector.broadcast %add3A_688 : i32 to vector<16xi32>
        %add3A_690 = arith.addi %add3A_683, %add3A_689 : vector<16xi32>
        %gather3A_691 = tpu.vector_load_idx %arg18[%add3A_690] : memref<10128xi32, #tpu.memory_space<vmem>>[vector<16xi32>], vector<16xi32>,
        %sub3A_692 = vector.broadcast %mul3A_0 : i32 to vector<16xi32>
        %sub3A_693 = arith.subi %get3A_684, %sub3A_692 : vector<16xi32>
        %mul3A_694 = arith.constant 128 : i32
        %mul3A_695 = arith.muli %add3A_571, %mul3A_694 : i32
        %ge3A = vector.broadcast %mul3A_695 : i32 to vector<16xi32>
        %ge3A_696 = arith.cmpi sge, %add3A_683, %ge3A : vector<16xi32>
        %and3A_697 = vector.broadcast %lt3A_576 : i1 to vector<16xi1>
        %and3A_698 = arith.andi %ge3A_696, %and3A_697 : vector<16xi1>
        %ne3A_699 = arith.cmpi ne, %gather3A, %get3A_684 : vector<16xi32>
        %ge3A_700 = arith.constant 0 : i32
        %ge3A_701 = vector.broadcast %ge3A_700 : i32 to vector<16xi32>
        %ge3A_702 = arith.cmpi sge, %sub3A_693, %ge3A_701 : vector<16xi32>
        %and3A_703 = arith.andi %ne3A_699, %ge3A_702 : vector<16xi1>
        %lt3A_704 = arith.constant 5000 : i32
        %lt3A_705 = vector.broadcast %lt3A_704 : i32 to vector<16xi32>
        %lt3A_706 = arith.cmpi slt, %sub3A_693, %lt3A_705 : vector<16xi32>
        %and3A_707 = arith.andi %and3A_703, %lt3A_706 : vector<16xi1>
        %and3A_708 = arith.andi %and3A_707, %and3A_698 : vector<16xi1>
        %ne3A_709 = arith.cmpi ne, %gather3A_691, %get3A_684 : vector<16xi32>
        %and3A_710 = arith.andi %ne3A_709, %and3A_698 : vector<16xi1>
        %jit3A_711 = arith.constant 5008 : i32
        %broadcast_in_dim3A_712 = vector.broadcast %jit3A_711 : i32 to vector<16xi32>
        %select_n3A_713 = arith.select %and3A_708, %sub3A_693, %broadcast_in_dim3A_712 : vector<16xi1>, vector<16xi32>
        %mul3A_714 = arith.constant 16 : i32
        %mul3A_715 = arith.muli %scan3A_677, %mul3A_714 : i32
        %swap3A = arith.index_cast %mul3A_715 : i32 to index
        %swap3A_716 = tpu.vector_load %arg12[%swap3A] {strides = array<i32>} : memref<128xi32, #tpu.memory_space<vmem>>, vector<16xi32>,
        tpu.vector_store %arg12[%swap3A], %select_n3A_713 {strides = array<i32>} : memref<128xi32, #tpu.memory_space<vmem>>, vector<16xi32>,
        %get3A_717 = arith.index_cast %add3A_681 : i32 to index
        %get3A_718 = tpu.vector_load %arg19[%get3A_717] {strides = array<i32>} : memref<10000xf32, #tpu.memory_space<vmem>>, vector<16xf32>,
        %jit3A_719 = arith.constant 0.000000e+00 : f32
        %broadcast_in_dim3A_720 = vector.broadcast %jit3A_719 : f32 to vector<16xf32>
        %select_n3A_721 = arith.select %and3A_710, %get3A_718, %broadcast_in_dim3A_720 : vector<16xi1>, vector<16xf32>
        %mul3A_722 = arith.constant 16 : i32
        %mul3A_723 = arith.muli %scan3A_677, %mul3A_722 : i32
        %swap3A_724 = arith.index_cast %mul3A_723 : i32 to index
        %swap3A_725 = tpu.vector_load %arg15[%swap3A_724] {strides = array<i32>} : memref<128xf32, #tpu.memory_space<vmem>>, vector<16xf32>,
        tpu.vector_store %arg15[%swap3A_724], %select_n3A_721 {strides = array<i32>} : memref<128xf32, #tpu.memory_space<vmem>>, vector<16xf32>,
        %scan3A_726 = arith.constant 0 : i32
        scf.yield %scan3A_726 : i32
      }
      %scan3A_583 = arith.constant 8 : i32
      %dma_start3A_584 = arith.constant 0 : i32
      %dma_start3A_585 = arith.constant 0 : i32
      %dma_start3A_586 = tpu.memref_slice %arg22[%dma_start3A_584, %dma_start3A_585] : memref<5120x128xf32, #tpu.memory_space<vmem_shared>> -> memref<5120x128xf32, #tpu.memory_space<vmem_shared>>
      tpu.enqueue_indirect_dma source(%arg9 : memref<128x128xf32, #tpu.memory_space<vmem>>) target(%dma_start3A_586 : memref<5120x128xf32, #tpu.memory_space<vmem_shared>>) offsets(%arg12 : memref<128xi32, #tpu.memory_space<vmem>>) semaphore(%arg26 : memref<!tpu.dma_semaphore, #tpu.memory_space<semaphore_mem>>) {add = true}
      %dma_start3A_587 = arith.constant 0 : i32
      %dma_start3A_588 = tpu.memref_slice %arg23[%dma_start3A_587] : memref<5120xf32, #tpu.memory_space<vmem_shared>> -> memref<5120xf32, #tpu.memory_space<vmem_shared>>
      tpu.enqueue_indirect_dma source(%arg17 : memref<128xf32, #tpu.memory_space<vmem>>) target(%dma_start3A_588 : memref<5120xf32, #tpu.memory_space<vmem_shared>>) offsets(%arg12 : memref<128xi32, #tpu.memory_space<vmem>>) semaphore(%arg26 : memref<!tpu.dma_semaphore, #tpu.memory_space<semaphore_mem>>) {add = true}
      %dma_start3A_589 = arith.constant 0 : i32
      %dma_start3A_590 = tpu.memref_slice %arg24[%dma_start3A_589] : memref<5120xf32, #tpu.memory_space<vmem_shared>> -> memref<5120xf32, #tpu.memory_space<vmem_shared>>
      tpu.enqueue_indirect_dma source(%arg15 : memref<128xf32, #tpu.memory_space<vmem>>) target(%dma_start3A_590 : memref<5120xf32, #tpu.memory_space<vmem_shared>>) offsets(%arg12 : memref<128xi32, #tpu.memory_space<vmem>>) semaphore(%arg26 : memref<!tpu.dma_semaphore, #tpu.memory_space<semaphore_mem>>) {add = true}
      %dma_wait3A_591 = arith.constant 0 : i32
      %dma_wait3A_592 = arith.constant 0 : i32
      %dma_wait3A_593 = tpu.memref_slice %arg22[%dma_wait3A_591, %dma_wait3A_592] : memref<5120x128xf32, #tpu.memory_space<vmem_shared>> -> memref<5120x128xf32, #tpu.memory_space<vmem_shared>>
      tpu.wait_indirect_dma semaphore(%arg26 : memref<!tpu.dma_semaphore, #tpu.memory_space<semaphore_mem>>) src(%arg8 : memref<128x128xf32, #tpu.memory_space<vmem>>) dst(%dma_wait3A_593 : memref<5120x128xf32, #tpu.memory_space<vmem_shared>>)
      %dma_wait3A_594 = arith.constant 0 : i32
      %dma_wait3A_595 = tpu.memref_slice %arg23[%dma_wait3A_594] : memref<5120xf32, #tpu.memory_space<vmem_shared>> -> memref<5120xf32, #tpu.memory_space<vmem_shared>>
      tpu.wait_indirect_dma semaphore(%arg26 : memref<!tpu.dma_semaphore, #tpu.memory_space<semaphore_mem>>) src(%arg17 : memref<128xf32, #tpu.memory_space<vmem>>) dst(%dma_wait3A_595 : memref<5120xf32, #tpu.memory_space<vmem_shared>>)
      %dma_wait3A_596 = arith.constant 0 : i32
      %dma_wait3A_597 = tpu.memref_slice %arg24[%dma_wait3A_596] : memref<5120xf32, #tpu.memory_space<vmem_shared>> -> memref<5120xf32, #tpu.memory_space<vmem_shared>>
      tpu.wait_indirect_dma semaphore(%arg26 : memref<!tpu.dma_semaphore, #tpu.memory_space<semaphore_mem>>) src(%arg14 : memref<128xf32, #tpu.memory_space<vmem>>) dst(%dma_wait3A_597 : memref<5120xf32, #tpu.memory_space<vmem_shared>>)
      %add3A_598 = arith.constant 3 : i32
      %add3A_599 = arith.addi %add3A_543, %add3A_598 : i32
      %min3A_600 = arith.constant 78 : i32
      %min3A_601 = arith.minsi %add3A_599, %min3A_600 : i32
      %mul3A_602 = arith.constant 128 : i32
      %mul3A_603 = arith.muli %min3A_601, %mul3A_602 : i32
      %min3A_604 = arith.constant 9872 : i32
      %min3A_605 = arith.minsi %mul3A_603, %min3A_604 : i32
      %add3A_606 = arith.addi %mul3A_217, %min3A_605 : i32
      %dma_start3A_607 = arith.constant 0 : i32
      %dma_start3A_608 = tpu.memref_slice %arg3[%add3A_606, %dma_start3A_607] : memref<320000x128xf32, #tpu.memory_space<hbm>> -> memref<128x128xf32, #tpu.memory_space<hbm>>
      %dma_start3A_609 = arith.constant 0 : i32
      %dma_start3A_610 = tpu.memref_slice %arg3[%add3A_606, %dma_start3A_609] : memref<320000x128xf32, #tpu.memory_space<hbm>> -> memref<128x128xf32, #tpu.memory_space<hbm>>
      tpu.enqueue_dma source(%dma_start3A_610 : memref<128x128xf32, #tpu.memory_space<hbm>>) target(%arg8 : memref<128x128xf32, #tpu.memory_space<vmem>>) target_semaphore(%arg25 : memref<!tpu.dma_semaphore, #tpu.memory_space<semaphore_mem>>)
      %dma_wait3A_611 = arith.constant 0 : i32
      %dma_wait3A_612 = tpu.memref_slice %arg3[%add3A_295, %dma_wait3A_611] : memref<320000x128xf32, #tpu.memory_space<hbm>> -> memref<128x128xf32, #tpu.memory_space<hbm>>
      %dma_wait3A_613 = arith.constant 0 : i32
      %dma_wait3A_614 = tpu.memref_slice %arg3[%add3A_295, %dma_wait3A_613] : memref<320000x128xf32, #tpu.memory_space<hbm>> -> memref<128x128xf32, #tpu.memory_space<hbm>>
      tpu.wait_dma2 semaphore(%arg25 : memref<!tpu.dma_semaphore, #tpu.memory_space<semaphore_mem>>) src(%dma_wait3A_614 : memref<128x128xf32, #tpu.memory_space<hbm>>) dst(%arg10 : memref<128x128xf32, #tpu.memory_space<vmem>>)
      %add3A_615 = arith.constant 2 : i32
      %add3A_616 = arith.addi %add3A_543, %add3A_615 : i32
      %mul3A_617 = arith.constant 128 : i32
      %mul3A_618 = arith.muli %add3A_616, %mul3A_617 : i32
      %min3A_619 = arith.constant 9872 : i32
      %min3A_620 = arith.minsi %mul3A_618, %min3A_619 : i32
      %lt3A_621 = arith.cmpi slt, %add3A_616, %scan3A_232#1 : i32
      %scan3A_622 = arith.constant 0 : i32
      %scan3A_623 = arith.constant 0 : i32
      %scan3A_624 = arith.constant 8 : i32
      %scan3A_625 = arith.addi %scan3A_623, %scan3A_624 : i32
      %scan3A_626 = arith.constant 1 : i32
      %scan3A_627 = scf.for %scan3A_677 = %scan3A_623 to %scan3A_625 step %scan3A_626 iter_args(%scan3A_678 = %scan3A_622) -> (i32)  : i32 {
        %mul3A_679 = arith.constant 16 : i32
        %mul3A_680 = arith.muli %scan3A_677, %mul3A_679 : i32
        %add3A_681 = arith.addi %min3A_620, %mul3A_680 : i32
        %add3A_682 = vector.broadcast %add3A_681 : i32 to vector<16xi32>
        %add3A_683 = arith.addi %add3A_682, %iota3A : vector<16xi32>
        %get3A = arith.index_cast %add3A_681 : i32 to index
        %get3A_684 = tpu.vector_load %arg18[%get3A] {strides = array<i32>} : memref<10128xi32, #tpu.memory_space<vmem>>, vector<16xi32>,
        %add3A_685 = arith.constant 128 : i32
        %add3A_686 = vector.broadcast %add3A_685 : i32 to vector<16xi32>
        %add3A_687 = arith.addi %add3A_683, %add3A_686 : vector<16xi32>
        %gather3A = tpu.vector_load_idx %arg18[%add3A_687] : memref<10128xi32, #tpu.memory_space<vmem>>[vector<16xi32>], vector<16xi32>,
        %add3A_688 = arith.constant 1 : i32
        %add3A_689 = vector.broadcast %add3A_688 : i32 to vector<16xi32>
        %add3A_690 = arith.addi %add3A_683, %add3A_689 : vector<16xi32>
        %gather3A_691 = tpu.vector_load_idx %arg18[%add3A_690] : memref<10128xi32, #tpu.memory_space<vmem>>[vector<16xi32>], vector<16xi32>,
        %sub3A_692 = vector.broadcast %mul3A_0 : i32 to vector<16xi32>
        %sub3A_693 = arith.subi %get3A_684, %sub3A_692 : vector<16xi32>
        %mul3A_694 = arith.constant 128 : i32
        %mul3A_695 = arith.muli %add3A_616, %mul3A_694 : i32
        %ge3A = vector.broadcast %mul3A_695 : i32 to vector<16xi32>
        %ge3A_696 = arith.cmpi sge, %add3A_683, %ge3A : vector<16xi32>
        %and3A_697 = vector.broadcast %lt3A_621 : i1 to vector<16xi1>
        %and3A_698 = arith.andi %ge3A_696, %and3A_697 : vector<16xi1>
        %ne3A_699 = arith.cmpi ne, %gather3A, %get3A_684 : vector<16xi32>
        %ge3A_700 = arith.constant 0 : i32
        %ge3A_701 = vector.broadcast %ge3A_700 : i32 to vector<16xi32>
        %ge3A_702 = arith.cmpi sge, %sub3A_693, %ge3A_701 : vector<16xi32>
        %and3A_703 = arith.andi %ne3A_699, %ge3A_702 : vector<16xi1>
        %lt3A_704 = arith.constant 5000 : i32
        %lt3A_705 = vector.broadcast %lt3A_704 : i32 to vector<16xi32>
        %lt3A_706 = arith.cmpi slt, %sub3A_693, %lt3A_705 : vector<16xi32>
        %and3A_707 = arith.andi %and3A_703, %lt3A_706 : vector<16xi1>
        %and3A_708 = arith.andi %and3A_707, %and3A_698 : vector<16xi1>
        %ne3A_709 = arith.cmpi ne, %gather3A_691, %get3A_684 : vector<16xi32>
        %and3A_710 = arith.andi %ne3A_709, %and3A_698 : vector<16xi1>
        %jit3A_711 = arith.constant 5008 : i32
        %broadcast_in_dim3A_712 = vector.broadcast %jit3A_711 : i32 to vector<16xi32>
        %select_n3A_713 = arith.select %and3A_708, %sub3A_693, %broadcast_in_dim3A_712 : vector<16xi1>, vector<16xi32>
        %mul3A_714 = arith.constant 16 : i32
        %mul3A_715 = arith.muli %scan3A_677, %mul3A_714 : i32
        %swap3A = arith.index_cast %mul3A_715 : i32 to index
        %swap3A_716 = tpu.vector_load %arg13[%swap3A] {strides = array<i32>} : memref<128xi32, #tpu.memory_space<vmem>>, vector<16xi32>,
        tpu.vector_store %arg13[%swap3A], %select_n3A_713 {strides = array<i32>} : memref<128xi32, #tpu.memory_space<vmem>>, vector<16xi32>,
        %get3A_717 = arith.index_cast %add3A_681 : i32 to index
        %get3A_718 = tpu.vector_load %arg19[%get3A_717] {strides = array<i32>} : memref<10000xf32, #tpu.memory_space<vmem>>, vector<16xf32>,
        %jit3A_719 = arith.constant 0.000000e+00 : f32
        %broadcast_in_dim3A_720 = vector.broadcast %jit3A_719 : f32 to vector<16xf32>
        %select_n3A_721 = arith.select %and3A_710, %get3A_718, %broadcast_in_dim3A_720 : vector<16xi1>, vector<16xf32>
        %mul3A_722 = arith.constant 16 : i32
        %mul3A_723 = arith.muli %scan3A_677, %mul3A_722 : i32
        %swap3A_724 = arith.index_cast %mul3A_723 : i32 to index
        %swap3A_725 = tpu.vector_load %arg16[%swap3A_724] {strides = array<i32>} : memref<128xf32, #tpu.memory_space<vmem>>, vector<16xf32>,
        tpu.vector_store %arg16[%swap3A_724], %select_n3A_721 {strides = array<i32>} : memref<128xf32, #tpu.memory_space<vmem>>, vector<16xf32>,
        %scan3A_726 = arith.constant 0 : i32
        scf.yield %scan3A_726 : i32
      }
      %scan3A_628 = arith.constant 8 : i32
      %dma_start3A_629 = arith.constant 0 : i32
      %dma_start3A_630 = arith.constant 0 : i32
      %dma_start3A_631 = tpu.memref_slice %arg22[%dma_start3A_629, %dma_start3A_630] : memref<5120x128xf32, #tpu.memory_space<vmem_shared>> -> memref<5120x128xf32, #tpu.memory_space<vmem_shared>>
      tpu.enqueue_indirect_dma source(%arg10 : memref<128x128xf32, #tpu.memory_space<vmem>>) target(%dma_start3A_631 : memref<5120x128xf32, #tpu.memory_space<vmem_shared>>) offsets(%arg13 : memref<128xi32, #tpu.memory_space<vmem>>) semaphore(%arg26 : memref<!tpu.dma_semaphore, #tpu.memory_space<semaphore_mem>>) {add = true}
      %dma_start3A_632 = arith.constant 0 : i32
      %dma_start3A_633 = tpu.memref_slice %arg23[%dma_start3A_632] : memref<5120xf32, #tpu.memory_space<vmem_shared>> -> memref<5120xf32, #tpu.memory_space<vmem_shared>>
      tpu.enqueue_indirect_dma source(%arg17 : memref<128xf32, #tpu.memory_space<vmem>>) target(%dma_start3A_633 : memref<5120xf32, #tpu.memory_space<vmem_shared>>) offsets(%arg13 : memref<128xi32, #tpu.memory_space<vmem>>) semaphore(%arg26 : memref<!tpu.dma_semaphore, #tpu.memory_space<semaphore_mem>>) {add = true}
      %dma_start3A_634 = arith.constant 0 : i32
      %dma_start3A_635 = tpu.memref_slice %arg24[%dma_start3A_634] : memref<5120xf32, #tpu.memory_space<vmem_shared>> -> memref<5120xf32, #tpu.memory_space<vmem_shared>>
      tpu.enqueue_indirect_dma source(%arg16 : memref<128xf32, #tpu.memory_space<vmem>>) target(%dma_start3A_635 : memref<5120xf32, #tpu.memory_space<vmem_shared>>) offsets(%arg13 : memref<128xi32, #tpu.memory_space<vmem>>) semaphore(%arg26 : memref<!tpu.dma_semaphore, #tpu.memory_space<semaphore_mem>>) {add = true}
      %dma_wait3A_636 = arith.constant 0 : i32
      %dma_wait3A_637 = arith.constant 0 : i32
      %dma_wait3A_638 = tpu.memref_slice %arg22[%dma_wait3A_636, %dma_wait3A_637] : memref<5120x128xf32, #tpu.memory_space<vmem_shared>> -> memref<5120x128xf32, #tpu.memory_space<vmem_shared>>
      tpu.wait_indirect_dma semaphore(%arg26 : memref<!tpu.dma_semaphore, #tpu.memory_space<semaphore_mem>>) src(%arg9 : memref<128x128xf32, #tpu.memory_space<vmem>>) dst(%dma_wait3A_638 : memref<5120x128xf32, #tpu.memory_space<vmem_shared>>)
      %dma_wait3A_639 = arith.constant 0 : i32
      %dma_wait3A_640 = tpu.memref_slice %arg23[%dma_wait3A_639] : memref<5120xf32, #tpu.memory_space<vmem_shared>> -> memref<5120xf32, #tpu.memory_space<vmem_shared>>
      tpu.wait_indirect_dma semaphore(%arg26 : memref<!tpu.dma_semaphore, #tpu.memory_space<semaphore_mem>>) src(%arg17 : memref<128xf32, #tpu.memory_space<vmem>>) dst(%dma_wait3A_640 : memref<5120xf32, #tpu.memory_space<vmem_shared>>)
      %dma_wait3A_641 = arith.constant 0 : i32
      %dma_wait3A_642 = tpu.memref_slice %arg24[%dma_wait3A_641] : memref<5120xf32, #tpu.memory_space<vmem_shared>> -> memref<5120xf32, #tpu.memory_space<vmem_shared>>
      tpu.wait_indirect_dma semaphore(%arg26 : memref<!tpu.dma_semaphore, #tpu.memory_space<semaphore_mem>>) src(%arg15 : memref<128xf32, #tpu.memory_space<vmem>>) dst(%dma_wait3A_642 : memref<5120xf32, #tpu.memory_space<vmem_shared>>)
      %add3A_643 = arith.constant 4 : i32
      %add3A_644 = arith.addi %add3A_543, %add3A_643 : i32
      %min3A_645 = arith.constant 78 : i32
      %min3A_646 = arith.minsi %add3A_644, %min3A_645 : i32
      %mul3A_647 = arith.constant 128 : i32
      %mul3A_648 = arith.muli %min3A_646, %mul3A_647 : i32
      %min3A_649 = arith.constant 9872 : i32
      %min3A_650 = arith.minsi %mul3A_648, %min3A_649 : i32
      %add3A_651 = arith.addi %mul3A_217, %min3A_650 : i32
      %dma_start3A_652 = arith.constant 0 : i32
      %dma_start3A_653 = tpu.memref_slice %arg3[%add3A_651, %dma_start3A_652] : memref<320000x128xf32, #tpu.memory_space<hbm>> -> memref<128x128xf32, #tpu.memory_space<hbm>>
      %dma_start3A_654 = arith.constant 0 : i32
      %dma_start3A_655 = tpu.memref_slice %arg3[%add3A_651, %dma_start3A_654] : memref<320000x128xf32, #tpu.memory_space<hbm>> -> memref<128x128xf32, #tpu.memory_space<hbm>>
      tpu.enqueue_dma source(%dma_start3A_655 : memref<128x128xf32, #tpu.memory_space<hbm>>) target(%arg9 : memref<128x128xf32, #tpu.memory_space<vmem>>) target_semaphore(%arg25 : memref<!tpu.dma_semaphore, #tpu.memory_space<semaphore_mem>>)
      %dma_wait3A_656 = arith.constant 0 : i32
      %dma_wait3A_657 = arith.constant 0 : i32
      %dma_wait3A_658 = tpu.memref_slice %arg22[%dma_wait3A_656, %dma_wait3A_657] : memref<5120x128xf32, #tpu.memory_space<vmem_shared>> -> memref<5120x128xf32, #tpu.memory_space<vmem_shared>>
      tpu.wait_indirect_dma semaphore(%arg26 : memref<!tpu.dma_semaphore, #tpu.memory_space<semaphore_mem>>) src(%arg10 : memref<128x128xf32, #tpu.memory_space<vmem>>) dst(%dma_wait3A_658 : memref<5120x128xf32, #tpu.memory_space<vmem_shared>>)
      %dma_wait3A_659 = arith.constant 0 : i32
      %dma_wait3A_660 = tpu.memref_slice %arg23[%dma_wait3A_659] : memref<5120xf32, #tpu.memory_space<vmem_shared>> -> memref<5120xf32, #tpu.memory_space<vmem_shared>>
      tpu.wait_indirect_dma semaphore(%arg26 : memref<!tpu.dma_semaphore, #tpu.memory_space<semaphore_mem>>) src(%arg17 : memref<128xf32, #tpu.memory_space<vmem>>) dst(%dma_wait3A_660 : memref<5120xf32, #tpu.memory_space<vmem_shared>>)
      %dma_wait3A_661 = arith.constant 0 : i32
      %dma_wait3A_662 = tpu.memref_slice %arg24[%dma_wait3A_661] : memref<5120xf32, #tpu.memory_space<vmem_shared>> -> memref<5120xf32, #tpu.memory_space<vmem_shared>>
      tpu.wait_indirect_dma semaphore(%arg26 : memref<!tpu.dma_semaphore, #tpu.memory_space<semaphore_mem>>) src(%arg16 : memref<128xf32, #tpu.memory_space<vmem>>) dst(%dma_wait3A_662 : memref<5120xf32, #tpu.memory_space<vmem_shared>>)
      %add3A_663 = arith.constant 5 : i32
      %add3A_664 = arith.addi %add3A_543, %add3A_663 : i32
      %min3A_665 = arith.constant 78 : i32
      %min3A_666 = arith.minsi %add3A_664, %min3A_665 : i32
      %mul3A_667 = arith.constant 128 : i32
      %mul3A_668 = arith.muli %min3A_666, %mul3A_667 : i32
      %min3A_669 = arith.constant 9872 : i32
      %min3A_670 = arith.minsi %mul3A_668, %min3A_669 : i32
      %add3A_671 = arith.addi %mul3A_217, %min3A_670 : i32
      %dma_start3A_672 = arith.constant 0 : i32
      %dma_start3A_673 = tpu.memref_slice %arg3[%add3A_671, %dma_start3A_672] : memref<320000x128xf32, #tpu.memory_space<hbm>> -> memref<128x128xf32, #tpu.memory_space<hbm>>
      %dma_start3A_674 = arith.constant 0 : i32
      %dma_start3A_675 = tpu.memref_slice %arg3[%add3A_671, %dma_start3A_674] : memref<320000x128xf32, #tpu.memory_space<hbm>> -> memref<128x128xf32, #tpu.memory_space<hbm>>
      tpu.enqueue_dma source(%dma_start3A_675 : memref<128x128xf32, #tpu.memory_space<hbm>>) target(%arg10 : memref<128x128xf32, #tpu.memory_space<vmem>>) target_semaphore(%arg25 : memref<!tpu.dma_semaphore, #tpu.memory_space<semaphore_mem>>)
      %while3A_676 = arith.constant 0 : i32
      scf.yield %while3A_676 : i32
    }
    %while3A_310 = arith.constant 1 : i32
    %while3A_311 = scf.for %while3A_539 = %while3A_307 to %while3A_303 step %while3A_310 iter_args(%while3A_540 = %while3A_309) -> (i32)  : i32 {
      %mul3A_541 = arith.constant 3 : i32
      %mul3A_542 = arith.muli %mul3A_541, %while3A_539 : i32
      %add3A_543 = arith.addi %scan3A_232#0, %mul3A_542 : i32
      %dma_wait3A_544 = arith.constant 0 : i32
      %dma_wait3A_545 = tpu.memref_slice %arg3[%add3A_269, %dma_wait3A_544] : memref<320000x128xf32, #tpu.memory_space<hbm>> -> memref<128x128xf32, #tpu.memory_space<hbm>>
      %dma_wait3A_546 = arith.constant 0 : i32
      %dma_wait3A_547 = tpu.memref_slice %arg3[%add3A_269, %dma_wait3A_546] : memref<320000x128xf32, #tpu.memory_space<hbm>> -> memref<128x128xf32, #tpu.memory_space<hbm>>
      tpu.wait_dma2 semaphore(%arg25 : memref<!tpu.dma_semaphore, #tpu.memory_space<semaphore_mem>>) src(%dma_wait3A_547 : memref<128x128xf32, #tpu.memory_space<hbm>>) dst(%arg8 : memref<128x128xf32, #tpu.memory_space<vmem>>)
      %mul3A_548 = arith.constant 128 : i32
      %mul3A_549 = arith.muli %add3A_543, %mul3A_548 : i32
      %min3A_550 = arith.constant 9872 : i32
      %min3A_551 = arith.minsi %mul3A_549, %min3A_550 : i32
      %lt3A = arith.cmpi slt, %add3A_543, %scan3A_232#1 : i32
      %scan3A_552 = arith.constant 0 : i32
      %scan3A_553 = arith.constant 0 : i32
      %scan3A_554 = arith.constant 8 : i32
      %scan3A_555 = arith.addi %scan3A_553, %scan3A_554 : i32
      %scan3A_556 = arith.constant 1 : i32
      %scan3A_557 = scf.for %scan3A_677 = %scan3A_553 to %scan3A_555 step %scan3A_556 iter_args(%scan3A_678 = %scan3A_552) -> (i32)  : i32 {
        %mul3A_679 = arith.constant 16 : i32
        %mul3A_680 = arith.muli %scan3A_677, %mul3A_679 : i32
        %add3A_681 = arith.addi %min3A_551, %mul3A_680 : i32
        %add3A_682 = vector.broadcast %add3A_681 : i32 to vector<16xi32>
        %add3A_683 = arith.addi %add3A_682, %iota3A : vector<16xi32>
        %get3A = arith.index_cast %add3A_681 : i32 to index
        %get3A_684 = tpu.vector_load %arg18[%get3A] {strides = array<i32>} : memref<10128xi32, #tpu.memory_space<vmem>>, vector<16xi32>,
        %add3A_685 = arith.constant 128 : i32
        %add3A_686 = vector.broadcast %add3A_685 : i32 to vector<16xi32>
        %add3A_687 = arith.addi %add3A_683, %add3A_686 : vector<16xi32>
        %gather3A = tpu.vector_load_idx %arg18[%add3A_687] : memref<10128xi32, #tpu.memory_space<vmem>>[vector<16xi32>], vector<16xi32>,
        %add3A_688 = arith.constant 1 : i32
        %add3A_689 = vector.broadcast %add3A_688 : i32 to vector<16xi32>
        %add3A_690 = arith.addi %add3A_683, %add3A_689 : vector<16xi32>
        %gather3A_691 = tpu.vector_load_idx %arg18[%add3A_690] : memref<10128xi32, #tpu.memory_space<vmem>>[vector<16xi32>], vector<16xi32>,
        %sub3A_692 = vector.broadcast %mul3A_0 : i32 to vector<16xi32>
        %sub3A_693 = arith.subi %get3A_684, %sub3A_692 : vector<16xi32>
        %mul3A_694 = arith.constant 128 : i32
        %mul3A_695 = arith.muli %add3A_543, %mul3A_694 : i32
        %ge3A = vector.broadcast %mul3A_695 : i32 to vector<16xi32>
        %ge3A_696 = arith.cmpi sge, %add3A_683, %ge3A : vector<16xi32>
        %and3A_697 = vector.broadcast %lt3A : i1 to vector<16xi1>
        %and3A_698 = arith.andi %ge3A_696, %and3A_697 : vector<16xi1>
        %ne3A_699 = arith.cmpi ne, %gather3A, %get3A_684 : vector<16xi32>
        %ge3A_700 = arith.constant 0 : i32
        %ge3A_701 = vector.broadcast %ge3A_700 : i32 to vector<16xi32>
        %ge3A_702 = arith.cmpi sge, %sub3A_693, %ge3A_701 : vector<16xi32>
        %and3A_703 = arith.andi %ne3A_699, %ge3A_702 : vector<16xi1>
        %lt3A_704 = arith.constant 5000 : i32
        %lt3A_705 = vector.broadcast %lt3A_704 : i32 to vector<16xi32>
        %lt3A_706 = arith.cmpi slt, %sub3A_693, %lt3A_705 : vector<16xi32>
        %and3A_707 = arith.andi %and3A_703, %lt3A_706 : vector<16xi1>
        %and3A_708 = arith.andi %and3A_707, %and3A_698 : vector<16xi1>
        %ne3A_709 = arith.cmpi ne, %gather3A_691, %get3A_684 : vector<16xi32>
        %and3A_710 = arith.andi %ne3A_709, %and3A_698 : vector<16xi1>
        %jit3A_711 = arith.constant 5008 : i32
        %broadcast_in_dim3A_712 = vector.broadcast %jit3A_711 : i32 to vector<16xi32>
        %select_n3A_713 = arith.select %and3A_708, %sub3A_693, %broadcast_in_dim3A_712 : vector<16xi1>, vector<16xi32>
        %mul3A_714 = arith.constant 16 : i32
        %mul3A_715 = arith.muli %scan3A_677, %mul3A_714 : i32
        %swap3A = arith.index_cast %mul3A_715 : i32 to index
        %swap3A_716 = tpu.vector_load %arg11[%swap3A] {strides = array<i32>} : memref<128xi32, #tpu.memory_space<vmem>>, vector<16xi32>,
        tpu.vector_store %arg11[%swap3A], %select_n3A_713 {strides = array<i32>} : memref<128xi32, #tpu.memory_space<vmem>>, vector<16xi32>,
        %get3A_717 = arith.index_cast %add3A_681 : i32 to index
        %get3A_718 = tpu.vector_load %arg19[%get3A_717] {strides = array<i32>} : memref<10000xf32, #tpu.memory_space<vmem>>, vector<16xf32>,
        %jit3A_719 = arith.constant 0.000000e+00 : f32
        %broadcast_in_dim3A_720 = vector.broadcast %jit3A_719 : f32 to vector<16xf32>
        %select_n3A_721 = arith.select %and3A_710, %get3A_718, %broadcast_in_dim3A_720 : vector<16xi1>, vector<16xf32>
        %mul3A_722 = arith.constant 16 : i32
        %mul3A_723 = arith.muli %scan3A_677, %mul3A_722 : i32
        %swap3A_724 = arith.index_cast %mul3A_723 : i32 to index
        %swap3A_725 = tpu.vector_load %arg14[%swap3A_724] {strides = array<i32>} : memref<128xf32, #tpu.memory_space<vmem>>, vector<16xf32>,
        tpu.vector_store %arg14[%swap3A_724], %select_n3A_721 {strides = array<i32>} : memref<128xf32, #tpu.memory_space<vmem>>, vector<16xf32>,
        %scan3A_726 = arith.constant 0 : i32
        scf.yield %scan3A_726 : i32
      }
      %scan3A_558 = arith.constant 8 : i32
      %dma_start3A_559 = arith.constant 0 : i32
      %dma_start3A_560 = arith.constant 0 : i32
      %dma_start3A_561 = tpu.memref_slice %arg22[%dma_start3A_559, %dma_start3A_560] : memref<5120x128xf32, #tpu.memory_space<vmem_shared>> -> memref<5120x128xf32, #tpu.memory_space<vmem_shared>>
      tpu.enqueue_indirect_dma source(%arg8 : memref<128x128xf32, #tpu.memory_space<vmem>>) target(%dma_start3A_561 : memref<5120x128xf32, #tpu.memory_space<vmem_shared>>) offsets(%arg11 : memref<128xi32, #tpu.memory_space<vmem>>) semaphore(%arg26 : memref<!tpu.dma_semaphore, #tpu.memory_space<semaphore_mem>>) {add = true}
      %dma_start3A_562 = arith.constant 0 : i32
      %dma_start3A_563 = tpu.memref_slice %arg23[%dma_start3A_562] : memref<5120xf32, #tpu.memory_space<vmem_shared>> -> memref<5120xf32, #tpu.memory_space<vmem_shared>>
      tpu.enqueue_indirect_dma source(%arg17 : memref<128xf32, #tpu.memory_space<vmem>>) target(%dma_start3A_563 : memref<5120xf32, #tpu.memory_space<vmem_shared>>) offsets(%arg11 : memref<128xi32, #tpu.memory_space<vmem>>) semaphore(%arg26 : memref<!tpu.dma_semaphore, #tpu.memory_space<semaphore_mem>>) {add = true}
      %dma_start3A_564 = arith.constant 0 : i32
      %dma_start3A_565 = tpu.memref_slice %arg24[%dma_start3A_564] : memref<5120xf32, #tpu.memory_space<vmem_shared>> -> memref<5120xf32, #tpu.memory_space<vmem_shared>>
      tpu.enqueue_indirect_dma source(%arg14 : memref<128xf32, #tpu.memory_space<vmem>>) target(%dma_start3A_565 : memref<5120xf32, #tpu.memory_space<vmem_shared>>) offsets(%arg11 : memref<128xi32, #tpu.memory_space<vmem>>) semaphore(%arg26 : memref<!tpu.dma_semaphore, #tpu.memory_space<semaphore_mem>>) {add = true}
      %dma_wait3A_566 = arith.constant 0 : i32
      %dma_wait3A_567 = tpu.memref_slice %arg3[%add3A_282, %dma_wait3A_566] : memref<320000x128xf32, #tpu.memory_space<hbm>> -> memref<128x128xf32, #tpu.memory_space<hbm>>
      %dma_wait3A_568 = arith.constant 0 : i32
      %dma_wait3A_569 = tpu.memref_slice %arg3[%add3A_282, %dma_wait3A_568] : memref<320000x128xf32, #tpu.memory_space<hbm>> -> memref<128x128xf32, #tpu.memory_space<hbm>>
      tpu.wait_dma2 semaphore(%arg25 : memref<!tpu.dma_semaphore, #tpu.memory_space<semaphore_mem>>) src(%dma_wait3A_569 : memref<128x128xf32, #tpu.memory_space<hbm>>) dst(%arg9 : memref<128x128xf32, #tpu.memory_space<vmem>>)
      %add3A_570 = arith.constant 1 : i32
      %add3A_571 = arith.addi %add3A_543, %add3A_570 : i32
      %mul3A_572 = arith.constant 128 : i32
      %mul3A_573 = arith.muli %add3A_571, %mul3A_572 : i32
      %min3A_574 = arith.constant 9872 : i32
      %min3A_575 = arith.minsi %mul3A_573, %min3A_574 : i32
      %lt3A_576 = arith.cmpi slt, %add3A_571, %scan3A_232#1 : i32
      %scan3A_577 = arith.constant 0 : i32
      %scan3A_578 = arith.constant 0 : i32
      %scan3A_579 = arith.constant 8 : i32
      %scan3A_580 = arith.addi %scan3A_578, %scan3A_579 : i32
      %scan3A_581 = arith.constant 1 : i32
      %scan3A_582 = scf.for %scan3A_677 = %scan3A_578 to %scan3A_580 step %scan3A_581 iter_args(%scan3A_678 = %scan3A_577) -> (i32)  : i32 {
        %mul3A_679 = arith.constant 16 : i32
        %mul3A_680 = arith.muli %scan3A_677, %mul3A_679 : i32
        %add3A_681 = arith.addi %min3A_575, %mul3A_680 : i32
        %add3A_682 = vector.broadcast %add3A_681 : i32 to vector<16xi32>
        %add3A_683 = arith.addi %add3A_682, %iota3A : vector<16xi32>
        %get3A = arith.index_cast %add3A_681 : i32 to index
        %get3A_684 = tpu.vector_load %arg18[%get3A] {strides = array<i32>} : memref<10128xi32, #tpu.memory_space<vmem>>, vector<16xi32>,
        %add3A_685 = arith.constant 128 : i32
        %add3A_686 = vector.broadcast %add3A_685 : i32 to vector<16xi32>
        %add3A_687 = arith.addi %add3A_683, %add3A_686 : vector<16xi32>
        %gather3A = tpu.vector_load_idx %arg18[%add3A_687] : memref<10128xi32, #tpu.memory_space<vmem>>[vector<16xi32>], vector<16xi32>,
        %add3A_688 = arith.constant 1 : i32
        %add3A_689 = vector.broadcast %add3A_688 : i32 to vector<16xi32>
        %add3A_690 = arith.addi %add3A_683, %add3A_689 : vector<16xi32>
        %gather3A_691 = tpu.vector_load_idx %arg18[%add3A_690] : memref<10128xi32, #tpu.memory_space<vmem>>[vector<16xi32>], vector<16xi32>,
        %sub3A_692 = vector.broadcast %mul3A_0 : i32 to vector<16xi32>
        %sub3A_693 = arith.subi %get3A_684, %sub3A_692 : vector<16xi32>
        %mul3A_694 = arith.constant 128 : i32
        %mul3A_695 = arith.muli %add3A_571, %mul3A_694 : i32
        %ge3A = vector.broadcast %mul3A_695 : i32 to vector<16xi32>
        %ge3A_696 = arith.cmpi sge, %add3A_683, %ge3A : vector<16xi32>
        %and3A_697 = vector.broadcast %lt3A_576 : i1 to vector<16xi1>
        %and3A_698 = arith.andi %ge3A_696, %and3A_697 : vector<16xi1>
        %ne3A_699 = arith.cmpi ne, %gather3A, %get3A_684 : vector<16xi32>
        %ge3A_700 = arith.constant 0 : i32
        %ge3A_701 = vector.broadcast %ge3A_700 : i32 to vector<16xi32>
        %ge3A_702 = arith.cmpi sge, %sub3A_693, %ge3A_701 : vector<16xi32>
        %and3A_703 = arith.andi %ne3A_699, %ge3A_702 : vector<16xi1>
        %lt3A_704 = arith.constant 5000 : i32
        %lt3A_705 = vector.broadcast %lt3A_704 : i32 to vector<16xi32>
        %lt3A_706 = arith.cmpi slt, %sub3A_693, %lt3A_705 : vector<16xi32>
        %and3A_707 = arith.andi %and3A_703, %lt3A_706 : vector<16xi1>
        %and3A_708 = arith.andi %and3A_707, %and3A_698 : vector<16xi1>
        %ne3A_709 = arith.cmpi ne, %gather3A_691, %get3A_684 : vector<16xi32>
        %and3A_710 = arith.andi %ne3A_709, %and3A_698 : vector<16xi1>
        %jit3A_711 = arith.constant 5008 : i32
        %broadcast_in_dim3A_712 = vector.broadcast %jit3A_711 : i32 to vector<16xi32>
        %select_n3A_713 = arith.select %and3A_708, %sub3A_693, %broadcast_in_dim3A_712 : vector<16xi1>, vector<16xi32>
        %mul3A_714 = arith.constant 16 : i32
        %mul3A_715 = arith.muli %scan3A_677, %mul3A_714 : i32
        %swap3A = arith.index_cast %mul3A_715 : i32 to index
        %swap3A_716 = tpu.vector_load %arg12[%swap3A] {strides = array<i32>} : memref<128xi32, #tpu.memory_space<vmem>>, vector<16xi32>,
        tpu.vector_store %arg12[%swap3A], %select_n3A_713 {strides = array<i32>} : memref<128xi32, #tpu.memory_space<vmem>>, vector<16xi32>,
        %get3A_717 = arith.index_cast %add3A_681 : i32 to index
        %get3A_718 = tpu.vector_load %arg19[%get3A_717] {strides = array<i32>} : memref<10000xf32, #tpu.memory_space<vmem>>, vector<16xf32>,
        %jit3A_719 = arith.constant 0.000000e+00 : f32
        %broadcast_in_dim3A_720 = vector.broadcast %jit3A_719 : f32 to vector<16xf32>
        %select_n3A_721 = arith.select %and3A_710, %get3A_718, %broadcast_in_dim3A_720 : vector<16xi1>, vector<16xf32>
        %mul3A_722 = arith.constant 16 : i32
        %mul3A_723 = arith.muli %scan3A_677, %mul3A_722 : i32
        %swap3A_724 = arith.index_cast %mul3A_723 : i32 to index
        %swap3A_725 = tpu.vector_load %arg15[%swap3A_724] {strides = array<i32>} : memref<128xf32, #tpu.memory_space<vmem>>, vector<16xf32>,
        tpu.vector_store %arg15[%swap3A_724], %select_n3A_721 {strides = array<i32>} : memref<128xf32, #tpu.memory_space<vmem>>, vector<16xf32>,
        %scan3A_726 = arith.constant 0 : i32
        scf.yield %scan3A_726 : i32
      }
      %scan3A_583 = arith.constant 8 : i32
      %dma_start3A_584 = arith.constant 0 : i32
      %dma_start3A_585 = arith.constant 0 : i32
      %dma_start3A_586 = tpu.memref_slice %arg22[%dma_start3A_584, %dma_start3A_585] : memref<5120x128xf32, #tpu.memory_space<vmem_shared>> -> memref<5120x128xf32, #tpu.memory_space<vmem_shared>>
      tpu.enqueue_indirect_dma source(%arg9 : memref<128x128xf32, #tpu.memory_space<vmem>>) target(%dma_start3A_586 : memref<5120x128xf32, #tpu.memory_space<vmem_shared>>) offsets(%arg12 : memref<128xi32, #tpu.memory_space<vmem>>) semaphore(%arg26 : memref<!tpu.dma_semaphore, #tpu.memory_space<semaphore_mem>>) {add = true}
      %dma_start3A_587 = arith.constant 0 : i32
      %dma_start3A_588 = tpu.memref_slice %arg23[%dma_start3A_587] : memref<5120xf32, #tpu.memory_space<vmem_shared>> -> memref<5120xf32, #tpu.memory_space<vmem_shared>>
      tpu.enqueue_indirect_dma source(%arg17 : memref<128xf32, #tpu.memory_space<vmem>>) target(%dma_start3A_588 : memref<5120xf32, #tpu.memory_space<vmem_shared>>) offsets(%arg12 : memref<128xi32, #tpu.memory_space<vmem>>) semaphore(%arg26 : memref<!tpu.dma_semaphore, #tpu.memory_space<semaphore_mem>>) {add = true}
      %dma_start3A_589 = arith.constant 0 : i32
      %dma_start3A_590 = tpu.memref_slice %arg24[%dma_start3A_589] : memref<5120xf32, #tpu.memory_space<vmem_shared>> -> memref<5120xf32, #tpu.memory_space<vmem_shared>>
      tpu.enqueue_indirect_dma source(%arg15 : memref<128xf32, #tpu.memory_space<vmem>>) target(%dma_start3A_590 : memref<5120xf32, #tpu.memory_space<vmem_shared>>) offsets(%arg12 : memref<128xi32, #tpu.memory_space<vmem>>) semaphore(%arg26 : memref<!tpu.dma_semaphore, #tpu.memory_space<semaphore_mem>>) {add = true}
      %dma_wait3A_591 = arith.constant 0 : i32
      %dma_wait3A_592 = arith.constant 0 : i32
      %dma_wait3A_593 = tpu.memref_slice %arg22[%dma_wait3A_591, %dma_wait3A_592] : memref<5120x128xf32, #tpu.memory_space<vmem_shared>> -> memref<5120x128xf32, #tpu.memory_space<vmem_shared>>
      tpu.wait_indirect_dma semaphore(%arg26 : memref<!tpu.dma_semaphore, #tpu.memory_space<semaphore_mem>>) src(%arg8 : memref<128x128xf32, #tpu.memory_space<vmem>>) dst(%dma_wait3A_593 : memref<5120x128xf32, #tpu.memory_space<vmem_shared>>)
      %dma_wait3A_594 = arith.constant 0 : i32
      %dma_wait3A_595 = tpu.memref_slice %arg23[%dma_wait3A_594] : memref<5120xf32, #tpu.memory_space<vmem_shared>> -> memref<5120xf32, #tpu.memory_space<vmem_shared>>
      tpu.wait_indirect_dma semaphore(%arg26 : memref<!tpu.dma_semaphore, #tpu.memory_space<semaphore_mem>>) src(%arg17 : memref<128xf32, #tpu.memory_space<vmem>>) dst(%dma_wait3A_595 : memref<5120xf32, #tpu.memory_space<vmem_shared>>)
      %dma_wait3A_596 = arith.constant 0 : i32
      %dma_wait3A_597 = tpu.memref_slice %arg24[%dma_wait3A_596] : memref<5120xf32, #tpu.memory_space<vmem_shared>> -> memref<5120xf32, #tpu.memory_space<vmem_shared>>
      tpu.wait_indirect_dma semaphore(%arg26 : memref<!tpu.dma_semaphore, #tpu.memory_space<semaphore_mem>>) src(%arg14 : memref<128xf32, #tpu.memory_space<vmem>>) dst(%dma_wait3A_597 : memref<5120xf32, #tpu.memory_space<vmem_shared>>)
      %add3A_598 = arith.constant 3 : i32
      %add3A_599 = arith.addi %add3A_543, %add3A_598 : i32
      %min3A_600 = arith.constant 78 : i32
      %min3A_601 = arith.minsi %add3A_599, %min3A_600 : i32
      %mul3A_602 = arith.constant 128 : i32
      %mul3A_603 = arith.muli %min3A_601, %mul3A_602 : i32
      %min3A_604 = arith.constant 9872 : i32
      %min3A_605 = arith.minsi %mul3A_603, %min3A_604 : i32
      %add3A_606 = arith.addi %mul3A_217, %min3A_605 : i32
      %dma_start3A_607 = arith.constant 0 : i32
      %dma_start3A_608 = tpu.memref_slice %arg3[%add3A_606, %dma_start3A_607] : memref<320000x128xf32, #tpu.memory_space<hbm>> -> memref<128x128xf32, #tpu.memory_space<hbm>>
      %dma_start3A_609 = arith.constant 0 : i32
      %dma_start3A_610 = tpu.memref_slice %arg3[%add3A_606, %dma_start3A_609] : memref<320000x128xf32, #tpu.memory_space<hbm>> -> memref<128x128xf32, #tpu.memory_space<hbm>>
      tpu.enqueue_dma source(%dma_start3A_610 : memref<128x128xf32, #tpu.memory_space<hbm>>) target(%arg8 : memref<128x128xf32, #tpu.memory_space<vmem>>) target_semaphore(%arg25 : memref<!tpu.dma_semaphore, #tpu.memory_space<semaphore_mem>>)
      %dma_wait3A_611 = arith.constant 0 : i32
      %dma_wait3A_612 = tpu.memref_slice %arg3[%add3A_295, %dma_wait3A_611] : memref<320000x128xf32, #tpu.memory_space<hbm>> -> memref<128x128xf32, #tpu.memory_space<hbm>>
      %dma_wait3A_613 = arith.constant 0 : i32
      %dma_wait3A_614 = tpu.memref_slice %arg3[%add3A_295, %dma_wait3A_613] : memref<320000x128xf32, #tpu.memory_space<hbm>> -> memref<128x128xf32, #tpu.memory_space<hbm>>
      tpu.wait_dma2 semaphore(%arg25 : memref<!tpu.dma_semaphore, #tpu.memory_space<semaphore_mem>>) src(%dma_wait3A_614 : memref<128x128xf32, #tpu.memory_space<hbm>>) dst(%arg10 : memref<128x128xf32, #tpu.memory_space<vmem>>)
      %add3A_615 = arith.constant 2 : i32
      %add3A_616 = arith.addi %add3A_543, %add3A_615 : i32
      %mul3A_617 = arith.constant 128 : i32
      %mul3A_618 = arith.muli %add3A_616, %mul3A_617 : i32
      %min3A_619 = arith.constant 9872 : i32
      %min3A_620 = arith.minsi %mul3A_618, %min3A_619 : i32
      %lt3A_621 = arith.cmpi slt, %add3A_616, %scan3A_232#1 : i32
      %scan3A_622 = arith.constant 0 : i32
      %scan3A_623 = arith.constant 0 : i32
      %scan3A_624 = arith.constant 8 : i32
      %scan3A_625 = arith.addi %scan3A_623, %scan3A_624 : i32
      %scan3A_626 = arith.constant 1 : i32
      %scan3A_627 = scf.for %scan3A_677 = %scan3A_623 to %scan3A_625 step %scan3A_626 iter_args(%scan3A_678 = %scan3A_622) -> (i32)  : i32 {
        %mul3A_679 = arith.constant 16 : i32
        %mul3A_680 = arith.muli %scan3A_677, %mul3A_679 : i32
        %add3A_681 = arith.addi %min3A_620, %mul3A_680 : i32
        %add3A_682 = vector.broadcast %add3A_681 : i32 to vector<16xi32>
        %add3A_683 = arith.addi %add3A_682, %iota3A : vector<16xi32>
        %get3A = arith.index_cast %add3A_681 : i32 to index
        %get3A_684 = tpu.vector_load %arg18[%get3A] {strides = array<i32>} : memref<10128xi32, #tpu.memory_space<vmem>>, vector<16xi32>,
        %add3A_685 = arith.constant 128 : i32
        %add3A_686 = vector.broadcast %add3A_685 : i32 to vector<16xi32>
        %add3A_687 = arith.addi %add3A_683, %add3A_686 : vector<16xi32>
        %gather3A = tpu.vector_load_idx %arg18[%add3A_687] : memref<10128xi32, #tpu.memory_space<vmem>>[vector<16xi32>], vector<16xi32>,
        %add3A_688 = arith.constant 1 : i32
        %add3A_689 = vector.broadcast %add3A_688 : i32 to vector<16xi32>
        %add3A_690 = arith.addi %add3A_683, %add3A_689 : vector<16xi32>
        %gather3A_691 = tpu.vector_load_idx %arg18[%add3A_690] : memref<10128xi32, #tpu.memory_space<vmem>>[vector<16xi32>], vector<16xi32>,
        %sub3A_692 = vector.broadcast %mul3A_0 : i32 to vector<16xi32>
        %sub3A_693 = arith.subi %get3A_684, %sub3A_692 : vector<16xi32>
        %mul3A_694 = arith.constant 128 : i32
        %mul3A_695 = arith.muli %add3A_616, %mul3A_694 : i32
        %ge3A = vector.broadcast %mul3A_695 : i32 to vector<16xi32>
        %ge3A_696 = arith.cmpi sge, %add3A_683, %ge3A : vector<16xi32>
        %and3A_697 = vector.broadcast %lt3A_621 : i1 to vector<16xi1>
        %and3A_698 = arith.andi %ge3A_696, %and3A_697 : vector<16xi1>
        %ne3A_699 = arith.cmpi ne, %gather3A, %get3A_684 : vector<16xi32>
        %ge3A_700 = arith.constant 0 : i32
        %ge3A_701 = vector.broadcast %ge3A_700 : i32 to vector<16xi32>
        %ge3A_702 = arith.cmpi sge, %sub3A_693, %ge3A_701 : vector<16xi32>
        %and3A_703 = arith.andi %ne3A_699, %ge3A_702 : vector<16xi1>
        %lt3A_704 = arith.constant 5000 : i32
        %lt3A_705 = vector.broadcast %lt3A_704 : i32 to vector<16xi32>
        %lt3A_706 = arith.cmpi slt, %sub3A_693, %lt3A_705 : vector<16xi32>
        %and3A_707 = arith.andi %and3A_703, %lt3A_706 : vector<16xi1>
        %and3A_708 = arith.andi %and3A_707, %and3A_698 : vector<16xi1>
        %ne3A_709 = arith.cmpi ne, %gather3A_691, %get3A_684 : vector<16xi32>
        %and3A_710 = arith.andi %ne3A_709, %and3A_698 : vector<16xi1>
        %jit3A_711 = arith.constant 5008 : i32
        %broadcast_in_dim3A_712 = vector.broadcast %jit3A_711 : i32 to vector<16xi32>
        %select_n3A_713 = arith.select %and3A_708, %sub3A_693, %broadcast_in_dim3A_712 : vector<16xi1>, vector<16xi32>
        %mul3A_714 = arith.constant 16 : i32
        %mul3A_715 = arith.muli %scan3A_677, %mul3A_714 : i32
        %swap3A = arith.index_cast %mul3A_715 : i32 to index
        %swap3A_716 = tpu.vector_load %arg13[%swap3A] {strides = array<i32>} : memref<128xi32, #tpu.memory_space<vmem>>, vector<16xi32>,
        tpu.vector_store %arg13[%swap3A], %select_n3A_713 {strides = array<i32>} : memref<128xi32, #tpu.memory_space<vmem>>, vector<16xi32>,
        %get3A_717 = arith.index_cast %add3A_681 : i32 to index
        %get3A_718 = tpu.vector_load %arg19[%get3A_717] {strides = array<i32>} : memref<10000xf32, #tpu.memory_space<vmem>>, vector<16xf32>,
        %jit3A_719 = arith.constant 0.000000e+00 : f32
        %broadcast_in_dim3A_720 = vector.broadcast %jit3A_719 : f32 to vector<16xf32>
        %select_n3A_721 = arith.select %and3A_710, %get3A_718, %broadcast_in_dim3A_720 : vector<16xi1>, vector<16xf32>
        %mul3A_722 = arith.constant 16 : i32
        %mul3A_723 = arith.muli %scan3A_677, %mul3A_722 : i32
        %swap3A_724 = arith.index_cast %mul3A_723 : i32 to index
        %swap3A_725 = tpu.vector_load %arg16[%swap3A_724] {strides = array<i32>} : memref<128xf32, #tpu.memory_space<vmem>>, vector<16xf32>,
        tpu.vector_store %arg16[%swap3A_724], %select_n3A_721 {strides = array<i32>} : memref<128xf32, #tpu.memory_space<vmem>>, vector<16xf32>,
        %scan3A_726 = arith.constant 0 : i32
        scf.yield %scan3A_726 : i32
      }
      %scan3A_628 = arith.constant 8 : i32
      %dma_start3A_629 = arith.constant 0 : i32
      %dma_start3A_630 = arith.constant 0 : i32
      %dma_start3A_631 = tpu.memref_slice %arg22[%dma_start3A_629, %dma_start3A_630] : memref<5120x128xf32, #tpu.memory_space<vmem_shared>> -> memref<5120x128xf32, #tpu.memory_space<vmem_shared>>
      tpu.enqueue_indirect_dma source(%arg10 : memref<128x128xf32, #tpu.memory_space<vmem>>) target(%dma_start3A_631 : memref<5120x128xf32, #tpu.memory_space<vmem_shared>>) offsets(%arg13 : memref<128xi32, #tpu.memory_space<vmem>>) semaphore(%arg26 : memref<!tpu.dma_semaphore, #tpu.memory_space<semaphore_mem>>) {add = true}
      %dma_start3A_632 = arith.constant 0 : i32
      %dma_start3A_633 = tpu.memref_slice %arg23[%dma_start3A_632] : memref<5120xf32, #tpu.memory_space<vmem_shared>> -> memref<5120xf32, #tpu.memory_space<vmem_shared>>
      tpu.enqueue_indirect_dma source(%arg17 : memref<128xf32, #tpu.memory_space<vmem>>) target(%dma_start3A_633 : memref<5120xf32, #tpu.memory_space<vmem_shared>>) offsets(%arg13 : memref<128xi32, #tpu.memory_space<vmem>>) semaphore(%arg26 : memref<!tpu.dma_semaphore, #tpu.memory_space<semaphore_mem>>) {add = true}
      %dma_start3A_634 = arith.constant 0 : i32
      %dma_start3A_635 = tpu.memref_slice %arg24[%dma_start3A_634] : memref<5120xf32, #tpu.memory_space<vmem_shared>> -> memref<5120xf32, #tpu.memory_space<vmem_shared>>
      tpu.enqueue_indirect_dma source(%arg16 : memref<128xf32, #tpu.memory_space<vmem>>) target(%dma_start3A_635 : memref<5120xf32, #tpu.memory_space<vmem_shared>>) offsets(%arg13 : memref<128xi32, #tpu.memory_space<vmem>>) semaphore(%arg26 : memref<!tpu.dma_semaphore, #tpu.memory_space<semaphore_mem>>) {add = true}
      %dma_wait3A_636 = arith.constant 0 : i32
      %dma_wait3A_637 = arith.constant 0 : i32
      %dma_wait3A_638 = tpu.memref_slice %arg22[%dma_wait3A_636, %dma_wait3A_637] : memref<5120x128xf32, #tpu.memory_space<vmem_shared>> -> memref<5120x128xf32, #tpu.memory_space<vmem_shared>>
      tpu.wait_indirect_dma semaphore(%arg26 : memref<!tpu.dma_semaphore, #tpu.memory_space<semaphore_mem>>) src(%arg9 : memref<128x128xf32, #tpu.memory_space<vmem>>) dst(%dma_wait3A_638 : memref<5120x128xf32, #tpu.memory_space<vmem_shared>>)
      %dma_wait3A_639 = arith.constant 0 : i32
      %dma_wait3A_640 = tpu.memref_slice %arg23[%dma_wait3A_639] : memref<5120xf32, #tpu.memory_space<vmem_shared>> -> memref<5120xf32, #tpu.memory_space<vmem_shared>>
      tpu.wait_indirect_dma semaphore(%arg26 : memref<!tpu.dma_semaphore, #tpu.memory_space<semaphore_mem>>) src(%arg17 : memref<128xf32, #tpu.memory_space<vmem>>) dst(%dma_wait3A_640 : memref<5120xf32, #tpu.memory_space<vmem_shared>>)
      %dma_wait3A_641 = arith.constant 0 : i32
      %dma_wait3A_642 = tpu.memref_slice %arg24[%dma_wait3A_641] : memref<5120xf32, #tpu.memory_space<vmem_shared>> -> memref<5120xf32, #tpu.memory_space<vmem_shared>>
      tpu.wait_indirect_dma semaphore(%arg26 : memref<!tpu.dma_semaphore, #tpu.memory_space<semaphore_mem>>) src(%arg15 : memref<128xf32, #tpu.memory_space<vmem>>) dst(%dma_wait3A_642 : memref<5120xf32, #tpu.memory_space<vmem_shared>>)
      %add3A_643 = arith.constant 4 : i32
      %add3A_644 = arith.addi %add3A_543, %add3A_643 : i32
      %min3A_645 = arith.constant 78 : i32
      %min3A_646 = arith.minsi %add3A_644, %min3A_645 : i32
      %mul3A_647 = arith.constant 128 : i32
      %mul3A_648 = arith.muli %min3A_646, %mul3A_647 : i32
      %min3A_649 = arith.constant 9872 : i32
      %min3A_650 = arith.minsi %mul3A_648, %min3A_649 : i32
      %add3A_651 = arith.addi %mul3A_217, %min3A_650 : i32
      %dma_start3A_652 = arith.constant 0 : i32
      %dma_start3A_653 = tpu.memref_slice %arg3[%add3A_651, %dma_start3A_652] : memref<320000x128xf32, #tpu.memory_space<hbm>> -> memref<128x128xf32, #tpu.memory_space<hbm>>
      %dma_start3A_654 = arith.constant 0 : i32
      %dma_start3A_655 = tpu.memref_slice %arg3[%add3A_651, %dma_start3A_654] : memref<320000x128xf32, #tpu.memory_space<hbm>> -> memref<128x128xf32, #tpu.memory_space<hbm>>
      tpu.enqueue_dma source(%dma_start3A_655 : memref<128x128xf32, #tpu.memory_space<hbm>>) target(%arg9 : memref<128x128xf32, #tpu.memory_space<vmem>>) target_semaphore(%arg25 : memref<!tpu.dma_semaphore, #tpu.memory_space<semaphore_mem>>)
      %dma_wait3A_656 = arith.constant 0 : i32
      %dma_wait3A_657 = arith.constant 0 : i32
      %dma_wait3A_658 = tpu.memref_slice %arg22[%dma_wait3A_656, %dma_wait3A_657] : memref<5120x128xf32, #tpu.memory_space<vmem_shared>> -> memref<5120x128xf32, #tpu.memory_space<vmem_shared>>
      tpu.wait_indirect_dma semaphore(%arg26 : memref<!tpu.dma_semaphore, #tpu.memory_space<semaphore_mem>>) src(%arg10 : memref<128x128xf32, #tpu.memory_space<vmem>>) dst(%dma_wait3A_658 : memref<5120x128xf32, #tpu.memory_space<vmem_shared>>)
      %dma_wait3A_659 = arith.constant 0 : i32
      %dma_wait3A_660 = tpu.memref_slice %arg23[%dma_wait3A_659] : memref<5120xf32, #tpu.memory_space<vmem_shared>> -> memref<5120xf32, #tpu.memory_space<vmem_shared>>
      tpu.wait_indirect_dma semaphore(%arg26 : memref<!tpu.dma_semaphore, #tpu.memory_space<semaphore_mem>>) src(%arg17 : memref<128xf32, #tpu.memory_space<vmem>>) dst(%dma_wait3A_660 : memref<5120xf32, #tpu.memory_space<vmem_shared>>)
      %dma_wait3A_661 = arith.constant 0 : i32
      %dma_wait3A_662 = tpu.memref_slice %arg24[%dma_wait3A_661] : memref<5120xf32, #tpu.memory_space<vmem_shared>> -> memref<5120xf32, #tpu.memory_space<vmem_shared>>
      tpu.wait_indirect_dma semaphore(%arg26 : memref<!tpu.dma_semaphore, #tpu.memory_space<semaphore_mem>>) src(%arg16 : memref<128xf32, #tpu.memory_space<vmem>>) dst(%dma_wait3A_662 : memref<5120xf32, #tpu.memory_space<vmem_shared>>)
      %add3A_663 = arith.constant 5 : i32
      %add3A_664 = arith.addi %add3A_543, %add3A_663 : i32
      %min3A_665 = arith.constant 78 : i32
      %min3A_666 = arith.minsi %add3A_664, %min3A_665 : i32
      %mul3A_667 = arith.constant 128 : i32
      %mul3A_668 = arith.muli %min3A_666, %mul3A_667 : i32
      %min3A_669 = arith.constant 9872 : i32
      %min3A_670 = arith.minsi %mul3A_668, %min3A_669 : i32
      %add3A_671 = arith.addi %mul3A_217, %min3A_670 : i32
      %dma_start3A_672 = arith.constant 0 : i32
      %dma_start3A_673 = tpu.memref_slice %arg3[%add3A_671, %dma_start3A_672] : memref<320000x128xf32, #tpu.memory_space<hbm>> -> memref<128x128xf32, #tpu.memory_space<hbm>>
      %dma_start3A_674 = arith.constant 0 : i32
      %dma_start3A_675 = tpu.memref_slice %arg3[%add3A_671, %dma_start3A_674] : memref<320000x128xf32, #tpu.memory_space<hbm>> -> memref<128x128xf32, #tpu.memory_space<hbm>>
      tpu.enqueue_dma source(%dma_start3A_675 : memref<128x128xf32, #tpu.memory_space<hbm>>) target(%arg10 : memref<128x128xf32, #tpu.memory_space<vmem>>) target_semaphore(%arg25 : memref<!tpu.dma_semaphore, #tpu.memory_space<semaphore_mem>>)
      %while3A_676 = arith.constant 0 : i32
      scf.yield %while3A_676 : i32
    }
    %dma_wait3A_312 = arith.constant 0 : i32
    %dma_wait3A_313 = tpu.memref_slice %arg3[%add3A_269, %dma_wait3A_312] : memref<320000x128xf32, #tpu.memory_space<hbm>> -> memref<128x128xf32, #tpu.memory_space<hbm>>
    %dma_wait3A_314 = arith.constant 0 : i32
    %dma_wait3A_315 = tpu.memref_slice %arg3[%add3A_269, %dma_wait3A_314] : memref<320000x128xf32, #tpu.memory_space<hbm>> -> memref<128x128xf32, #tpu.memory_space<hbm>>
    tpu.wait_dma2 semaphore(%arg25 : memref<!tpu.dma_semaphore, #tpu.memory_space<semaphore_mem>>) src(%dma_wait3A_315 : memref<128x128xf32, #tpu.memory_space<hbm>>) dst(%arg8 : memref<128x128xf32, #tpu.memory_space<vmem>>)
    %dma_wait3A_316 = arith.constant 0 : i32
    %dma_wait3A_317 = tpu.memref_slice %arg3[%add3A_282, %dma_wait3A_316] : memref<320000x128xf32, #tpu.memory_space<hbm>> -> memref<128x128xf32, #tpu.memory_space<hbm>>
    %dma_wait3A_318 = arith.constant 0 : i32
    %dma_wait3A_319 = tpu.memref_slice %arg3[%add3A_282, %dma_wait3A_318] : memref<320000x128xf32, #tpu.memory_space<hbm>> -> memref<128x128xf32, #tpu.memory_space<hbm>>
    tpu.wait_dma2 semaphore(%arg25 : memref<!tpu.dma_semaphore, #tpu.memory_space<semaphore_mem>>) src(%dma_wait3A_319 : memref<128x128xf32, #tpu.memory_space<hbm>>) dst(%arg9 : memref<128x128xf32, #tpu.memory_space<vmem>>)
    %dma_wait3A_320 = arith.constant 0 : i32
    %dma_wait3A_321 = tpu.memref_slice %arg3[%add3A_295, %dma_wait3A_320] : memref<320000x128xf32, #tpu.memory_space<hbm>> -> memref<128x128xf32, #tpu.memory_space<hbm>>
    %dma_wait3A_322 = arith.constant 0 : i32
    %dma_wait3A_323 = tpu.memref_slice %arg3[%add3A_295, %dma_wait3A_322] : memref<320000x128xf32, #tpu.memory_space<hbm>> -> memref<128x128xf32, #tpu.memory_space<hbm>>
    tpu.wait_dma2 semaphore(%arg25 : memref<!tpu.dma_semaphore, #tpu.memory_space<semaphore_mem>>) src(%dma_wait3A_323 : memref<128x128xf32, #tpu.memory_space<hbm>>) dst(%arg10 : memref<128x128xf32, #tpu.memory_space<vmem>>)
    %barrier3A_324 = arith.constant 0 : index
    tpu.barrier barrier_id(%barrier3A_324)
    %add3A_325 = arith.constant 0 : i32
    %add3A_326 = arith.addi %mul3A_23, %add3A_325 : i32
    %dma_start3A_327 = arith.constant 0 : i32
    %dma_start3A_328 = arith.constant 0 : i32
    %dma_start3A_329 = tpu.memref_slice %arg8[%dma_start3A_327, %dma_start3A_328] : memref<128x128xf32, #tpu.memory_space<vmem>> -> memref<80x128xf32, #tpu.memory_space<vmem>>
    %dma_start3A_330 = arith.constant 0 : i32
    %dma_start3A_331 = tpu.memref_slice %arg22[%add3A_326, %dma_start3A_330] : memref<5120x128xf32, #tpu.memory_space<vmem_shared>> -> memref<80x128xf32, #tpu.memory_space<vmem_shared>>
    %dma_start3A_332 = arith.constant 0 : i32
    %dma_start3A_333 = arith.constant 0 : i32
    %dma_start3A_334 = tpu.memref_slice %arg8[%dma_start3A_332, %dma_start3A_333] : memref<128x128xf32, #tpu.memory_space<vmem>> -> memref<80x128xf32, #tpu.memory_space<vmem>>
    %dma_start3A_335 = arith.constant 0 : i32
    %dma_start3A_336 = tpu.memref_slice %arg22[%add3A_326, %dma_start3A_335] : memref<5120x128xf32, #tpu.memory_space<vmem_shared>> -> memref<80x128xf32, #tpu.memory_space<vmem_shared>>
    tpu.enqueue_dma source(%dma_start3A_336 : memref<80x128xf32, #tpu.memory_space<vmem_shared>>) target(%dma_start3A_334 : memref<80x128xf32, #tpu.memory_space<vmem>>) target_semaphore(%arg27 : memref<!tpu.dma_semaphore, #tpu.memory_space<semaphore_mem>>)
    %add3A_337 = arith.constant 80 : i32
    %add3A_338 = arith.addi %mul3A_23, %add3A_337 : i32
    %dma_start3A_339 = arith.constant 0 : i32
    %dma_start3A_340 = arith.constant 0 : i32
    %dma_start3A_341 = tpu.memref_slice %arg9[%dma_start3A_339, %dma_start3A_340] : memref<128x128xf32, #tpu.memory_space<vmem>> -> memref<80x128xf32, #tpu.memory_space<vmem>>
    %dma_start3A_342 = arith.constant 0 : i32
    %dma_start3A_343 = tpu.memref_slice %arg22[%add3A_338, %dma_start3A_342] : memref<5120x128xf32, #tpu.memory_space<vmem_shared>> -> memref<80x128xf32, #tpu.memory_space<vmem_shared>>
    %dma_start3A_344 = arith.constant 0 : i32
    %dma_start3A_345 = arith.constant 0 : i32
    %dma_start3A_346 = tpu.memref_slice %arg9[%dma_start3A_344, %dma_start3A_345] : memref<128x128xf32, #tpu.memory_space<vmem>> -> memref<80x128xf32, #tpu.memory_space<vmem>>
    %dma_start3A_347 = arith.constant 0 : i32
    %dma_start3A_348 = tpu.memref_slice %arg22[%add3A_338, %dma_start3A_347] : memref<5120x128xf32, #tpu.memory_space<vmem_shared>> -> memref<80x128xf32, #tpu.memory_space<vmem_shared>>
    tpu.enqueue_dma source(%dma_start3A_348 : memref<80x128xf32, #tpu.memory_space<vmem_shared>>) target(%dma_start3A_346 : memref<80x128xf32, #tpu.memory_space<vmem>>) target_semaphore(%arg27 : memref<!tpu.dma_semaphore, #tpu.memory_space<semaphore_mem>>)
    %add3A_349 = arith.constant 160 : i32
    %add3A_350 = arith.addi %mul3A_23, %add3A_349 : i32
    %dma_start3A_351 = arith.constant 0 : i32
    %dma_start3A_352 = arith.constant 0 : i32
    %dma_start3A_353 = tpu.memref_slice %arg10[%dma_start3A_351, %dma_start3A_352] : memref<128x128xf32, #tpu.memory_space<vmem>> -> memref<80x128xf32, #tpu.memory_space<vmem>>
    %dma_start3A_354 = arith.constant 0 : i32
    %dma_start3A_355 = tpu.memref_slice %arg22[%add3A_350, %dma_start3A_354] : memref<5120x128xf32, #tpu.memory_space<vmem_shared>> -> memref<80x128xf32, #tpu.memory_space<vmem_shared>>
    %dma_start3A_356 = arith.constant 0 : i32
    %dma_start3A_357 = arith.constant 0 : i32
    %dma_start3A_358 = tpu.memref_slice %arg10[%dma_start3A_356, %dma_start3A_357] : memref<128x128xf32, #tpu.memory_space<vmem>> -> memref<80x128xf32, #tpu.memory_space<vmem>>
    %dma_start3A_359 = arith.constant 0 : i32
    %dma_start3A_360 = tpu.memref_slice %arg22[%add3A_350, %dma_start3A_359] : memref<5120x128xf32, #tpu.memory_space<vmem_shared>> -> memref<80x128xf32, #tpu.memory_space<vmem_shared>>
    tpu.enqueue_dma source(%dma_start3A_360 : memref<80x128xf32, #tpu.memory_space<vmem_shared>>) target(%dma_start3A_358 : memref<80x128xf32, #tpu.memory_space<vmem>>) target_semaphore(%arg27 : memref<!tpu.dma_semaphore, #tpu.memory_space<semaphore_mem>>)
    %dma_start3A_361 = tpu.memref_slice %arg23[%mul3A_23] : memref<5120xf32, #tpu.memory_space<vmem_shared>> -> memref<320xf32, #tpu.memory_space<vmem_shared>>
    %dma_start3A_362 = tpu.memref_slice %arg23[%mul3A_23] : memref<5120xf32, #tpu.memory_space<vmem_shared>> -> memref<320xf32, #tpu.memory_space<vmem_shared>>
    tpu.enqueue_dma source(%dma_start3A_362 : memref<320xf32, #tpu.memory_space<vmem_shared>>) target(%arg20 : memref<320xf32, #tpu.memory_space<vmem>>) target_semaphore(%arg27 : memref<!tpu.dma_semaphore, #tpu.memory_space<semaphore_mem>>)
    %dma_start3A_363 = tpu.memref_slice %arg24[%mul3A_23] : memref<5120xf32, #tpu.memory_space<vmem_shared>> -> memref<320xf32, #tpu.memory_space<vmem_shared>>
    %dma_start3A_364 = tpu.memref_slice %arg24[%mul3A_23] : memref<5120xf32, #tpu.memory_space<vmem_shared>> -> memref<320xf32, #tpu.memory_space<vmem_shared>>
    tpu.enqueue_dma source(%dma_start3A_364 : memref<320xf32, #tpu.memory_space<vmem_shared>>) target(%arg21 : memref<320xf32, #tpu.memory_space<vmem>>) target_semaphore(%arg27 : memref<!tpu.dma_semaphore, #tpu.memory_space<semaphore_mem>>)
    %dma_wait3A_365 = arith.constant 0 : i32
    %dma_wait3A_366 = arith.constant 0 : i32
    %dma_wait3A_367 = tpu.memref_slice %arg8[%dma_wait3A_365, %dma_wait3A_366] : memref<128x128xf32, #tpu.memory_space<vmem>> -> memref<80x128xf32, #tpu.memory_space<vmem>>
    %dma_wait3A_368 = arith.constant 0 : i32
    %dma_wait3A_369 = tpu.memref_slice %arg22[%add3A_326, %dma_wait3A_368] : memref<5120x128xf32, #tpu.memory_space<vmem_shared>> -> memref<80x128xf32, #tpu.memory_space<vmem_shared>>
    %dma_wait3A_370 = arith.constant 0 : i32
    %dma_wait3A_371 = arith.constant 0 : i32
    %dma_wait3A_372 = tpu.memref_slice %arg8[%dma_wait3A_370, %dma_wait3A_371] : memref<128x128xf32, #tpu.memory_space<vmem>> -> memref<80x128xf32, #tpu.memory_space<vmem>>
    %dma_wait3A_373 = arith.constant 0 : i32
    %dma_wait3A_374 = tpu.memref_slice %arg22[%add3A_326, %dma_wait3A_373] : memref<5120x128xf32, #tpu.memory_space<vmem_shared>> -> memref<80x128xf32, #tpu.memory_space<vmem_shared>>
    tpu.wait_dma2 semaphore(%arg27 : memref<!tpu.dma_semaphore, #tpu.memory_space<semaphore_mem>>) src(%dma_wait3A_374 : memref<80x128xf32, #tpu.memory_space<vmem_shared>>) dst(%dma_wait3A_372 : memref<80x128xf32, #tpu.memory_space<vmem>>)
    %add3A_375 = arith.constant 0 : i32
    %add3A_376 = arith.addi %mul3A_23, %add3A_375 : i32
    %dma_start3A_377 = arith.constant 0 : i32
    %dma_start3A_378 = arith.constant 0 : i32
    %dma_start3A_379 = tpu.memref_slice %arg8[%dma_start3A_377, %dma_start3A_378] : memref<128x128xf32, #tpu.memory_space<vmem>> -> memref<80x128xf32, #tpu.memory_space<vmem>>
    %dma_start3A_380 = arith.constant 0 : i32
    %dma_start3A_381 = tpu.memref_slice %arg5[%arg0, %add3A_376, %dma_start3A_380] : memref<2x5120x128xf32, #tpu.memory_space<hbm>> -> memref<1x80x128xf32, #tpu.memory_space<hbm>>
    %dma_start3A_382 = tpu.memref_squeeze %dma_start3A_381 : memref<1x80x128xf32, #tpu.memory_space<hbm>> -> memref<80x128xf32, #tpu.memory_space<hbm>>
    %dma_start3A_383 = arith.constant 0 : i32
    %dma_start3A_384 = tpu.memref_slice %arg5[%arg0, %add3A_376, %dma_start3A_383] : memref<2x5120x128xf32, #tpu.memory_space<hbm>> -> memref<1x80x128xf32, #tpu.memory_space<hbm>>
    %dma_start3A_385 = tpu.memref_squeeze %dma_start3A_384 : memref<1x80x128xf32, #tpu.memory_space<hbm>> -> memref<80x128xf32, #tpu.memory_space<hbm>>
    %dma_start3A_386 = arith.constant 0 : i32
    %dma_start3A_387 = arith.constant 0 : i32
    %dma_start3A_388 = tpu.memref_slice %arg8[%dma_start3A_386, %dma_start3A_387] : memref<128x128xf32, #tpu.memory_space<vmem>> -> memref<80x128xf32, #tpu.memory_space<vmem>>
    tpu.enqueue_dma source(%dma_start3A_388 : memref<80x128xf32, #tpu.memory_space<vmem>>) target(%dma_start3A_385 : memref<80x128xf32, #tpu.memory_space<hbm>>) target_semaphore(%arg26 : memref<!tpu.dma_semaphore, #tpu.memory_space<semaphore_mem>>)
    %dma_wait3A_389 = arith.constant 0 : i32
    %dma_wait3A_390 = arith.constant 0 : i32
    %dma_wait3A_391 = tpu.memref_slice %arg9[%dma_wait3A_389, %dma_wait3A_390] : memref<128x128xf32, #tpu.memory_space<vmem>> -> memref<80x128xf32, #tpu.memory_space<vmem>>
    %dma_wait3A_392 = arith.constant 0 : i32
    %dma_wait3A_393 = tpu.memref_slice %arg22[%add3A_338, %dma_wait3A_392] : memref<5120x128xf32, #tpu.memory_space<vmem_shared>> -> memref<80x128xf32, #tpu.memory_space<vmem_shared>>
    %dma_wait3A_394 = arith.constant 0 : i32
    %dma_wait3A_395 = arith.constant 0 : i32
    %dma_wait3A_396 = tpu.memref_slice %arg9[%dma_wait3A_394, %dma_wait3A_395] : memref<128x128xf32, #tpu.memory_space<vmem>> -> memref<80x128xf32, #tpu.memory_space<vmem>>
    %dma_wait3A_397 = arith.constant 0 : i32
    %dma_wait3A_398 = tpu.memref_slice %arg22[%add3A_338, %dma_wait3A_397] : memref<5120x128xf32, #tpu.memory_space<vmem_shared>> -> memref<80x128xf32, #tpu.memory_space<vmem_shared>>
    tpu.wait_dma2 semaphore(%arg27 : memref<!tpu.dma_semaphore, #tpu.memory_space<semaphore_mem>>) src(%dma_wait3A_398 : memref<80x128xf32, #tpu.memory_space<vmem_shared>>) dst(%dma_wait3A_396 : memref<80x128xf32, #tpu.memory_space<vmem>>)
    %add3A_399 = arith.constant 80 : i32
    %add3A_400 = arith.addi %mul3A_23, %add3A_399 : i32
    %dma_start3A_401 = arith.constant 0 : i32
    %dma_start3A_402 = arith.constant 0 : i32
    %dma_start3A_403 = tpu.memref_slice %arg9[%dma_start3A_401, %dma_start3A_402] : memref<128x128xf32, #tpu.memory_space<vmem>> -> memref<80x128xf32, #tpu.memory_space<vmem>>
    %dma_start3A_404 = arith.constant 0 : i32
    %dma_start3A_405 = tpu.memref_slice %arg5[%arg0, %add3A_400, %dma_start3A_404] : memref<2x5120x128xf32, #tpu.memory_space<hbm>> -> memref<1x80x128xf32, #tpu.memory_space<hbm>>
    %dma_start3A_406 = tpu.memref_squeeze %dma_start3A_405 : memref<1x80x128xf32, #tpu.memory_space<hbm>> -> memref<80x128xf32, #tpu.memory_space<hbm>>
    %dma_start3A_407 = arith.constant 0 : i32
    %dma_start3A_408 = tpu.memref_slice %arg5[%arg0, %add3A_400, %dma_start3A_407] : memref<2x5120x128xf32, #tpu.memory_space<hbm>> -> memref<1x80x128xf32, #tpu.memory_space<hbm>>
    %dma_start3A_409 = tpu.memref_squeeze %dma_start3A_408 : memref<1x80x128xf32, #tpu.memory_space<hbm>> -> memref<80x128xf32, #tpu.memory_space<hbm>>
    %dma_start3A_410 = arith.constant 0 : i32
    %dma_start3A_411 = arith.constant 0 : i32
    %dma_start3A_412 = tpu.memref_slice %arg9[%dma_start3A_410, %dma_start3A_411] : memref<128x128xf32, #tpu.memory_space<vmem>> -> memref<80x128xf32, #tpu.memory_space<vmem>>
    tpu.enqueue_dma source(%dma_start3A_412 : memref<80x128xf32, #tpu.memory_space<vmem>>) target(%dma_start3A_409 : memref<80x128xf32, #tpu.memory_space<hbm>>) target_semaphore(%arg26 : memref<!tpu.dma_semaphore, #tpu.memory_space<semaphore_mem>>)
    %dma_wait3A_413 = arith.constant 0 : i32
    %dma_wait3A_414 = arith.constant 0 : i32
    %dma_wait3A_415 = tpu.memref_slice %arg10[%dma_wait3A_413, %dma_wait3A_414] : memref<128x128xf32, #tpu.memory_space<vmem>> -> memref<80x128xf32, #tpu.memory_space<vmem>>
    %dma_wait3A_416 = arith.constant 0 : i32
    %dma_wait3A_417 = tpu.memref_slice %arg22[%add3A_350, %dma_wait3A_416] : memref<5120x128xf32, #tpu.memory_space<vmem_shared>> -> memref<80x128xf32, #tpu.memory_space<vmem_shared>>
    %dma_wait3A_418 = arith.constant 0 : i32
    %dma_wait3A_419 = arith.constant 0 : i32
    %dma_wait3A_420 = tpu.memref_slice %arg10[%dma_wait3A_418, %dma_wait3A_419] : memref<128x128xf32, #tpu.memory_space<vmem>> -> memref<80x128xf32, #tpu.memory_space<vmem>>
    %dma_wait3A_421 = arith.constant 0 : i32
    %dma_wait3A_422 = tpu.memref_slice %arg22[%add3A_350, %dma_wait3A_421] : memref<5120x128xf32, #tpu.memory_space<vmem_shared>> -> memref<80x128xf32, #tpu.memory_space<vmem_shared>>
    tpu.wait_dma2 semaphore(%arg27 : memref<!tpu.dma_semaphore, #tpu.memory_space<semaphore_mem>>) src(%dma_wait3A_422 : memref<80x128xf32, #tpu.memory_space<vmem_shared>>) dst(%dma_wait3A_420 : memref<80x128xf32, #tpu.memory_space<vmem>>)
    %add3A_423 = arith.constant 160 : i32
    %add3A_424 = arith.addi %mul3A_23, %add3A_423 : i32
    %dma_start3A_425 = arith.constant 0 : i32
    %dma_start3A_426 = arith.constant 0 : i32
    %dma_start3A_427 = tpu.memref_slice %arg10[%dma_start3A_425, %dma_start3A_426] : memref<128x128xf32, #tpu.memory_space<vmem>> -> memref<80x128xf32, #tpu.memory_space<vmem>>
    %dma_start3A_428 = arith.constant 0 : i32
    %dma_start3A_429 = tpu.memref_slice %arg5[%arg0, %add3A_424, %dma_start3A_428] : memref<2x5120x128xf32, #tpu.memory_space<hbm>> -> memref<1x80x128xf32, #tpu.memory_space<hbm>>
    %dma_start3A_430 = tpu.memref_squeeze %dma_start3A_429 : memref<1x80x128xf32, #tpu.memory_space<hbm>> -> memref<80x128xf32, #tpu.memory_space<hbm>>
    %dma_start3A_431 = arith.constant 0 : i32
    %dma_start3A_432 = tpu.memref_slice %arg5[%arg0, %add3A_424, %dma_start3A_431] : memref<2x5120x128xf32, #tpu.memory_space<hbm>> -> memref<1x80x128xf32, #tpu.memory_space<hbm>>
    %dma_start3A_433 = tpu.memref_squeeze %dma_start3A_432 : memref<1x80x128xf32, #tpu.memory_space<hbm>> -> memref<80x128xf32, #tpu.memory_space<hbm>>
    %dma_start3A_434 = arith.constant 0 : i32
    %dma_start3A_435 = arith.constant 0 : i32
    %dma_start3A_436 = tpu.memref_slice %arg10[%dma_start3A_434, %dma_start3A_435] : memref<128x128xf32, #tpu.memory_space<vmem>> -> memref<80x128xf32, #tpu.memory_space<vmem>>
    tpu.enqueue_dma source(%dma_start3A_436 : memref<80x128xf32, #tpu.memory_space<vmem>>) target(%dma_start3A_433 : memref<80x128xf32, #tpu.memory_space<hbm>>) target_semaphore(%arg26 : memref<!tpu.dma_semaphore, #tpu.memory_space<semaphore_mem>>)
    %dma_wait3A_437 = tpu.memref_slice %arg23[%mul3A_23] : memref<5120xf32, #tpu.memory_space<vmem_shared>> -> memref<320xf32, #tpu.memory_space<vmem_shared>>
    %dma_wait3A_438 = tpu.memref_slice %arg23[%mul3A_23] : memref<5120xf32, #tpu.memory_space<vmem_shared>> -> memref<320xf32, #tpu.memory_space<vmem_shared>>
    tpu.wait_dma2 semaphore(%arg27 : memref<!tpu.dma_semaphore, #tpu.memory_space<semaphore_mem>>) src(%dma_wait3A_438 : memref<320xf32, #tpu.memory_space<vmem_shared>>) dst(%arg20 : memref<320xf32, #tpu.memory_space<vmem>>)
    %mul3A_439 = arith.constant 5120 : i32
    %mul3A_440 = arith.muli %arg0, %mul3A_439 : i32
    %add3A_441 = arith.addi %mul3A_440, %mul3A_23 : i32
    %dma_start3A_442 = tpu.memref_slice %arg6[%add3A_441] : memref<10240xf32, #tpu.memory_space<hbm>> -> memref<320xf32, #tpu.memory_space<hbm>>
    %dma_start3A_443 = tpu.memref_slice %arg6[%add3A_441] : memref<10240xf32, #tpu.memory_space<hbm>> -> memref<320xf32, #tpu.memory_space<hbm>>
    tpu.enqueue_dma source(%arg20 : memref<320xf32, #tpu.memory_space<vmem>>) target(%dma_start3A_443 : memref<320xf32, #tpu.memory_space<hbm>>) target_semaphore(%arg26 : memref<!tpu.dma_semaphore, #tpu.memory_space<semaphore_mem>>)
    %dma_wait3A_444 = tpu.memref_slice %arg24[%mul3A_23] : memref<5120xf32, #tpu.memory_space<vmem_shared>> -> memref<320xf32, #tpu.memory_space<vmem_shared>>
    %dma_wait3A_445 = tpu.memref_slice %arg24[%mul3A_23] : memref<5120xf32, #tpu.memory_space<vmem_shared>> -> memref<320xf32, #tpu.memory_space<vmem_shared>>
    tpu.wait_dma2 semaphore(%arg27 : memref<!tpu.dma_semaphore, #tpu.memory_space<semaphore_mem>>) src(%dma_wait3A_445 : memref<320xf32, #tpu.memory_space<vmem_shared>>) dst(%arg21 : memref<320xf32, #tpu.memory_space<vmem>>)
    %mul3A_446 = arith.constant 5120 : i32
    %mul3A_447 = arith.muli %arg0, %mul3A_446 : i32
    %add3A_448 = arith.addi %mul3A_447, %mul3A_23 : i32
    %dma_start3A_449 = tpu.memref_slice %arg7[%add3A_448] : memref<10240xf32, #tpu.memory_space<hbm>> -> memref<320xf32, #tpu.memory_space<hbm>>
    %dma_start3A_450 = tpu.memref_slice %arg7[%add3A_448] : memref<10240xf32, #tpu.memory_space<hbm>> -> memref<320xf32, #tpu.memory_space<hbm>>
    tpu.enqueue_dma source(%arg21 : memref<320xf32, #tpu.memory_space<vmem>>) target(%dma_start3A_450 : memref<320xf32, #tpu.memory_space<hbm>>) target_semaphore(%arg26 : memref<!tpu.dma_semaphore, #tpu.memory_space<semaphore_mem>>)
    %dma_wait3A_451 = arith.constant 0 : i32
    %dma_wait3A_452 = arith.constant 0 : i32
    %dma_wait3A_453 = tpu.memref_slice %arg8[%dma_wait3A_451, %dma_wait3A_452] : memref<128x128xf32, #tpu.memory_space<vmem>> -> memref<80x128xf32, #tpu.memory_space<vmem>>
    %dma_wait3A_454 = arith.constant 0 : i32
    %dma_wait3A_455 = tpu.memref_slice %arg5[%arg0, %add3A_376, %dma_wait3A_454] : memref<2x5120x128xf32, #tpu.memory_space<hbm>> -> memref<1x80x128xf32, #tpu.memory_space<hbm>>
    %dma_wait3A_456 = tpu.memref_squeeze %dma_wait3A_455 : memref<1x80x128xf32, #tpu.memory_space<hbm>> -> memref<80x128xf32, #tpu.memory_space<hbm>>
    %dma_wait3A_457 = arith.constant 0 : i32
    %dma_wait3A_458 = tpu.memref_slice %arg5[%arg0, %add3A_376, %dma_wait3A_457] : memref<2x5120x128xf32, #tpu.memory_space<hbm>> -> memref<1x80x128xf32, #tpu.memory_space<hbm>>
    %dma_wait3A_459 = tpu.memref_squeeze %dma_wait3A_458 : memref<1x80x128xf32, #tpu.memory_space<hbm>> -> memref<80x128xf32, #tpu.memory_space<hbm>>
    %dma_wait3A_460 = arith.constant 0 : i32
    %dma_wait3A_461 = arith.constant 0 : i32
    %dma_wait3A_462 = tpu.memref_slice %arg8[%dma_wait3A_460, %dma_wait3A_461] : memref<128x128xf32, #tpu.memory_space<vmem>> -> memref<80x128xf32, #tpu.memory_space<vmem>>
    tpu.wait_dma2 semaphore(%arg26 : memref<!tpu.dma_semaphore, #tpu.memory_space<semaphore_mem>>) src(%dma_wait3A_462 : memref<80x128xf32, #tpu.memory_space<vmem>>) dst(%dma_wait3A_459 : memref<80x128xf32, #tpu.memory_space<hbm>>)
    %add3A_463 = arith.constant 240 : i32
    %add3A_464 = arith.addi %mul3A_23, %add3A_463 : i32
    %dma_start3A_465 = arith.constant 0 : i32
    %dma_start3A_466 = arith.constant 0 : i32
    %dma_start3A_467 = tpu.memref_slice %arg8[%dma_start3A_465, %dma_start3A_466] : memref<128x128xf32, #tpu.memory_space<vmem>> -> memref<80x128xf32, #tpu.memory_space<vmem>>
    %dma_start3A_468 = arith.constant 0 : i32
    %dma_start3A_469 = tpu.memref_slice %arg22[%add3A_464, %dma_start3A_468] : memref<5120x128xf32, #tpu.memory_space<vmem_shared>> -> memref<80x128xf32, #tpu.memory_space<vmem_shared>>
    %dma_start3A_470 = arith.constant 0 : i32
    %dma_start3A_471 = arith.constant 0 : i32
    %dma_start3A_472 = tpu.memref_slice %arg8[%dma_start3A_470, %dma_start3A_471] : memref<128x128xf32, #tpu.memory_space<vmem>> -> memref<80x128xf32, #tpu.memory_space<vmem>>
    %dma_start3A_473 = arith.constant 0 : i32
    %dma_start3A_474 = tpu.memref_slice %arg22[%add3A_464, %dma_start3A_473] : memref<5120x128xf32, #tpu.memory_space<vmem_shared>> -> memref<80x128xf32, #tpu.memory_space<vmem_shared>>
    tpu.enqueue_dma source(%dma_start3A_474 : memref<80x128xf32, #tpu.memory_space<vmem_shared>>) target(%dma_start3A_472 : memref<80x128xf32, #tpu.memory_space<vmem>>) target_semaphore(%arg27 : memref<!tpu.dma_semaphore, #tpu.memory_space<semaphore_mem>>)
    %dma_wait3A_475 = arith.constant 0 : i32
    %dma_wait3A_476 = arith.constant 0 : i32
    %dma_wait3A_477 = tpu.memref_slice %arg8[%dma_wait3A_475, %dma_wait3A_476] : memref<128x128xf32, #tpu.memory_space<vmem>> -> memref<80x128xf32, #tpu.memory_space<vmem>>
    %dma_wait3A_478 = arith.constant 0 : i32
    %dma_wait3A_479 = tpu.memref_slice %arg22[%add3A_464, %dma_wait3A_478] : memref<5120x128xf32, #tpu.memory_space<vmem_shared>> -> memref<80x128xf32, #tpu.memory_space<vmem_shared>>
    %dma_wait3A_480 = arith.constant 0 : i32
    %dma_wait3A_481 = arith.constant 0 : i32
    %dma_wait3A_482 = tpu.memref_slice %arg8[%dma_wait3A_480, %dma_wait3A_481] : memref<128x128xf32, #tpu.memory_space<vmem>> -> memref<80x128xf32, #tpu.memory_space<vmem>>
    %dma_wait3A_483 = arith.constant 0 : i32
    %dma_wait3A_484 = tpu.memref_slice %arg22[%add3A_464, %dma_wait3A_483] : memref<5120x128xf32, #tpu.memory_space<vmem_shared>> -> memref<80x128xf32, #tpu.memory_space<vmem_shared>>
    tpu.wait_dma2 semaphore(%arg27 : memref<!tpu.dma_semaphore, #tpu.memory_space<semaphore_mem>>) src(%dma_wait3A_484 : memref<80x128xf32, #tpu.memory_space<vmem_shared>>) dst(%dma_wait3A_482 : memref<80x128xf32, #tpu.memory_space<vmem>>)
    %add3A_485 = arith.constant 240 : i32
    %add3A_486 = arith.addi %mul3A_23, %add3A_485 : i32
    %dma_start3A_487 = arith.constant 0 : i32
    %dma_start3A_488 = arith.constant 0 : i32
    %dma_start3A_489 = tpu.memref_slice %arg8[%dma_start3A_487, %dma_start3A_488] : memref<128x128xf32, #tpu.memory_space<vmem>> -> memref<80x128xf32, #tpu.memory_space<vmem>>
    %dma_start3A_490 = arith.constant 0 : i32
    %dma_start3A_491 = tpu.memref_slice %arg5[%arg0, %add3A_486, %dma_start3A_490] : memref<2x5120x128xf32, #tpu.memory_space<hbm>> -> memref<1x80x128xf32, #tpu.memory_space<hbm>>
    %dma_start3A_492 = tpu.memref_squeeze %dma_start3A_491 : memref<1x80x128xf32, #tpu.memory_space<hbm>> -> memref<80x128xf32, #tpu.memory_space<hbm>>
    %dma_start3A_493 = arith.constant 0 : i32
    %dma_start3A_494 = tpu.memref_slice %arg5[%arg0, %add3A_486, %dma_start3A_493] : memref<2x5120x128xf32, #tpu.memory_space<hbm>> -> memref<1x80x128xf32, #tpu.memory_space<hbm>>
    %dma_start3A_495 = tpu.memref_squeeze %dma_start3A_494 : memref<1x80x128xf32, #tpu.memory_space<hbm>> -> memref<80x128xf32, #tpu.memory_space<hbm>>
    %dma_start3A_496 = arith.constant 0 : i32
    %dma_start3A_497 = arith.constant 0 : i32
    %dma_start3A_498 = tpu.memref_slice %arg8[%dma_start3A_496, %dma_start3A_497] : memref<128x128xf32, #tpu.memory_space<vmem>> -> memref<80x128xf32, #tpu.memory_space<vmem>>
    tpu.enqueue_dma source(%dma_start3A_498 : memref<80x128xf32, #tpu.memory_space<vmem>>) target(%dma_start3A_495 : memref<80x128xf32, #tpu.memory_space<hbm>>) target_semaphore(%arg26 : memref<!tpu.dma_semaphore, #tpu.memory_space<semaphore_mem>>)
    %dma_wait3A_499 = arith.constant 0 : i32
    %dma_wait3A_500 = arith.constant 0 : i32
    %dma_wait3A_501 = tpu.memref_slice %arg9[%dma_wait3A_499, %dma_wait3A_500] : memref<128x128xf32, #tpu.memory_space<vmem>> -> memref<80x128xf32, #tpu.memory_space<vmem>>
    %dma_wait3A_502 = arith.constant 0 : i32
    %dma_wait3A_503 = tpu.memref_slice %arg5[%arg0, %add3A_400, %dma_wait3A_502] : memref<2x5120x128xf32, #tpu.memory_space<hbm>> -> memref<1x80x128xf32, #tpu.memory_space<hbm>>
    %dma_wait3A_504 = tpu.memref_squeeze %dma_wait3A_503 : memref<1x80x128xf32, #tpu.memory_space<hbm>> -> memref<80x128xf32, #tpu.memory_space<hbm>>
    %dma_wait3A_505 = arith.constant 0 : i32
    %dma_wait3A_506 = tpu.memref_slice %arg5[%arg0, %add3A_400, %dma_wait3A_505] : memref<2x5120x128xf32, #tpu.memory_space<hbm>> -> memref<1x80x128xf32, #tpu.memory_space<hbm>>
    %dma_wait3A_507 = tpu.memref_squeeze %dma_wait3A_506 : memref<1x80x128xf32, #tpu.memory_space<hbm>> -> memref<80x128xf32, #tpu.memory_space<hbm>>
    %dma_wait3A_508 = arith.constant 0 : i32
    %dma_wait3A_509 = arith.constant 0 : i32
    %dma_wait3A_510 = tpu.memref_slice %arg9[%dma_wait3A_508, %dma_wait3A_509] : memref<128x128xf32, #tpu.memory_space<vmem>> -> memref<80x128xf32, #tpu.memory_space<vmem>>
    tpu.wait_dma2 semaphore(%arg26 : memref<!tpu.dma_semaphore, #tpu.memory_space<semaphore_mem>>) src(%dma_wait3A_510 : memref<80x128xf32, #tpu.memory_space<vmem>>) dst(%dma_wait3A_507 : memref<80x128xf32, #tpu.memory_space<hbm>>)
    %dma_wait3A_511 = arith.constant 0 : i32
    %dma_wait3A_512 = arith.constant 0 : i32
    %dma_wait3A_513 = tpu.memref_slice %arg10[%dma_wait3A_511, %dma_wait3A_512] : memref<128x128xf32, #tpu.memory_space<vmem>> -> memref<80x128xf32, #tpu.memory_space<vmem>>
    %dma_wait3A_514 = arith.constant 0 : i32
    %dma_wait3A_515 = tpu.memref_slice %arg5[%arg0, %add3A_424, %dma_wait3A_514] : memref<2x5120x128xf32, #tpu.memory_space<hbm>> -> memref<1x80x128xf32, #tpu.memory_space<hbm>>
    %dma_wait3A_516 = tpu.memref_squeeze %dma_wait3A_515 : memref<1x80x128xf32, #tpu.memory_space<hbm>> -> memref<80x128xf32, #tpu.memory_space<hbm>>
    %dma_wait3A_517 = arith.constant 0 : i32
    %dma_wait3A_518 = tpu.memref_slice %arg5[%arg0, %add3A_424, %dma_wait3A_517] : memref<2x5120x128xf32, #tpu.memory_space<hbm>> -> memref<1x80x128xf32, #tpu.memory_space<hbm>>
    %dma_wait3A_519 = tpu.memref_squeeze %dma_wait3A_518 : memref<1x80x128xf32, #tpu.memory_space<hbm>> -> memref<80x128xf32, #tpu.memory_space<hbm>>
    %dma_wait3A_520 = arith.constant 0 : i32
    %dma_wait3A_521 = arith.constant 0 : i32
    %dma_wait3A_522 = tpu.memref_slice %arg10[%dma_wait3A_520, %dma_wait3A_521] : memref<128x128xf32, #tpu.memory_space<vmem>> -> memref<80x128xf32, #tpu.memory_space<vmem>>
    tpu.wait_dma2 semaphore(%arg26 : memref<!tpu.dma_semaphore, #tpu.memory_space<semaphore_mem>>) src(%dma_wait3A_522 : memref<80x128xf32, #tpu.memory_space<vmem>>) dst(%dma_wait3A_519 : memref<80x128xf32, #tpu.memory_space<hbm>>)
    %dma_wait3A_523 = arith.constant 0 : i32
    %dma_wait3A_524 = arith.constant 0 : i32
    %dma_wait3A_525 = tpu.memref_slice %arg8[%dma_wait3A_523, %dma_wait3A_524] : memref<128x128xf32, #tpu.memory_space<vmem>> -> memref<80x128xf32, #tpu.memory_space<vmem>>
    %dma_wait3A_526 = arith.constant 0 : i32
    %dma_wait3A_527 = tpu.memref_slice %arg5[%arg0, %add3A_486, %dma_wait3A_526] : memref<2x5120x128xf32, #tpu.memory_space<hbm>> -> memref<1x80x128xf32, #tpu.memory_space<hbm>>
    %dma_wait3A_528 = tpu.memref_squeeze %dma_wait3A_527 : memref<1x80x128xf32, #tpu.memory_space<hbm>> -> memref<80x128xf32, #tpu.memory_space<hbm>>
    %dma_wait3A_529 = arith.constant 0 : i32
    %dma_wait3A_530 = tpu.memref_slice %arg5[%arg0, %add3A_486, %dma_wait3A_529] : memref<2x5120x128xf32, #tpu.memory_space<hbm>> -> memref<1x80x128xf32, #tpu.memory_space<hbm>>
    %dma_wait3A_531 = tpu.memref_squeeze %dma_wait3A_530 : memref<1x80x128xf32, #tpu.memory_space<hbm>> -> memref<80x128xf32, #tpu.memory_space<hbm>>
    %dma_wait3A_532 = arith.constant 0 : i32
    %dma_wait3A_533 = arith.constant 0 : i32
    %dma_wait3A_534 = tpu.memref_slice %arg8[%dma_wait3A_532, %dma_wait3A_533] : memref<128x128xf32, #tpu.memory_space<vmem>> -> memref<80x128xf32, #tpu.memory_space<vmem>>
    tpu.wait_dma2 semaphore(%arg26 : memref<!tpu.dma_semaphore, #tpu.memory_space<semaphore_mem>>) src(%dma_wait3A_534 : memref<80x128xf32, #tpu.memory_space<vmem>>) dst(%dma_wait3A_531 : memref<80x128xf32, #tpu.memory_space<hbm>>)
    %dma_wait3A_535 = tpu.memref_slice %arg6[%add3A_441] : memref<10240xf32, #tpu.memory_space<hbm>> -> memref<320xf32, #tpu.memory_space<hbm>>
    %dma_wait3A_536 = tpu.memref_slice %arg6[%add3A_441] : memref<10240xf32, #tpu.memory_space<hbm>> -> memref<320xf32, #tpu.memory_space<hbm>>
    tpu.wait_dma2 semaphore(%arg26 : memref<!tpu.dma_semaphore, #tpu.memory_space<semaphore_mem>>) src(%arg20 : memref<320xf32, #tpu.memory_space<vmem>>) dst(%dma_wait3A_536 : memref<320xf32, #tpu.memory_space<hbm>>)
    %dma_wait3A_537 = tpu.memref_slice %arg7[%add3A_448] : memref<10240xf32, #tpu.memory_space<hbm>> -> memref<320xf32, #tpu.memory_space<hbm>>
    %dma_wait3A_538 = tpu.memref_slice %arg7[%add3A_448] : memref<10240xf32, #tpu.memory_space<hbm>> -> memref<320xf32, #tpu.memory_space<hbm>>
    tpu.wait_dma2 semaphore(%arg26 : memref<!tpu.dma_semaphore, #tpu.memory_space<semaphore_mem>>) src(%arg21 : memref<320xf32, #tpu.memory_space<vmem>>) dst(%dma_wait3A_538 : memref<320xf32, #tpu.memory_space<hbm>>)
    return
  }
}

module attributes {stable_mosaic.version = 14 : i64} {
  func.func @_finalize_body(%arg0: memref<2x5120x128xf32, #tpu.memory_space<vmem>>, %arg1: memref<10240xf32, #tpu.memory_space<vmem>>, %arg2: memref<10240xf32, #tpu.memory_space<vmem>>, %arg3: memref<10000x128xf32, #tpu.memory_space<vmem>>, %arg4: memref<10000xf32, #tpu.memory_space<vmem>>, %arg5: memref<10000xi32, #tpu.memory_space<vmem>>) attributes {dimension_semantics = [], scalar_prefetch = 0 : i64, scratch_operands = 0 : i64, tpu.core_type = #tpu.core_type<tc>} {
    %get3A = arith.constant 0 : index
    %get3A_0 = arith.constant 0 : index
    %get3A_1 = arith.constant 0 : index
    %get3A_2 = vector.load %arg0[%get3A, %get3A_0, %get3A_1] : memref<2x5120x128xf32, #tpu.memory_space<vmem>>, vector<1x5000x128xf32>
    %get3A_3 = vector.shape_cast %get3A_2 : vector<1x5000x128xf32> to vector<5000x128xf32>
    %get3A_4 = arith.constant 1 : index
    %get3A_5 = arith.constant 0 : index
    %get3A_6 = arith.constant 0 : index
    %get3A_7 = vector.load %arg0[%get3A_4, %get3A_5, %get3A_6] : memref<2x5120x128xf32, #tpu.memory_space<vmem>>, vector<1x5000x128xf32>
    %get3A_8 = vector.shape_cast %get3A_7 : vector<1x5000x128xf32> to vector<5000x128xf32>
    %concatenate3A = tpu.concatenate %get3A_3, %get3A_8 in 0 : vector<5000x128xf32>, vector<5000x128xf32> -> vector<10000x128xf32>
    %get3A_9 = arith.constant 0 : index
    %get3A_10 = vector.load %arg1[%get3A_9] : memref<10240xf32, #tpu.memory_space<vmem>>, vector<5000xf32>
    %get3A_11 = arith.constant 5120 : index
    %get3A_12 = vector.load %arg1[%get3A_11] : memref<10240xf32, #tpu.memory_space<vmem>>, vector<5000xf32>
    %concatenate3A_13 = tpu.concatenate %get3A_10, %get3A_12 in 0 : vector<5000xf32>, vector<5000xf32> -> vector<10000xf32>
    %get3A_14 = arith.constant 0 : index
    %get3A_15 = vector.load %arg2[%get3A_14] : memref<10240xf32, #tpu.memory_space<vmem>>, vector<5000xf32>
    %get3A_16 = arith.constant 5120 : index
    %get3A_17 = vector.load %arg2[%get3A_16] : memref<10240xf32, #tpu.memory_space<vmem>>, vector<5000xf32>
    %concatenate3A_18 = tpu.concatenate %get3A_15, %get3A_17 in 0 : vector<5000xf32>, vector<5000xf32> -> vector<10000xf32>
    %max3A = arith.constant 1.000000e+00 : f32
    %max3A_19 = vector.broadcast %max3A : f32 to vector<10000xf32>
    %max3A_20 = arith.maximumf %concatenate3A_13, %max3A_19 : vector<10000xf32>
    %broadcast_in_dim3A = vector.shape_cast %max3A_20 : vector<10000xf32> to vector<10000x1xf32>
    %div3A = vector.broadcast %broadcast_in_dim3A : vector<10000x1xf32> to vector<10000x128xf32>
    %div3A_21 = arith.divf %concatenate3A, %div3A : vector<10000x128xf32>
    %swap3A = arith.constant 0 : index
    %swap3A_22 = arith.constant 0 : index
    %swap3A_23 = vector.load %arg3[%swap3A, %swap3A_22] : memref<10000x128xf32, #tpu.memory_space<vmem>>, vector<10000x128xf32>
    tpu.vector_store %arg3[%swap3A, %swap3A_22], %div3A_21 {strides = array<i32>} : memref<10000x128xf32, #tpu.memory_space<vmem>>, vector<10000x128xf32>,
    %swap3A_24 = arith.constant 0 : index
    %swap3A_25 = vector.load %arg4[%swap3A_24] : memref<10000xf32, #tpu.memory_space<vmem>>, vector<10000xf32>
    tpu.vector_store %arg4[%swap3A_24], %concatenate3A_18 {strides = array<i32>} : memref<10000xf32, #tpu.memory_space<vmem>>, vector<10000xf32>,
    %gt3A = arith.constant 0.000000e+00 : f32
    %gt3A_26 = vector.broadcast %gt3A : f32 to vector<10000xf32>
    %gt3A_27 = arith.cmpf ogt, %concatenate3A_13, %gt3A_26 : vector<10000xf32>
    %convert_element_type3A = arith.extui %gt3A_27 : vector<10000xi1> to vector<10000xi32>
    %swap3A_28 = arith.constant 0 : index
    %swap3A_29 = vector.load %arg5[%swap3A_28] : memref<10000xi32, #tpu.memory_space<vmem>>, vector<10000xi32>
    tpu.vector_store %arg5[%swap3A_28], %convert_element_type3A {strides = array<i32>} : memref<10000xi32, #tpu.memory_space<vmem>>, vector<10000xi32>,
    return
  }
}

</mosaic_0001>

<sc_bundles>
// kernel: kernel.4.cloned.1.call-start
scs
__scs_entry_jumppad:
0x0: {  	(pc) =	sbr.rel $0x88, $3  }
0x1: {  	(tag) =	ssettag $0x0;
	lr =	simm.s32 $0x1  }
0x2: {  	[smem:$0x3F9E] =	sst lr;
	_ =	strace $0xD0000000  }
0x3: {  	_ = 	snop  }
0x4: {  	_ = 	snop  }
0x5: {  	_ = 	snop  }
0x6: {  	_ = 	snop  }
0x7: {  	_ = 	snop  }
__scs_overlays_trampoline_lowered:
0x8: {  	[smem:$0x3FAD] =	sst s0  }
0x9: {  	[smem:$0x3FAE] =	sst s1  }
0xa: {  	[smem:$0x3FAF] =	sst s2  }
0xb: {  	[smem:$0x3FB0] =	sst s3  }
0xc: {  	[smem:$0x3FB1] =	sst s4  }
0xd: {  	[smem:$0x3FB2] =	sst s5  }
0xe: {  	[smem:$0x3FB3] =	sst s6  }
0xf: {  	[smem:$0x3FB4] =	sst s7  }
0x10: {  	[smem:$0x3FB5] =	sst s8  }
0x11: {  	[smem:$0x3FB6] =	sst s9;
	s0 =	simm.s32 @!p0 $0x0  }
0x12: {  	s1 =	sld [smem:$0x3F9C];
	s0 =	simm.s32 @p0 $0x1  }
0x13: {  	[smem:$0x3FB7] =	sst s0;
	s0 =	simm.s32 @!p1 $0x0  }
0x14: {  	s2 =	sld [smem:$0x3F9B];
	s0 =	simm.s32 @p1 $0x1  }
0x15: {  	[smem:$0x3FB8] =	sst s0;
	s0 =	simm.s32 @!p2 $0x0  }
0x16: {  	s3 =	sld [smem:$0x3FDB];
	s0 =	simm.s32 @p2 $0x1  }
0x17: {  	s4 =	simm.s32 $0x1BF5;
	[smem:$0x3FBA] =	sst s0  }
0x18: {  	s0 =	sld [smem:$0x3F9D];
	_ =	swait.ge [sflag:s4], $0x0  }
0x19: {  	s7 =	sld [smem:$0x3F9E]  }
0x1a: {  	s8 =	sadd.s32 $0xFFFFE003, lr  }
0x1b: {  	s9 =	sadd.s32 $0xFFFFFEF7, lr;
	s5 =	simm.s32 $0xFFFFFFFF;
	p2 =	slt.u32 s8, $0xFFFFF086  }
0x1c: {  	p1 =	slt.u32 s9, $0xF7A;
	s5 =	simm.s32 @!p2 $0x0  }
0x1d: {  	s5 =	simm.s32 @p1 $0x1;
	p0 =	seq.s32 s7, s2  }
0x1e: {  	s7 =	smul.u32 @!p0 $0xF7A, s2;
	p2 =	seq.s32 @!p0 s5, $0x0  }
0x1f: {  	s9 =	smul.u32 $0xF7A, s1;
	s8 =	simm.s32 @!p0 $0x1BF5;
	p2 =	por !p2, p0  }
0x20: {  	[sflag:s8] =	ssyncset.s32 @!p0 $0xFFFFF086;
	s6 =	sadd.s32 @!p0 s3, s7;
	s7 =	simm.s32 @!p0 $0x108  }
0x21: {  	s3 =	sadd.s32 s3, s9;
	s6 =	sadd.s32 @!p0 $0x88, s6;
	s7 =	simm.s32 @p2 $0x1082  }
0x22: {  	[simem:s7], [sflag:s8] =	dma.local @!p0 [hbm:s6], $0xF7A  }
0x23: {  	s9 =	sor.u32 $0xD0000000, s2;
	s6 =	simm.s32 $0x108;
	_ =	swait.ge @!p0 [sflag:s8], $0x0  }
0x24: {  	s3 =	sadd.s32 $0x88, s3;
	s6 =	simm.s32 @!p1 $0x1082;
	[sflag:s4] =	ssyncset.s32 $0xFFFFF086  }
0x25: {  	[simem:s6], [sflag:s4] =	dma.local [hbm:s3], $0xF7A  }
0x26: {  	[smem:$0x3F9E] =	sst s1;
	(tag) =	ssettag s2;
	_ =	strace s9  }
0x27: {  	s1 =	sld [smem:$0x3FAE]  }
0x28: {  	s2 =	sld [smem:$0x3FAF]  }
0x29: {  	s4 =	sld [smem:$0x3FB1]  }
0x2a: {  	p0 =	seq.s32 s5, $0x0;
	s5 =	sld [smem:$0x3FB2]  }
0x2b: {  	s6 =	sld [smem:$0x3FB3]  }
0x2c: {  	s7 =	sld [smem:$0x3FB4]  }
0x2d: {  	s3 =	simm.s32 $0x108;
	s8 =	sld [smem:$0x3FB5]  }
0x2e: {  	s3 =	simm.s32 @!p0 $0x1082;
	s9 =	sld [smem:$0x3FB6]  }
0x2f: {  	lr =	sadd.s32 s0, s3;
	s0 =	sld [smem:$0x3FAD]  }
0x30: {  	s3 =	sld [smem:$0x3FB0]  }
0x31: {  	[smem:$0x3FB9] =	sst s10  }
0x32: {  	s10 =	sld [smem:$0x3FB7];
	_ =	sdelay $0x3  }
0x33: {  	p0 =	seq.s32 s10, $0x1;
	s10 =	sld [smem:$0x3FB9];
	_ =	sdelay $0x3  }
0x34: {  	[smem:$0x3FB9] =	sst s10  }
0x35: {  	s10 =	sld [smem:$0x3FB8];
	_ =	sdelay $0x3  }
0x36: {  	p1 =	seq.s32 s10, $0x1;
	s10 =	sld [smem:$0x3FB9];
	_ =	sdelay $0x3  }
0x37: {  	[smem:$0x3FB9] =	sst s10  }
0x38: {  	s10 =	sld [smem:$0x3FBA]  }
0x39: {  	_ = 	snop;
	(pc) =	sbr.ind lr, $3  }
0x3a: {  	_ = 	snop  }
0x3b: {  	_ = 	snop  }
0x3c: {  	p2 =	seq.s32 s10, $0x1;
	s10 =	sld [smem:$0x3FB9]  }
0x3d: {  	_ =	shalt  }
0x3e: {  	_ =	shalt  }
0x3f: {  	_ =	shalt  }
0x40: {  	_ =	shalt  }
0x41: {  	_ =	shalt  }
0x42: {  	_ =	shalt  }
0x43: {  	_ =	shalt  }
0x44: {  	_ =	shalt  }
0x45: {  	_ =	shalt  }
0x46: {  	_ =	shalt  }
0x47: {  	_ =	shalt  }
0x48: {  	_ =	shalt  }
0x49: {  	_ =	shalt  }
0x4a: {  	_ =	shalt  }
0x4b: {  	_ =	shalt  }
0x4c: {  	_ =	shalt  }
0x4d: {  	_ =	shalt  }
0x4e: {  	_ =	shalt  }
0x4f: {  	_ =	shalt  }
0x50: {  	_ =	shalt  }
0x51: {  	_ =	shalt  }
0x52: {  	_ =	shalt  }
0x53: {  	_ =	shalt  }
0x54: {  	_ =	shalt  }
0x55: {  	_ =	shalt  }
0x56: {  	_ =	shalt  }
0x57: {  	_ =	shalt  }
0x58: {  	_ =	shalt  }
0x59: {  	_ =	shalt  }
0x5a: {  	_ =	shalt  }
0x5b: {  	_ =	shalt  }
0x5c: {  	_ =	shalt  }
0x5d: {  	_ =	shalt  }
0x5e: {  	_ =	shalt  }
0x5f: {  	_ =	shalt  }
0x60: {  	_ =	shalt  }
0x61: {  	_ =	shalt  }
0x62: {  	_ =	shalt  }
0x63: {  	_ =	shalt  }
0x64: {  	_ =	shalt  }
0x65: {  	_ =	shalt  }
0x66: {  	_ =	shalt  }
0x67: {  	_ =	shalt  }
0x68: {  	_ =	shalt  }
0x69: {  	_ =	shalt  }
0x6a: {  	_ =	shalt  }
0x6b: {  	_ =	shalt  }
0x6c: {  	_ =	shalt  }
0x6d: {  	_ =	shalt  }
0x6e: {  	_ =	shalt  }
0x6f: {  	_ =	shalt  }
0x70: {  	_ =	shalt  }
0x71: {  	_ =	shalt  }
0x72: {  	_ =	shalt  }
0x73: {  	_ =	shalt  }
0x74: {  	_ =	shalt  }
0x75: {  	_ =	shalt  }
0x76: {  	_ =	shalt  }
0x77: {  	_ =	shalt  }
0x78: {  	_ =	shalt  }
0x79: {  	_ =	shalt  }
0x7a: {  	_ =	shalt  }
0x7b: {  	_ =	shalt  }
0x7c: {  	_ =	shalt  }
0x7d: {  	_ =	shalt  }
0x7e: {  	_ =	shalt  }
0x7f: {  	_ =	shalt  }
0x80: {  	_ =	shalt  }
0x81: {  	_ =	shalt  }
0x82: {  	_ =	shalt  }
0x83: {  	_ =	shalt  }
0x84: {  	_ =	shalt  }
0x85: {  	_ =	shalt  }
0x86: {  	_ =	shalt  }
0x87: {  	_ =	shalt  }
.Lfunc_end0:
.L_simem_size_0:
called_computation_lowered:
.L_overlay_start_0:
0x88: {  	s2 =	sld [smem:$0x3FD9]  }
0x89: {  	s3 =	sld [smem:$0x3FFE];
	_ =	sdelay $0x1  }
0x8a: {  	s1 =	srdreg.scid  }
0x8b: {  	s0 =	sand.u32 $0x1, s1  }
0x8c: {  	s14 =	sshll.u32 s0, $0xA;
	s2 =	sadd.s32 s3, s2  }
0x8d: {  	s2 =	sadd.s32 s2, s14  }
0x8e: {  	[smem:$0x3FC5] =	sst s2  }
0x8f: {  	_ = 	snop  }
0x90: {  	s2 =	sld [smem:$0x3FD0];
	_ =	sdelay $0x1  }
0x91: {  	s15 =	sld [smem:$0x3FC8]  }
0x92: {  	s5 =	simm.s32 $0xA;
	s6 =	simm.s32 $0x10;
	s4 =	sld [smem:$0x3FC7]  }
0x93: {  	[smem:s6], [sflag:s5] =	dma.local [hbm:s2], $0x1  }
0x94: {  	_ =	swait.eq [sflag:s5], $0x1  }
0x95: {  	[sflag:s5] =	ssyncset.done $0x0  }
0x96: {  	s16 =	sld [smem:$0x10];
	[sflag:s5] =	ssyncadd.s32 $0xFFFFFFFF  }
0x97: {  	s17 =	sld [smem:$0x11];
	(tm) =	ssettm $0x1  }
0x98: {  	s18 =	sld [smem:$0x3FFB];
	_ =	sdelay $0x3  }
0x99: {  	_ =	strace s18  }
0x9a: {  	s6 =	sld [smem:$0x3FFC];
	_ =	sdelay $0x3  }
0x9b: {  	_ =	strace s6  }
0x9c: {  	s6 =	sld [smem:$0x3FFD];
	_ =	sdelay $0x3  }
0x9d: {  	_ =	strace s6  }
0x9e: {  	_ =	strace $0x8FFFFFFF  }
0x9f: {  	s19 =	sld [smem:$0x3FDB];
	_ =	sdelay $0x1  }
0xa0: {  	s7 =	simm.s32 $_scs_section_size  }
0xa1: {  	s8 =	simm.s32 $_size__tile_overlayer_lowered;
	s9 =	simm.s32 $_tile_overlayer_lowered  }
0xa2: {  	s22 =	simm.s32 $0x1BFF;
	s21 =	sshll.u32 s9, $0x1;
	s6 =	sadd.s32 s7, s19  }
0xa3: {  	s10 =	simm.s32 $0x0;
	s20 =	sshll.u32 s8, $0x1;
	s8 =	sadd.s32 s21, s6  }
0xa4: {  	[timem:s10], [sflag:s22] =	dma.local [hbm:s8], s20  }
0xa5: {  	_ =	swait.ge [sflag:s22], s20  }
0xa6: {  	s7 =	ssub.s32 $0x0, s20;
	[sflag:s22] =	ssyncset.done $0x0  }
0xa7: {  	[sflag:s22] =	ssyncadd.s32 s7;
	_ =	sdelay $0x1  }
0xa8: {  	s23 =	simm.s32 $0x1B8B  }
0xa9: {  	_ =	swait.ge [sflag:s23], $0x1  }
0xaa: {  	[sflag:s23] =	ssyncset.done $0x0  }
0xab: {  	s25 =	simm.s32 $0x1B8E;
	s24 =	sld [smem:$0x3FFE];
	[sflag:s23] =	ssyncadd.s32 $0xFFFFFFFF  }
0xac: {  	s26 =	simm.s32 $execute0_lowered;
	[smem:$0x3FD2] =	sst s25  }
0xad: {  	s8 =	sshll.u32 s26, $0x1;
	_ =	strace $0x80000046;
	[dreg:$0x1] =	wrdreg $0xFFFFFFFF  }
0xae: {  	s28 =	simm.s32 $_size_execute0_lowered;
	s6 =	sadd.s32 s6, s8;
	[dreg:$0x0] =	wrdreg $0x0  }
0xaf: {  	s8 =	sshll.u32 s28, $0x1;
	[dreg:$0x2] =	wrdreg s6  }
0xb0: {  	[dreg:$0x3] =	wrdreg s8  }
0xb1: {  	[dreg:$0x4] =	wrdreg $0xC0  }
0xb2: {  	_ =	task [dreg:s10], $0x5FFFF  }
0xb3: {  	[dreg:$0x1] =	wrdreg $0xFFFFFFFF  }
0xb4: {  	[dreg:$0x0] =	wrdreg $0x60  }
0xb5: {  	[dreg:$0x2] =	wrdreg s16  }
0xb6: {  	[dreg:$0x3] =	wrdreg s15  }
0xb7: {  	[dreg:$0x4] =	wrdreg s4  }
0xb8: {  	[dreg:$0x5] =	wrdreg s24  }
0xb9: {  	[dreg:$0x6] =	wrdreg s17  }
0xba: {  	[dreg:$0x7] =	wrdreg $0x116000  }
0xbb: {  	[dreg:$0x8] =	wrdreg $0x1B6000  }
0xbc: {  	[dreg:$0x9] =	wrdreg $0x1B7400  }
0xbd: {  	[dreg:$0xa] =	wrdreg $0x9  }
0xbe: {  	_ =	task.clear_ibuf [dreg:s10], $0xBFFFF;
	_ =	strace $0x90000046  }
0xbf: {  	s29 =	simm.s32 $0x9;
	_ =	strace $0x80000048  }
0xc0: {  	_ =	swait.ge [sflag:s29], $0x1  }
0xc1: {  	[sflag:s29] =	ssyncadd.s32 $0xFFFFFFFF  }
0xc2: {  	_ =	strace $0x90000048  }
0xc3: {  	_ =	sfence  }
0xc4: {  	s30 =	sld [smem:$0x0];
	_ =	sdelay $0x2  }
0xc5: {  	s31 =	sshll.u32 s1, $0xD;
	s1 =	sshrl.u32 s1, $0x2  }
0xc6: {  	s3 =	sand.u32 $0x4000, s31;
	s1 =	sadd.s32 s1, s30  }
0xc7: {  	s0 =	sor.u32 s3, s0;
	s1 =	sshll.u32 s1, $0x11  }
0xc8: {  	s0 =	sor.u32 s1, s0  }
0xc9: {  	s0 =	sadd.s32 $0x8F2B, s0  }
0xca: {  	[sflag:s0] =	ssyncadd.remote.s32 $0x1  }
0xcb: {  	_ =	sfence.sel $0xFFFF  }
0xcc: {  	[dreg:$0x0] =	wrdreg $0xFFFFFFFF;
	(pc) =	sbr.abs _section_cstart, $3  }
0xcd: {  	[dreg:$0x1] =	wrdreg $0xFFFFFFFF  }
0xce: {  	_ =	task.clear_ibuf [dreg:s10], $0x2FFFF;
	_ =	strace $0x9FFFFFFF  }
0xcf: {  	(tm) =	ssettm $0x7FFFFFFF  }
tec
execute0_lowered:
.L_overlay_start_1:
0x0: {  	(tag) =	ssettag $0x1  }
0x1: {  	s0 =	rddreg [dreg:$0x0]  }
0x2: {  	s1 =	rddreg [dreg:$0x1]  }
0x3: {  	s2 =	rddreg [dreg:$0x2]  }
0x4: {  	s3 =	rddreg [dreg:$0x3]  }
0x5: {  	s6 =	rddreg [dreg:$0x4]  }
0x6: {  	s4 =	srdreg.scid;
	s10 =	rddreg [dreg:$0x6]  }
0x7: {  	s20 =	stileid.u32;
	s23 =	rddreg [dreg:$0x7]  }
0x8: {  	s24 =	simm.s32 $0x0;
	s29 =	simm.s32 $0xC380;
	s22 =	smul.u32 $0x140, s20  }
0x9: {  	s31 =	simm.s32 $0x1;
	s9 =	sand.u32 $0x1, s4;
	s19 =	smul.u32 $0xA000, s20  }
0xa: {  	s30 =	simm.s32 $0xC100;
	s8 =	sxor.u32 $0x1F, s20;
	s7 =	smul.u32 $0x1400, s9  }
0xb: {  	s4 =	rddreg [dreg:$0x5];
	s12 =	sadd.s32 $0x1000, s3;
	s8 =	smul.u32 $0x2710, s8  }
0xc: {  	[smem:$0x7FF] =	sst s24;
	s13 =	ssub.s32 $0x2, s9;
	s16 =	smul.u32 $0xA0000, s9  }
0xd: {  	s14 =	sshrl.u32 s13, $0x1;
	s15 =	sshll.u32 s22, $0x7;
	s7 =	sadd.s32 s22, s7  }
0xe: {  	s13 =	ssub.s32 s13, s14;
	s11 =	sshrl.u32 s7, $0x3;
	s7 =	smul.u32 $0x2710, s20  }
0xf: {  	s14 =	sadd.s32 $0x2800, s15;
	s18 =	sshrl.u32 s8, $0x3;
	s25 =	sadd.s32 s6, s11  }
0x10: {  	s3 =	sadd.s32 s11, s3;
	s17 =	sshrl.u32 s7, $0x3;
	[dreg:$0xf] =	wrdreg s25  }
0x11: {  	s25 =	sadd.s32 $0x29000, s3;
	s5 =	sadd.s32 s0, s17;
	s28 =	sadd.s32 s2, s17  }
0x12: {  	s0 =	sadd.s32 s0, s18;
	s17 =	sadd.s32 s19, s16;
	[dreg:$0x9] =	wrdreg s5  }
0x13: {  	s19 =	sadd.s32 $0x5000, s15;
	s15 =	sadd.s32 $0x7800, s15;
	[dreg:$0xa] =	wrdreg s28  }
0x14: {  	[dreg:$0xb] =	wrdreg s0;
	s5 =	sadd.s32 s2, s18;
	s18 =	sadd.s32 s16, s14  }
0x15: {  	s0 =	sshrl.u32 s17, $0x3;
	s26 =	sadd.s32 s16, s19;
	s28 =	sadd.s32 s16, s15  }
0x16: {  	s14 =	sadd.s32 s14, s4;
	s17 =	sadd.s32 s19, s4;
	s19 =	sadd.s32 s22, s23  }
0x17: {  	[dreg:$0xc] =	wrdreg s5;
	s2 =	sshrl.u32 s18, $0x3;
	s0 =	sadd.s32 s12, s0  }
0x18: {  	[dreg:$0xd] =	wrdreg s0;
	s21 =	sadd.s32 s12, s2;
	s0 =	sshrl.u32 s26, $0x3  }
0x19: {  	s2 =	sshrl.u32 s28, $0x3;
	[dreg:$0xe] =	wrdreg s21;
	s0 =	sadd.s32 s12, s0  }
0x1a: {  	s5 =	smul.u32 $0x28000, s20;
	s11 =	sadd.s32 s12, s2;
	[dreg:$0x10] =	wrdreg s0  }
0x1b: {  	s18 =	sadd.s32 s22, s10;
	s26 =	smax.u32 s13, $0x1;
	[dreg:$0x11] =	wrdreg s11  }
0x1c: {  	s21 =	sshrl.u32 s5, $0x2;
	_ =	strace $0x80000047;
	[dreg:$0x18] =	wrdreg s25  }
0x1d: {  	s10 =	smov.u32 s23;
	s16 =	sadd.s32 s21, s4;
	[dreg:$0x19] =	wrdreg s26  }
0x1e: {  	s20 =	simm.s32 $0x11300;
	s22 =	simm.s32 $0x8000;
	[dreg:$0x12] =	wrdreg s16  }
.Ltmp0:
0x1f: {  	s13 =	simm.s32 $0xC080;
	[dreg:$0x13] =	wrdreg s14;
	(pc) =	sbr.rel .LBB2_1-.Ltmp0, $4  }
0x20: {  	v2 =	vimm.f32 $0.0e+00;
	s12 =	smul.u32 $0x1388, s9;
	s4 =	sadd.s32 s15, s4;
	[dreg:$0x14] =	wrdreg s17  }
0x21: {  	v3 =	vlaneseq.u32;
	v4 =	vimm.f32 $1.000000000e+00;
	vm0 =	vmxor vm0, vm0;
	s5 =	simm.s32 $0x4000;
	s9 =	simm.s32 $0x80;
	[dreg:$0x15] =	wrdreg s4  }
0x22: {  	v5 =	vor.u32 $0x80000000, v3;
	v6 =	vadd.s32 $0x80000001, v3;
	v7 =	vor.u32 $0x80, v3;
	s2 =	simm.s32 $0x0;
	s28 =	sadd.s32 $0x1388, s12;
	[dreg:$0x16] =	wrdreg s18  }
0x23: {  	v8 =	vadd.s32 $0x1, v3;
	s11 =	simm.s32 $0xC300;
	s15 =	simm.s32 $0x2;
	v1 =	vmov s12;
	[dreg:$0x17] =	wrdreg s19;
	v0 =	vmov s28  }
.LBB2_25:
0x24: {  	_ =	swait.ge [sflag:s31], $0x4000  }
0x25: {  	[sflag:s31] =	ssyncset.done $0x0  }
0x26: {  	[sflag:s31] =	ssyncadd.s32 $0xFFFFC000  }
0x27: {  	_ =	swait.ge [sflag:s31], $0x4000  }
0x28: {  	[sflag:s31] =	ssyncset.done $0x0  }
0x29: {  	[sflag:s31] =	ssyncadd.s32 $0xFFFFC000  }
0x2a: {  	_ =	swait.ge [sflag:s31], $0x4000  }
0x2b: {  	[sflag:s31] =	ssyncset.done $0x0  }
0x2c: {  	[sflag:s31] =	ssyncadd.s32 $0xFFFFC000  }
0x2d: {  	[bflag:$0x0] =	sbarrier.arrive $0xFFFF  }
0x2e: {  	s16 =	rddreg [dreg:$0x12]  }
0x2f: {  	[tilespmem:s24], [sflag:$0x3] =	stream.linear.gather [spmem:s16], $0x2800, $0x38;
	[tilespmem:$0x1B880] =	vst v63  }
0x30: {  	s3 =	simm.s32 $0x4000;
	s14 =	rddreg [dreg:$0x13]  }
0x31: {  	[tilespmem:s3], [sflag:$0x3] =	stream.linear.gather [spmem:s14], $0x2800, $0x38;
	[tilespmem:$0x1B880] =	vst v63  }
0x32: {  	s4 =	simm.s32 $0x8000;
	s17 =	rddreg [dreg:$0x14]  }
0x33: {  	[tilespmem:s4], [sflag:$0x3] =	stream.linear.gather [spmem:s17], $0x2800, $0x38;
	[tilespmem:$0x1B880] =	vst v63  }
0x34: {  	s20 =	simm.s32 $0x11300;
	s18 =	rddreg [dreg:$0x16]  }
0x35: {  	[tilespmem:s20], [sflag:$0x3] =	stream.linear.gather [spmem:s18], $0x140, $0x38;
	[tilespmem:$0x1B880] =	vst v63  }
0x36: {  	s6 =	simm.s32 $0x11480;
	s2 =	simm.s32 $0x3;
	s19 =	rddreg [dreg:$0x17]  }
0x37: {  	[tilespmem:s6], [sflag:$0x3] =	stream.linear.gather [spmem:s19], $0x140, $0x38;
	[tilespmem:$0x1B880] =	vst v63  }
0x38: {  	_ =	swait.ge [sflag:s2], $0x2800  }
0x39: {  	[sflag:s2] =	ssyncset.done $0x0  }
0x3a: {  	s0 =	rddreg [dreg:$0xd];
	[sflag:s2] =	ssyncadd.s32 $0xFFFFD800  }
0x3b: {  	[hbm4b:s0+s24] =	stream.linear.scatter [tilespmem:s24], [sflag:$0x2], $0x2800, $0x38;
	[tilespmem:$0x1B880] =	vst v63  }
0x3c: {  	_ =	swait.ge [sflag:s2], $0x2800  }
0x3d: {  	[sflag:s2] =	ssyncset.done $0x0  }
0x3e: {  	s28 =	rddreg [dreg:$0xe];
	[sflag:s2] =	ssyncadd.s32 $0xFFFFD800  }
0x3f: {  	[hbm4b:s28+s24] =	stream.linear.scatter [tilespmem:s3], [sflag:$0x2], $0x2800, $0x38;
	[tilespmem:$0x1B880] =	vst v63  }
0x40: {  	_ =	swait.ge [sflag:s2], $0x2800  }
0x41: {  	[sflag:s2] =	ssyncset.done $0x0  }
0x42: {  	s12 =	rddreg [dreg:$0x10];
	[sflag:s2] =	ssyncadd.s32 $0xFFFFD800  }
0x43: {  	[hbm4b:s12+s24] =	stream.linear.scatter [tilespmem:s4], [sflag:$0x2], $0x2800, $0x38;
	[tilespmem:$0x1B880] =	vst v63  }
0x44: {  	_ =	swait.ge [sflag:s2], $0x140  }
0x45: {  	[sflag:s2] =	ssyncset.done $0x0  }
0x46: {  	s21 =	rddreg [dreg:$0xf];
	[sflag:s2] =	ssyncadd.s32 $0xFFFFFEC0  }
0x47: {  	[hbm4b:s21+s24] =	stream.linear.scatter [tilespmem:s20], [sflag:$0x2], $0x140, $0x38;
	[tilespmem:$0x1B880] =	vst v63  }
0x48: {  	_ =	swait.ge [sflag:s2], $0x140  }
0x49: {  	[sflag:s2] =	ssyncset.done $0x0  }
0x4a: {  	s23 =	rddreg [dreg:$0x18];
	[sflag:s2] =	ssyncadd.s32 $0xFFFFFEC0  }
0x4b: {  	[hbm4b:s23+s24] =	stream.linear.scatter [tilespmem:s6], [sflag:$0x2], $0x140, $0x38;
	[tilespmem:$0x1B880] =	vst v63  }
0x4c: {  	_ =	swait.ge [sflag:s15], $0x2800  }
0x4d: {  	[sflag:s15] =	ssyncset.done $0x0  }
0x4e: {  	s4 =	rddreg [dreg:$0x15];
	[sflag:s15] =	ssyncadd.s32 $0xFFFFD800  }
0x4f: {  	[tilespmem:s24], [sflag:$0x3] =	stream.linear.gather [spmem:s4], $0x2800, $0x38;
	[tilespmem:$0x1B880] =	vst v63  }
0x50: {  	_ =	swait.ge [sflag:s2], $0x2800  }
0x51: {  	[sflag:s2] =	ssyncset.done $0x0  }
0x52: {  	s25 =	rddreg [dreg:$0x11];
	[sflag:s2] =	ssyncadd.s32 $0xFFFFD800  }
0x53: {  	[hbm4b:s25+s24] =	stream.linear.scatter [tilespmem:s24], [sflag:$0x2], $0x2800, $0x38;
	[tilespmem:$0x1B880] =	vst v63  }
0x54: {  	_ =	swait.ge [sflag:s15], $0x2800  }
0x55: {  	[sflag:s15] =	ssyncset.done $0x0  }
0x56: {  	[sflag:s15] =	ssyncadd.s32 $0xFFFFD800  }
0x57: {  	_ =	swait.ge [sflag:s15], $0x2800  }
0x58: {  	[sflag:s15] =	ssyncset.done $0x0  }
0x59: {  	[sflag:s15] =	ssyncadd.s32 $0xFFFFD800  }
0x5a: {  	_ =	swait.ge [sflag:s15], $0x2800  }
0x5b: {  	[sflag:s15] =	ssyncset.done $0x0  }
0x5c: {  	[sflag:s15] =	ssyncadd.s32 $0xFFFFD800  }
0x5d: {  	_ =	swait.ge [sflag:s15], $0x140  }
0x5e: {  	[sflag:s15] =	ssyncset.done $0x0  }
0x5f: {  	[sflag:s15] =	ssyncadd.s32 $0xFFFFFEC0  }
0x60: {  	_ =	swait.ge [sflag:s15], $0x140  }
0x61: {  	s26 =	rddreg [dreg:$0x1a]  }
0x62: {  	s28 =	rddreg [dreg:$0x19];
	s2 =	sadd.s32 $0x1, s26  }
0x63: {  	p0 =	sne.s32 s2, s28  }
.Ltmp1:
0x64: {  	_ = 	snop;
	(pc) =	sbr.rel @!p0 .LBB2_26-.Ltmp1, $3  }
0x65: {  	_ =	sdelay $0x1  }
0x66: {  	[sflag:s15] =	ssyncset.done $0x0  }
0x67: {  	s5 =	simm.s32 $0x4000;
	s22 =	simm.s32 $0x8000;
	[sflag:s15] =	ssyncadd.s32 $0xFFFFFEC0  }
.LBB2_1:
0x68: {  	s0 =	sand.u32 $0xFE00, s24  }
0x69: {  	[dreg:$0x1a] =	wrdreg s2;
	s28 =	sand.u32 $0x70, s24;
	s3 =	sshrl.u32 s0, $0x2  }
0x6a: {  	s2 =	simm.s32 $0x0;
	s0 =	simm.s32 $0x40;
	s3 =	sor.u32 s28, s3  }
.LBB2_2:
0x6b: {  	p0 =	sne.s32 s0, $0x9FC0  }
0x6c: {  	[tilespmem:s3+$0x0] =	vst v2;
	s2 =	sadd.s32 $0x10, s2;
	s3 =	smov.u32 s0;
	s0 =	sadd.s32 $0x40, s0  }
.Ltmp2:
0x6d: {  	(pc) =	sbr.rel @p0 .LBB2_2-.Ltmp2, $4  }
0x6e: {  	_ = 	snop  }
0x6f: {  	s3 =	sand.u32 $0xFE00, s3  }
0x70: {  	s6 =	sand.u32 $0x70, s2;
	s3 =	sshrl.u32 s3, $0x2  }
0x71: {  	s3 =	sor.u32 s6, s3  }
0x72: {  	[tilespmem:s3+$0x0] =	vst v2  }
0x73: {  	[tilespmem:$0x11300] =	vst v2  }
0x74: {  	[tilespmem:$0x11310] =	vst v2  }
0x75: {  	[tilespmem:$0x11320] =	vst v2  }
0x76: {  	[tilespmem:$0x11330] =	vst v2  }
0x77: {  	[tilespmem:$0x11340] =	vst v2  }
0x78: {  	[tilespmem:$0x11350] =	vst v2  }
0x79: {  	[tilespmem:$0x11360] =	vst v2  }
0x7a: {  	[tilespmem:$0x11370] =	vst v2  }
0x7b: {  	[tilespmem:$0x11380] =	vst v2  }
0x7c: {  	[tilespmem:$0x11390] =	vst v2  }
0x7d: {  	[tilespmem:$0x113A0] =	vst v2  }
0x7e: {  	[tilespmem:$0x113B0] =	vst v2  }
0x7f: {  	[tilespmem:$0x113C0] =	vst v2  }
0x80: {  	[tilespmem:$0x113D0] =	vst v2  }
0x81: {  	[tilespmem:$0x113E0] =	vst v2  }
0x82: {  	[tilespmem:$0x113F0] =	vst v2  }
0x83: {  	[tilespmem:$0x11400] =	vst v2  }
0x84: {  	[tilespmem:$0x11410] =	vst v2  }
0x85: {  	[tilespmem:$0x11420] =	vst v2  }
0x86: {  	[tilespmem:$0x11430] =	vst v2  }
0x87: {  	[tilespmem:$0xC300] =	vst v4  }
0x88: {  	[tilespmem:$0xC310] =	vst v4  }
0x89: {  	[tilespmem:$0xC320] =	vst v4  }
0x8a: {  	[tilespmem:$0xC330] =	vst v4  }
0x8b: {  	[tilespmem:$0xC340] =	vst v4  }
0x8c: {  	[tilespmem:$0xC350] =	vst v4  }
0x8d: {  	[tilespmem:$0xC360] =	vst v4  }
0x8e: {  	s12 =	simm.s32 $0x0;
	[tilespmem:$0xC370] =	vst v4  }
0x8f: {  	[spmem:s16] =	stream.linear.scatter [tilespmem:s12], [sflag:$0x3], $0x2800, $0x38;
	[tilespmem:$0x1B880] =	vst v63  }
0x90: {  	_ = 	snop  }
0x91: {  	[spmem:s14] =	stream.linear.scatter [tilespmem:s12], [sflag:$0x3], $0x2800, $0x38;
	[tilespmem:$0x1B880] =	vst v63  }
0x92: {  	_ = 	snop  }
0x93: {  	[spmem:s17] =	stream.linear.scatter [tilespmem:s12], [sflag:$0x3], $0x2800, $0x38;
	[tilespmem:$0x1B880] =	vst v63  }
0x94: {  	_ = 	snop  }
0x95: {  	[spmem:s4] =	stream.linear.scatter [tilespmem:s12], [sflag:$0x3], $0x2800, $0x38;
	[tilespmem:$0x1B880] =	vst v63  }
0x96: {  	_ = 	snop  }
0x97: {  	[spmem:s18] =	stream.linear.scatter [tilespmem:s20], [sflag:$0x3], $0x140, $0x38;
	[tilespmem:$0x1B880] =	vst v63  }
0x98: {  	s2 =	simm.s32 $0x3  }
0x99: {  	[spmem:s19] =	stream.linear.scatter [tilespmem:s20], [sflag:$0x3], $0x140, $0x38;
	[tilespmem:$0x1B880] =	vst v63  }
0x9a: {  	_ =	swait.ge [sflag:s2], $0x2800  }
0x9b: {  	[sflag:s2] =	ssyncset.done $0x0  }
0x9c: {  	[sflag:s2] =	ssyncadd.s32 $0xFFFFD800  }
0x9d: {  	_ =	swait.ge [sflag:s2], $0x2800  }
0x9e: {  	[sflag:s2] =	ssyncset.done $0x0  }
0x9f: {  	[sflag:s2] =	ssyncadd.s32 $0xFFFFD800  }
0xa0: {  	_ =	swait.ge [sflag:s2], $0x2800  }
0xa1: {  	[sflag:s2] =	ssyncset.done $0x0  }
0xa2: {  	[sflag:s2] =	ssyncadd.s32 $0xFFFFD800  }
0xa3: {  	_ =	swait.ge [sflag:s2], $0x2800  }
0xa4: {  	[sflag:s2] =	ssyncset.done $0x0  }
0xa5: {  	[sflag:s2] =	ssyncadd.s32 $0xFFFFD800  }
0xa6: {  	_ =	swait.ge [sflag:s2], $0x140  }
0xa7: {  	[sflag:s2] =	ssyncset.done $0x0  }
0xa8: {  	[sflag:s2] =	ssyncadd.s32 $0xFFFFFEC0  }
0xa9: {  	_ =	swait.ge [sflag:s2], $0x140  }
0xaa: {  	[sflag:s2] =	ssyncset.done $0x0  }
0xab: {  	[sflag:s2] =	ssyncadd.s32 $0xFFFFFEC0  }
0xac: {  	[bflag:$0x0] =	sbarrier.arrive $0xFFFF  }
0xad: {  	s0 =	rddreg [dreg:$0x9]  }
0xae: {  	[tilespmem:s29], [sflag:$0x3] =	stream.linear.gather [hbm4b:s0+s12], $0x2790, $0x38;
	[tilespmem:$0x1B880] =	vst v63  }
0xaf: {  	s28 =	simm.s32 $0xEB80;
	s26 =	rddreg [dreg:$0xa]  }
0xb0: {  	v9 =	vor.u32 s12, v3;
	[tilespmem:s28], [sflag:$0x3] =	stream.linear.gather [hbm4b:s26+s12], $0x2710, $0x38;
	[tilespmem:$0x1B880] =	vst v63  }
0xb1: {  	v10 =	vshll.u32 v9, $0x7;
	_ =	swait.ge [sflag:s2], $0x2790  }
0xb2: {  	v10 =	vmin.u32 v10, $0x2690;
	[sflag:s2] =	ssyncset.done $0x0  }
0xb3: {  	v11 =	vadd.s32 $0x7F, v10;
	[sflag:s2] =	ssyncadd.s32 $0xFFFFD870  }
0xb4: {  	_ =	swait.ge [sflag:s2], $0x2710  }
0xb5: {  	[sflag:s2] =	ssyncset.done $0x0  }
0xb6: {  	[sflag:s2] =	ssyncadd.s32 $0xFFFFD8F0  }
0xb7: {  	v10 =	vld.idx.msk [tilespmem:v10+s29+$0x0], $0xffff  }
0xb8: {  	v11 =	vld.idx.msk [tilespmem:v11+s29+$0x0], $0xffff;
	_ =	sdelay $0x3  }
0xb9: {  	s14 =	simm.s32 $0x10  }
0xba: {  	v12 =	vor.u32 s14, v3;
	vm1 =	vlt.s32 v10, v0;
	vm2 =	vge.s32 v11, v1  }
0xbb: {  	v10 =	vshll.u32 v12, $0x7;
	vm1 =	vmand vm1, vm2;
	vm2 =	vlt.u32 v9, $0x4F  }
0xbc: {  	v9 =	vmin.u32 v10, $0x2690;
	v10 =	vor.u32 s12, v5;
	vm1 =	vmand vm2, vm1  }
0xbd: {  	v13 =	vadd.s32 s12, v6;
	v10 =	vnsel vm1, $0x8000004F, v10  }
0xbe: {  	v11 =	vadd.s32 $0x7F, v9;
	v13 =	vnsel vm1, $0x80000000, v13;
	(xrf0) =	vmin.scan.msk.u32 $0xffff, v10  }
0xbf: {  	(xrf0) =	vmax.scan.msk.u32 $0xffff, v13;
	_ =	sdelay $0x2  }
0xc0: {  	v9 =	vld.idx.msk [tilespmem:v9+s29+$0x0], $0xffff  }
0xc1: {  	v10 =	vld.idx.msk [tilespmem:v11+s29+$0x0], $0xffff  }
0xc2: {  	v11, _, _ =	vpop (xrf0)  }
0xc3: {  	(v2sf) =	vpush v11, $0xF;
	v11, _, _ =	vpop (xrf0)  }
0xc4: {  	(v2sf) =	vpush v11, $0xF;
	_ =	sdelay $0x1  }
0xc5: {  	s16 =	simm.s32 $0x20;
	vm1 =	vlt.s32 v9, v0;
	vm2 =	vge.s32 v10, v1  }
0xc6: {  	v9 =	vor.u32 s16, v3;
	vm1 =	vmand vm1, vm2;
	vm2 =	vlt.u32 v12, $0x4F  }
0xc7: {  	s0 =	simm.s32 $0x4F;
	s2 =	simm.s32 $0x30;
	v10 =	vshll.u32 v9, $0x7;
	v11 =	vor.u32 s14, v5;
	vm1 =	vmand vm2, vm1  }
.LBB2_4:
0xc8: {  	s3 =	smov.u32 s12;
	s6 =	smov.u32 s0  }
0xc9: {  	p0 =	sne.s32 s2, $0x40;
	v10 =	vmin.u32 v10, $0x2690;
	v11 =	vnsel vm1, $0x8000004F, v11;
	v12 =	vadd.s32 s14, v6;
	s14 =	smov.u32 s16;
	s16 =	smov.u32 s2  }
0xca: {  	v13 =	vadd.s32 $0x7F, v10;
	v12 =	vnsel vm1, $0x80000000, v12;
	(xrf0) =	vmin.scan.msk.u32 $0xffff, v11  }
0xcb: {  	(xrf0) =	vmax.scan.msk.u32 $0xffff, v12;
	_ =	sdelay $0x2  }
0xcc: {  	v10 =	vld.idx.msk [tilespmem:v10+s29+$0x0], $0xffff  }
0xcd: {  	v11 =	vld.idx.msk [tilespmem:v13+s29+$0x0], $0xffff  }
0xce: {  	v12, _, _ =	vpop (xrf0)  }
0xcf: {  	(v2sf) =	vpush v12, $0xF;
	v12, _, _ =	vpop (xrf0);
	s0 =	spop (v2sf)  }
0xd0: {  	(v2sf) =	vpush v12, $0xF;
	s12 =	spop (v2sf)  }
.Ltmp3:
0xd1: {  	s0 =	sxor.u32 $0x80000000, s0;
	s12 =	sxor.u32 $0x80000000, s12;
	(pc) =	sbr.rel @p0 .LBB2_4-.Ltmp3, $4  }
0xd2: {  	p1 =	slt.s32 s6, s0;
	p2 =	sgt.s32 s3, s12  }
0xd3: {  	vm1 =	vlt.s32 v10, v0;
	vm2 =	vge.s32 v11, v1;
	s0 =	smov.u32 @p1 s6;
	s12 =	smov.u32 @p2 s3  }
0xd4: {  	vm1 =	vmand vm1, vm2;
	vm2 =	vlt.u32 v9, $0x4F;
	v9 =	vor.u32 s2, v3  }
0xd5: {  	v11 =	vor.u32 s14, v5;
	s2 =	sadd.s32 $0x10, s2;
	v10 =	vshll.u32 v9, $0x7;
	vm1 =	vmand vm2, vm1  }
0xd6: {  	v10 =	vmin.u32 v10, $0x2690  }
0xd7: {  	v12 =	vadd.s32 $0x7F, v10;
	_ =	sdelay $0x3  }
0xd8: {  	v10 =	vld.idx.msk [tilespmem:v10+s29+$0x0], $0xffff  }
0xd9: {  	v12 =	vld.idx.msk [tilespmem:v12+s29+$0x0], $0xffff;
	_ =	sdelay $0x4  }
0xda: {  	v11 =	vnsel vm1, $0x8000004F, v11;
	vm2 =	vlt.s32 v10, v0;
	vm3 =	vge.s32 v12, v1  }
0xdb: {  	v10 =	vadd.s32 s14, v6;
	vm2 =	vmand vm2, vm3;
	vm3 =	vlt.u32 v9, $0x4F  }
0xdc: {  	(xrf0) =	vmin.scan.msk.u32 $0xffff, v11;
	v9 =	vnsel vm1, $0x80000000, v10;
	v10 =	vor.u32 s16, v5;
	vm1 =	vmand vm3, vm2  }
0xdd: {  	(xrf0) =	vmax.scan.msk.u32 $0xffff, v9;
	v9 =	vnsel vm1, $0x8000004F, v10  }
0xde: {  	(xrf0) =	vmin.scan.msk.u32 $0xffff, v9;
	_ =	sdelay $0x3  }
0xdf: {  	v9, _, _ =	vpop (xrf0)  }
0xe0: {  	(v2sf) =	vpush v9, $0xF;
	v9, _, _ =	vpop (xrf0)  }
0xe1: {  	v10 =	vadd.s32 s16, v6;
	(v2sf) =	vpush v9, $0xF;
	v9, _, _ =	vpop (xrf0)  }
0xe2: {  	(v2sf) =	vpush v9, $0xF;
	v9 =	vnsel vm1, $0x80000000, v10  }
0xe3: {  	(xrf0) =	vmax.scan.msk.u32 $0xffff, v9;
	_ =	sdelay $0x5  }
0xe4: {  	v9, _, _ =	vpop (xrf0)  }
0xe5: {  	(v2sf) =	vpush v9, $0xF;
	_ =	sdelay $0x2  }
0xe6: {  	s2 =	spop (v2sf)  }
0xe7: {  	s3 =	spop (v2sf);
	s6 =	sxor.u32 $0x80000000, s2  }
0xe8: {  	p0 =	slt.s32 s0, s6;
	s14 =	spop (v2sf)  }
0xe9: {  	s6 =	smov.u32 @p0 s0;
	s2 =	sxor.u32 $0x80000000, s14;
	s16 =	spop (v2sf)  }
0xea: {  	p0 =	slt.s32 s6, s2;
	s0 =	spop (v2sf)  }
0xeb: {  	s2 =	smov.u32 @p0 s6;
	s25 =	sxor.u32 $0x80000000, s0  }
0xec: {  	p0 =	slt.s32 s2, s25  }
0xed: {  	s25 =	smov.u32 @p0 s2  }
0xee: {  	p0 =	slt.s32 s25, $0x4E;
	s6 =	smov.u32 s25  }
0xef: {  	s3 =	sxor.u32 $0x80000000, s3;
	s6 =	simm.s32 @!p0 $0x4E  }
0xf0: {  	p0 =	sgt.s32 s12, s3;
	s6 =	sshll.u32 s6, $0x7  }
0xf1: {  	s3 =	smov.u32 @p0 s12;
	s12 =	sxor.u32 $0x80000000, s16;
	p1 =	slt.s32 s6, $0x2690  }
0xf2: {  	p0 =	sgt.s32 s3, s12;
	s6 =	simm.s32 @!p1 $0x2690;
	s17 =	spop (v2sf)  }
0xf3: {  	s12 =	smov.u32 @p0 s3;
	s6 =	sadd.s32 s7, s6;
	s17 =	sxor.u32 $0x80000000, s17  }
0xf4: {  	s18 =	sshll.u32 s6, $0x4;
	p0 =	sgt.s32 s12, s17  }
0xf5: {  	s3 =	sadd.s32 s1, s18;
	s17 =	smov.u32 @p0 s12  }
0xf6: {  	[tilespmem:s24], [sflag:$0x1] =	stream.linear.gather [hbm4b:s3+s24], $0x4000, $0x38;
	[tilespmem:$0x1B880] =	vst v63  }
0xf7: {  	p0 =	slt.s32 s25, $0x4D;
	s3 =	smov.u32 s25;
	s6 =	ssub.s32 s17, s25  }
0xf8: {  	s3 =	simm.s32 @!p0 $0x4D;
	p0 =	sgt.s32 s6, $0x0  }
0xf9: {  	s3 =	sshll.u32 s3, $0x7;
	s6 =	simm.s32 @!p0 $0x0  }
0xfa: {  	s3 =	sadd.s32 $0x80, s3;
	s19 =	sadd.s32 $0x2, s6  }
0xfb: {  	p0 =	slt.s32 s3, $0x2690;
	s20 =	smulhi.u32 $0x55555556, s19;
	s21 =	sshra.s32 s19, $0x1F  }
0xfc: {  	s3 =	simm.s32 @!p0 $0x2690;
	s16 =	smul.u32 $0x55555556, s21  }
0xfd: {  	s3 =	sadd.s32 s7, s3  }
0xfe: {  	s3 =	sshll.u32 s3, $0x4;
	s14 =	sadd.s32 s16, s20  }
0xff: {  	s3 =	sadd.s32 s1, s3;
	s23 =	sshrl.u32 s14, $0x1F  }
0x100: {  	[tilespmem:s5], [sflag:$0x1] =	stream.linear.gather [hbm4b:s3+s24], $0x4000, $0x38;
	[tilespmem:$0x1B880] =	vst v63  }
0x101: {  	p0 =	slt.s32 s25, $0x4C;
	s16 =	smov.u32 s25;
	s3 =	sadd.s32 s23, s14  }
0x102: {  	s16 =	simm.s32 @!p0 $0x4C;
	s14 =	smul.u32 $0xFFFFFFFD, s3  }
0x103: {  	s6 =	ssub.s32 $0xFFFFFFFE, s6;
	s16 =	sshll.u32 s16, $0x7  }
0x104: {  	p5 =	slt.s32 s19, $0x0;
	s16 =	sadd.s32 $0x100, s16;
	p6 =	sne.s32 s14, s6  }
0x105: {  	p2 =	slt.s32 s16, $0x2690;
	p0 =	por !p5, !p6  }
0x106: {  	s16 =	simm.s32 @!p2 $0x2690;
	s6 =	simm.s32 $0x1;
	p0 =	por !p0, !p0  }
0x107: {  	s26 =	sadd.s32 s7, s16;
	s6 =	simm.s32 @!p0 $0x0  }
0x108: {  	s12 =	sshll.u32 s26, $0x4;
	s26 =	ssub.s32 s3, s6  }
0x109: {  	p0 =	slt.s32 s26, $0x1  }
.Ltmp4:
0x10a: {  	_ = 	snop;
	(pc) =	sbr.rel @p0 .LBB2_14-.Ltmp4, $3  }
0x10b: {  	_ =	sdelay $0x1  }
0x10c: {  	s28 =	sadd.s32 s1, s12  }
0x10d: {  	[tilespmem:s22], [sflag:$0x1] =	stream.linear.gather [hbm4b:s28+s24], $0x4000, $0x38;
	[tilespmem:$0x1B880] =	vst v63  }
0x10e: {  	s0 =	sadd.s32 $0x80000000, s0  }
0x10f: {  	p0 =	slt.s32 s2, s0  }
0x110: {  	s0 =	smov.u32 @p0 s2  }
0x111: {  	s18 =	sshll.u32 s0, $0x7  }
0x112: {  	s21 =	simm.s32 $0x0;
	s14 =	sadd.s32 $0x80, s18;
	s23 =	sadd.s32 $0x100, s18  }
.LBB2_7:
0x113: {  	p0 =	slt.s32 s18, $0x2690;
	s0 =	smov.u32 s18  }
0x114: {  	s0 =	simm.s32 @!p0 $0x2690  }
0x115: {  	s2 =	sshll.u32 s0, $0x2  }
0x116: {  	s2 =	sshra.s32 s2, $0x2  }
0x117: {  	s3 =	sadd.s32 $0xC380, s2  }
0x118: {  	v9 =	vmov s3  }
0x119: {  	v10 =	vadd.s32 s0, v7  }
0x11a: {  	_ =	swait.ge [sflag:s31], $0x4000  }
0x11b: {  	[sflag:s31] =	ssyncset.done $0x0  }
0x11c: {  	s28 =	simm.s32 $0x0;
	[sflag:s31] =	ssyncadd.s32 $0xFFFFC000  }
0x11d: {  	s12 =	smul.u32 $0x3, s21;
	v12 =	vld.idx.msk [tilespmem:v9+s28+$0x0 ss:$0x1], $0xffff  }
0x11e: {  	v13 =	vld.idx.msk [tilespmem:v10+s29+$0x0], $0xffff  }
0x11f: {  	s22 =	sadd.s32 s25, s12  }
0x120: {  	vm1 =	vmmov vm0;
	p0 =	slt.s32 s22, s17  }
0x121: {  	v14 =	vadd.s32 s0, v8;
	v15 =	vor.u32 s0, v3;
	s2 =	sadd.s32 $0xEB80, s2;
	vm1 =	vmneg @p0 vm1;
	s3 =	sshll.u32 s22, $0x7  }
0x122: {  	v11 =	vmov s3;
	v10 =	vmov s2;
	v16 =	vsub.s32 v12, v1  }
0x123: {  	vm2 =	vge.s32 v15, v11;
	vm3 =	vne.s32 v13, v12;
	vm4 =	vlt.u32 v16, $0x1388  }
0x124: {  	vm2 =	vmand vm1, vm2;
	vm3 =	vmand vm3, vm4  }
0x125: {  	vm3 =	vmand vm2, vm3  }
0x126: {  	v13 =	vld.idx.msk [tilespmem:v14+s29+$0x0], $0xffff;
	v14 =	vnsel vm3, $0x1390, v16  }
0x127: {  	[tilespmem:s28+$0xC000] =	vst v14  }
0x128: {  	s20 =	smov.u32 s23;
	p0 =	slt.s32 s23, $0x2690;
	v14 =	vld.idx.msk [tilespmem:v10+s28+$0x0 ss:$0x1], $0xffff  }
0x129: {  	s19 =	smov.u32 s14;
	s20 =	simm.s32 @!p0 $0x2690;
	p0 =	slt.s32 s14, $0x2690  }
0x12a: {  	s6 =	sadd.s32 $0x10, s0;
	s16 =	sshll.u32 s20, $0x2;
	s19 =	simm.s32 @!p0 $0x2690  }
0x12b: {  	s0 =	simm.s32 $0x10;
	s2 =	sshra.s32 s16, $0x2;
	s24 =	sshll.u32 s19, $0x2;
	vm3 =	vne.s32 v13, v12;
	v12 =	vadd.s32 s6, v7  }
0x12c: {  	s12 =	sadd.s32 $0xC380, s2;
	s3 =	sshra.s32 s24, $0x2;
	s24 =	sadd.s32 $0xEB80, s2;
	vm2 =	vmand vm2, vm3  }
0x12d: {  	s2 =	sadd.s32 $0xC380, s3;
	s16 =	sadd.s32 $0xEB80, s3;
	s3 =	simm.s32 $0x80;
	v13 =	vnsel vm2, $0x0, v14  }
.LBB2_8:
0x12e: {  	s4 =	sshra.s32 s3, $0x2;
	p0 =	sne.s32 s3, $0x1C0;
	s3 =	sadd.s32 $0x40, s3;
	[tilespmem:s28+$0xC180] =	vst v13  }
0x12f: {  	s28 =	smov.u32 s0;
	v13 =	vld.idx.msk [tilespmem:v9+s0+$0x0 ss:$0x1], $0xffff;
	s0 =	smov.u32 s4  }
0x130: {  	v12 =	vld.idx.msk [tilespmem:v12+s29+$0x0], $0xffff;
	_ =	sdelay $0x3  }
0x131: {  	v14 =	vadd.s32 s6, v8  }
0x132: {  	v15 =	vor.u32 s6, v3;
	v16 =	vsub.s32 v13, v1  }
0x133: {  	vm2 =	vge.s32 v15, v11;
	vm3 =	vne.s32 v12, v13;
	vm4 =	vlt.u32 v16, $0x1388  }
0x134: {  	vm2 =	vmand vm1, vm2;
	vm3 =	vmand vm3, vm4  }
0x135: {  	vm3 =	vmand vm2, vm3  }
0x136: {  	v12 =	vnsel vm3, $0x1390, v16;
	v14 =	vld.idx.msk [tilespmem:v14+s29+$0x0], $0xffff  }
0x137: {  	[tilespmem:s28+$0xC000] =	vst v12  }
0x138: {  	v15 =	vld.idx.msk [tilespmem:v10+s28+$0x0 ss:$0x1], $0xffff;
	_ =	sdelay $0x1  }
.Ltmp5:
0x139: {  	(pc) =	sbr.rel @p0 .LBB2_8-.Ltmp5, $4  }
0x13a: {  	s6 =	sadd.s32 $0x10, s6  }
0x13b: {  	v12 =	vadd.s32 s6, v7;
	vm3 =	vne.s32 v14, v13  }
0x13c: {  	vm2 =	vmand vm2, vm3  }
0x13d: {  	v13 =	vnsel vm2, $0x0, v15  }
0x13e: {  	_ =	sdelay $0x2  }
0x13f: {  	[tilespmem:s28+$0xC180] =	vst v13  }
0x140: {  	v9 =	vld.idx.msk [tilespmem:v9+s0+$0x0 ss:$0x1], $0xffff  }
0x141: {  	v12 =	vld.idx.msk [tilespmem:v12+s29+$0x0], $0xffff;
	_ =	sdelay $0x2  }
0x142: {  	v13 =	vadd.s32 s6, v8  }
0x143: {  	v14 =	vor.u32 s6, v3;
	v15 =	vsub.s32 v9, v1  }
0x144: {  	vm2 =	vge.s32 v14, v11;
	vm3 =	vne.s32 v12, v9;
	vm4 =	vlt.u32 v15, $0x1388  }
0x145: {  	vm1 =	vmand vm1, vm2;
	vm2 =	vmand vm3, vm4  }
0x146: {  	vm2 =	vmand vm1, vm2  }
0x147: {  	v11 =	vld.idx.msk [tilespmem:v13+s29+$0x0], $0xffff;
	v12 =	vnsel vm2, $0x1390, v15  }
0x148: {  	[tilespmem:s0+$0xC000] =	vst v12  }
0x149: {  	v10 =	vld.idx.msk [tilespmem:v10+s0+$0x0 ss:$0x1], $0xffff;
	_ =	sdelay $0x2  }
0x14a: {  	vm2 =	vne.s32 v11, v9  }
0x14b: {  	vm1 =	vmand vm1, vm2  }
0x14c: {  	v9 =	vnsel vm1, $0x0, v10  }
0x14d: {  	s4 =	simm.s32 $0x0;
	s28 =	rddreg [dreg:$0x5];
	s3 =	simm.s32 $0xC000;
	[tilespmem:s0+$0xC180] =	vst v9  }
0x14e: {  	[spmem:s28] =	stream.indirect.scatter.add.f32 [tilespmem:s4], [sflag:$0x2], $0x80, s3, s9, $0xb8;
	[tilespmem:$0x1B880] =	vst v63  }
0x14f: {  	s6 =	rddreg [dreg:$0x6]  }
0x150: {  	[spmem:s6] =	stream.indirect.scatter.add.f32 [tilespmem:s11], [sflag:$0x2], $0x1, s3, s9, $0xb8;
	[tilespmem:$0x1B880] =	vst v63  }
0x151: {  	v9 =	vmov s2;
	s2 =	simm.s32 $0xC180  }
0x152: {  	v10 =	vadd.s32 s19, v7;
	[spmem:s10] =	stream.indirect.scatter.add.f32 [tilespmem:s2], [sflag:$0x2], $0x1, s3, s9, $0xb8;
	[tilespmem:$0x1B880] =	vst v63  }
0x153: {  	_ =	swait.ge [sflag:s31], $0x4000  }
0x154: {  	[sflag:s31] =	ssyncset.done $0x0  }
0x155: {  	s2 =	simm.s32 $0x0;
	[sflag:s31] =	ssyncadd.s32 $0xFFFFC000  }
0x156: {  	v12 =	vld.idx.msk [tilespmem:v9+s2+$0x0 ss:$0x1], $0xffff  }
0x157: {  	v13 =	vld.idx.msk [tilespmem:v10+s29+$0x0], $0xffff  }
0x158: {  	s4 =	sadd.s32 $0x1, s22  }
0x159: {  	v14 =	vadd.s32 s19, v8;
	s6 =	sshll.u32 s4, $0x7  }
0x15a: {  	v15 =	vor.u32 s19, v3;
	vm1 =	vmmov vm0;
	p0 =	slt.s32 s4, s17;
	v11 =	vmov s6  }
0x15b: {  	vm1 =	vmneg @p0 vm1;
	vm2 =	vge.s32 v15, v11;
	v16 =	vsub.s32 v12, v1  }
0x15c: {  	v10 =	vmov s16;
	vm3 =	vne.s32 v13, v12;
	vm15 =	vlt.u32 v16, $0x1388  }
0x15d: {  	vm2 =	vmand vm1, vm2;
	vm3 =	vmand vm3, vm15  }
0x15e: {  	vm3 =	vmand vm2, vm3  }
0x15f: {  	v13 =	vld.idx.msk [tilespmem:v14+s29+$0x0], $0xffff;
	v14 =	vnsel vm3, $0x1390, v16  }
0x160: {  	[tilespmem:s2+$0xC080] =	vst v14  }
0x161: {  	v14 =	vld.idx.msk [tilespmem:v10+s2+$0x0 ss:$0x1], $0xffff;
	_ =	sdelay $0x1  }
0x162: {  	s6 =	sadd.s32 $0x10, s19  }
0x163: {  	vm3 =	vne.s32 v13, v12;
	v12 =	vadd.s32 s6, v7  }
0x164: {  	vm2 =	vmand vm2, vm3  }
0x165: {  	s0 =	simm.s32 $0x10;
	s3 =	simm.s32 $0x80;
	v13 =	vnsel vm2, $0x0, v14  }
.LBB2_10:
0x166: {  	s4 =	sshra.s32 s3, $0x2;
	p0 =	sne.s32 s3, $0x1C0;
	s3 =	sadd.s32 $0x40, s3;
	[tilespmem:s2+$0xC200] =	vst v13  }
0x167: {  	s2 =	smov.u32 s0;
	v13 =	vld.idx.msk [tilespmem:v9+s0+$0x0 ss:$0x1], $0xffff;
	s0 =	smov.u32 s4  }
0x168: {  	v12 =	vld.idx.msk [tilespmem:v12+s29+$0x0], $0xffff;
	_ =	sdelay $0x3  }
0x169: {  	v14 =	vadd.s32 s6, v8  }
0x16a: {  	v15 =	vor.u32 s6, v3;
	v16 =	vsub.s32 v13, v1  }
0x16b: {  	vm2 =	vge.s32 v15, v11;
	vm3 =	vne.s32 v12, v13;
	vm4 =	vlt.u32 v16, $0x1388  }
0x16c: {  	vm2 =	vmand vm1, vm2;
	vm3 =	vmand vm3, vm4  }
0x16d: {  	vm3 =	vmand vm2, vm3  }
0x16e: {  	v12 =	vnsel vm3, $0x1390, v16;
	v14 =	vld.idx.msk [tilespmem:v14+s29+$0x0], $0xffff  }
0x16f: {  	[tilespmem:s2+$0xC080] =	vst v12  }
0x170: {  	v15 =	vld.idx.msk [tilespmem:v10+s2+$0x0 ss:$0x1], $0xffff;
	_ =	sdelay $0x1  }
.Ltmp6:
0x171: {  	(pc) =	sbr.rel @p0 .LBB2_10-.Ltmp6, $4  }
0x172: {  	s6 =	sadd.s32 $0x10, s6  }
0x173: {  	v12 =	vadd.s32 s6, v7;
	vm3 =	vne.s32 v14, v13  }
0x174: {  	vm2 =	vmand vm2, vm3  }
0x175: {  	v13 =	vnsel vm2, $0x0, v15  }
0x176: {  	_ =	sdelay $0x2  }
0x177: {  	[tilespmem:s2+$0xC200] =	vst v13  }
0x178: {  	v9 =	vld.idx.msk [tilespmem:v9+s0+$0x0 ss:$0x1], $0xffff  }
0x179: {  	v12 =	vld.idx.msk [tilespmem:v12+s29+$0x0], $0xffff;
	_ =	sdelay $0x2  }
0x17a: {  	v13 =	vadd.s32 s6, v8  }
0x17b: {  	v14 =	vor.u32 s6, v3;
	v15 =	vsub.s32 v9, v1  }
0x17c: {  	vm2 =	vge.s32 v14, v11;
	vm3 =	vne.s32 v12, v9;
	vm4 =	vlt.u32 v15, $0x1388  }
0x17d: {  	vm1 =	vmand vm1, vm2;
	vm2 =	vmand vm3, vm4  }
0x17e: {  	vm2 =	vmand vm1, vm2  }
0x17f: {  	v11 =	vld.idx.msk [tilespmem:v13+s29+$0x0], $0xffff;
	v12 =	vnsel vm2, $0x1390, v15  }
0x180: {  	[tilespmem:s0+$0xC080] =	vst v12  }
0x181: {  	v10 =	vld.idx.msk [tilespmem:v10+s0+$0x0 ss:$0x1], $0xffff;
	_ =	sdelay $0x2  }
0x182: {  	vm2 =	vne.s32 v11, v9  }
0x183: {  	vm1 =	vmand vm1, vm2  }
0x184: {  	v9 =	vnsel vm1, $0x0, v10  }
0x185: {  	[tilespmem:s0+$0xC200] =	vst v9  }
0x186: {  	[spmem:s28] =	stream.indirect.scatter.add.f32 [tilespmem:s5], [sflag:$0x2], $0x80, s13, s9, $0xb8;
	[tilespmem:$0x1B880] =	vst v63  }
0x187: {  	s4 =	rddreg [dreg:$0x6]  }
0x188: {  	[spmem:s4] =	stream.indirect.scatter.add.f32 [tilespmem:s11], [sflag:$0x2], $0x1, s13, s9, $0xb8;
	[tilespmem:$0x1B880] =	vst v63  }
0x189: {  	s6 =	simm.s32 $0xC200  }
0x18a: {  	[spmem:s10] =	stream.indirect.scatter.add.f32 [tilespmem:s6], [sflag:$0x2], $0x1, s13, s9, $0xb8;
	[tilespmem:$0x1B880] =	vst v63  }
0x18b: {  	s0 =	sadd.s32 $0x3, s22;
	_ =	swait.ge [sflag:s15], $0x4000  }
0x18c: {  	p0 =	slt.s32 s0, $0x4E;
	[sflag:s15] =	ssyncset.done $0x0  }
0x18d: {  	s0 =	simm.s32 @!p0 $0x4E;
	[sflag:s15] =	ssyncadd.s32 $0xFFFFC000  }
0x18e: {  	s0 =	sshll.u32 s0, $0x7;
	_ =	swait.ge [sflag:s15], $0x80  }
0x18f: {  	p0 =	slt.s32 s0, $0x2690;
	[sflag:s15] =	ssyncset.done $0x0  }
0x190: {  	s0 =	simm.s32 @!p0 $0x2690;
	[sflag:s15] =	ssyncadd.s32 $0xFFFFFF80  }
0x191: {  	s0 =	sadd.s32 s7, s0;
	_ =	swait.ge [sflag:s15], $0x80  }
0x192: {  	s0 =	sshll.u32 s0, $0x4;
	[sflag:s15] =	ssyncset.done $0x0  }
0x193: {  	s16 =	simm.s32 $0x0;
	v9 =	vmov s12;
	s0 =	sadd.s32 s1, s0;
	[sflag:s15] =	ssyncadd.s32 $0xFFFFFF80  }
0x194: {  	v10 =	vadd.s32 s20, v7;
	[tilespmem:s16], [sflag:$0x1] =	stream.linear.gather [hbm4b:s0+s16], $0x4000, $0x38;
	[tilespmem:$0x1B880] =	vst v63  }
0x195: {  	_ =	swait.ge [sflag:s31], $0x4000  }
0x196: {  	[sflag:s31] =	ssyncset.done $0x0  }
0x197: {  	s2 =	simm.s32 $0x0;
	[sflag:s31] =	ssyncadd.s32 $0xFFFFC000  }
0x198: {  	v12 =	vld.idx.msk [tilespmem:v9+s2+$0x0 ss:$0x1], $0xffff  }
0x199: {  	v13 =	vld.idx.msk [tilespmem:v10+s29+$0x0], $0xffff  }
0x19a: {  	s19 =	sadd.s32 $0x2, s22  }
0x19b: {  	s3 =	sshll.u32 s19, $0x7;
	v14 =	vadd.s32 s20, v8  }
0x19c: {  	v11 =	vmov s3;
	v15 =	vor.u32 s20, v3;
	vm1 =	vmmov vm0;
	p0 =	slt.s32 s19, s17  }
0x19d: {  	vm2 =	vge.s32 v15, v11;
	vm1 =	vmneg @p0 vm1;
	v16 =	vsub.s32 v12, v1  }
0x19e: {  	v10 =	vmov s24;
	vm3 =	vne.s32 v13, v12;
	vm15 =	vlt.u32 v16, $0x1388  }
0x19f: {  	vm2 =	vmand vm1, vm2;
	vm3 =	vmand vm3, vm15  }
0x1a0: {  	vm3 =	vmand vm2, vm3  }
0x1a1: {  	v13 =	vld.idx.msk [tilespmem:v14+s29+$0x0], $0xffff;
	v14 =	vnsel vm3, $0x1390, v16  }
0x1a2: {  	[tilespmem:s2+$0xC100] =	vst v14  }
0x1a3: {  	v14 =	vld.idx.msk [tilespmem:v10+s2+$0x0 ss:$0x1], $0xffff;
	_ =	sdelay $0x1  }
0x1a4: {  	s6 =	sadd.s32 $0x10, s20  }
0x1a5: {  	vm3 =	vne.s32 v13, v12;
	v12 =	vadd.s32 s6, v7  }
0x1a6: {  	vm2 =	vmand vm2, vm3  }
0x1a7: {  	s3 =	simm.s32 $0x80;
	s0 =	simm.s32 $0x10;
	v13 =	vnsel vm2, $0x0, v14  }
.LBB2_12:
0x1a8: {  	s4 =	sshra.s32 s3, $0x2;
	p0 =	sne.s32 s3, $0x1C0;
	s3 =	sadd.s32 $0x40, s3;
	[tilespmem:s2+$0xC280] =	vst v13  }
0x1a9: {  	s2 =	smov.u32 s0;
	v13 =	vld.idx.msk [tilespmem:v9+s0+$0x0 ss:$0x1], $0xffff;
	s0 =	smov.u32 s4  }
0x1aa: {  	v12 =	vld.idx.msk [tilespmem:v12+s29+$0x0], $0xffff;
	_ =	sdelay $0x3  }
0x1ab: {  	v14 =	vadd.s32 s6, v8  }
0x1ac: {  	v15 =	vor.u32 s6, v3;
	v16 =	vsub.s32 v13, v1  }
0x1ad: {  	vm2 =	vge.s32 v15, v11;
	vm3 =	vne.s32 v12, v13;
	vm4 =	vlt.u32 v16, $0x1388  }
0x1ae: {  	vm2 =	vmand vm1, vm2;
	vm3 =	vmand vm3, vm4  }
0x1af: {  	vm3 =	vmand vm2, vm3  }
0x1b0: {  	v12 =	vnsel vm3, $0x1390, v16;
	v14 =	vld.idx.msk [tilespmem:v14+s29+$0x0], $0xffff  }
0x1b1: {  	[tilespmem:s2+$0xC100] =	vst v12  }
0x1b2: {  	v15 =	vld.idx.msk [tilespmem:v10+s2+$0x0 ss:$0x1], $0xffff;
	_ =	sdelay $0x1  }
.Ltmp7:
0x1b3: {  	(pc) =	sbr.rel @p0 .LBB2_12-.Ltmp7, $4  }
0x1b4: {  	s6 =	sadd.s32 $0x10, s6  }
0x1b5: {  	v12 =	vadd.s32 s6, v7;
	vm3 =	vne.s32 v14, v13  }
0x1b6: {  	vm2 =	vmand vm2, vm3  }
0x1b7: {  	v13 =	vnsel vm2, $0x0, v15  }
0x1b8: {  	_ =	sdelay $0x2  }
0x1b9: {  	[tilespmem:s2+$0xC280] =	vst v13  }
0x1ba: {  	v9 =	vld.idx.msk [tilespmem:v9+s0+$0x0 ss:$0x1], $0xffff  }
0x1bb: {  	v12 =	vld.idx.msk [tilespmem:v12+s29+$0x0], $0xffff;
	_ =	sdelay $0x2  }
0x1bc: {  	v62 =	vadd.s32 s6, v8  }
0x1bd: {  	v14 =	vor.u32 s6, v3;
	v15 =	vsub.s32 v9, v1  }
0x1be: {  	vm2 =	vge.s32 v14, v11;
	vm3 =	vne.s32 v12, v9;
	vm4 =	vlt.u32 v15, $0x1388  }
0x1bf: {  	vm1 =	vmand vm1, vm2;
	vm2 =	vmand vm3, vm4  }
0x1c0: {  	vm2 =	vmand vm1, vm2  }
0x1c1: {  	v11 =	vld.idx.msk [tilespmem:v62+s29+$0x0], $0xffff;
	v63 =	vnsel vm2, $0x1390, v15  }
0x1c2: {  	[tilespmem:s0+$0xC100] =	vst v63  }
0x1c3: {  	v10 =	vld.idx.msk [tilespmem:v10+s0+$0x0 ss:$0x1], $0xffff;
	_ =	sdelay $0x2  }
0x1c4: {  	vm2 =	vne.s32 v11, v9  }
0x1c5: {  	vm1 =	vmand vm1, vm2  }
0x1c6: {  	v9 =	vnsel vm1, $0x0, v10  }
0x1c7: {  	s20 =	simm.s32 $0x8000;
	[tilespmem:s0+$0xC280] =	vst v9  }
0x1c8: {  	[spmem:s28] =	stream.indirect.scatter.add.f32 [tilespmem:s20], [sflag:$0x2], $0x80, s30, s9, $0xb8;
	[tilespmem:$0x1B880] =	vst v63  }
0x1c9: {  	s24 =	rddreg [dreg:$0x6]  }
0x1ca: {  	[spmem:s24] =	stream.indirect.scatter.add.f32 [tilespmem:s11], [sflag:$0x2], $0x1, s30, s9, $0xb8;
	[tilespmem:$0x1B880] =	vst v63  }
0x1cb: {  	s28 =	simm.s32 $0xC280  }
0x1cc: {  	[spmem:s10] =	stream.indirect.scatter.add.f32 [tilespmem:s28], [sflag:$0x2], $0x1, s30, s9, $0xb8;
	[tilespmem:$0x1B880] =	vst v63  }
0x1cd: {  	s0 =	sadd.s32 $0x4, s22;
	_ =	swait.ge [sflag:s15], $0x4000  }
0x1ce: {  	p0 =	slt.s32 s0, $0x4E;
	[sflag:s15] =	ssyncset.done $0x0  }
0x1cf: {  	s0 =	simm.s32 @!p0 $0x4E;
	[sflag:s15] =	ssyncadd.s32 $0xFFFFC000  }
0x1d0: {  	s0 =	sshll.u32 s0, $0x7;
	_ =	swait.ge [sflag:s15], $0x80  }
0x1d1: {  	p0 =	slt.s32 s0, $0x2690;
	[sflag:s15] =	ssyncset.done $0x0  }
0x1d2: {  	s0 =	simm.s32 @!p0 $0x2690;
	[sflag:s15] =	ssyncadd.s32 $0xFFFFFF80  }
0x1d3: {  	s0 =	sadd.s32 s7, s0;
	_ =	swait.ge [sflag:s15], $0x80  }
0x1d4: {  	s0 =	sshll.u32 s0, $0x4;
	[sflag:s15] =	ssyncset.done $0x0  }
0x1d5: {  	s24 =	simm.s32 $0x0;
	s0 =	sadd.s32 s1, s0;
	[sflag:s15] =	ssyncadd.s32 $0xFFFFFF80  }
0x1d6: {  	[tilespmem:s5], [sflag:$0x1] =	stream.linear.gather [hbm4b:s0+s24], $0x4000, $0x38;
	[tilespmem:$0x1B880] =	vst v63  }
0x1d7: {  	s0 =	sadd.s32 $0x5, s22  }
0x1d8: {  	_ =	swait.ge [sflag:s15], $0x4000;
	p0 =	slt.s32 s0, $0x4E  }
0x1d9: {  	[sflag:s15] =	ssyncset.done $0x0;
	s0 =	simm.s32 @!p0 $0x4E  }
0x1da: {  	[sflag:s15] =	ssyncadd.s32 $0xFFFFC000;
	s0 =	sshll.u32 s0, $0x7  }
0x1db: {  	s21 =	sadd.s32 $0x1, s21;
	_ =	swait.ge [sflag:s15], $0x80;
	p0 =	slt.s32 s0, $0x2690  }
0x1dc: {  	[sflag:s15] =	ssyncset.done $0x0;
	s0 =	simm.s32 @!p0 $0x2690;
	p0 =	sne.s32 s21, s26  }
.Ltmp8:
0x1dd: {  	s18 =	sadd.s32 $0x180, s18;
	[sflag:s15] =	ssyncadd.s32 $0xFFFFFF80;
	(pc) =	sbr.rel @p0 .LBB2_7-.Ltmp8, $4  }
0x1de: {  	s14 =	sadd.s32 $0x180, s14;
	s0 =	sadd.s32 s7, s0;
	_ =	swait.ge [sflag:s15], $0x80  }
0x1df: {  	s23 =	sadd.s32 $0x180, s23;
	s0 =	sshll.u32 s0, $0x4;
	[sflag:s15] =	ssyncset.done $0x0  }
0x1e0: {  	s22 =	simm.s32 $0x8000;
	s0 =	sadd.s32 s1, s0;
	[sflag:s15] =	ssyncadd.s32 $0xFFFFFF80  }
0x1e1: {  	[tilespmem:s20], [sflag:$0x1] =	stream.linear.gather [hbm4b:s0+s24], $0x4000, $0x38;
	[tilespmem:$0x1B880] =	vst v63  }
.LBB2_14:
0x1e2: {  	_ =	swait.ge [sflag:s31], $0x4000  }
0x1e3: {  	[sflag:s31] =	ssyncset.done $0x0  }
0x1e4: {  	[sflag:s31] =	ssyncadd.s32 $0xFFFFC000  }
0x1e5: {  	_ =	swait.ge [sflag:s31], $0x4000  }
0x1e6: {  	[sflag:s31] =	ssyncset.done $0x0  }
0x1e7: {  	[sflag:s31] =	ssyncadd.s32 $0xFFFFC000  }
0x1e8: {  	_ =	swait.ge [sflag:s31], $0x4000  }
0x1e9: {  	[sflag:s31] =	ssyncset.done $0x0  }
0x1ea: {  	s12 =	simm.s32 $0x0;
	s0 =	rddreg [dreg:$0xb];
	[sflag:s31] =	ssyncadd.s32 $0xFFFFC000  }
0x1eb: {  	[tilespmem:s29], [sflag:$0x3] =	stream.linear.gather [hbm4b:s0+s12], $0x2790, $0x38;
	[tilespmem:$0x1B880] =	vst v63  }
0x1ec: {  	s2 =	simm.s32 $0xEB80;
	s28 =	simm.s32 $0x3;
	s26 =	rddreg [dreg:$0xc]  }
0x1ed: {  	v9 =	vor.u32 s12, v3;
	[tilespmem:s2], [sflag:$0x3] =	stream.linear.gather [hbm4b:s26+s12], $0x2710, $0x38;
	[tilespmem:$0x1B880] =	vst v63  }
0x1ee: {  	v10 =	vshll.u32 v9, $0x7;
	_ =	swait.ge [sflag:s28], $0x2790  }
0x1ef: {  	v10 =	vmin.u32 v10, $0x2690;
	[sflag:s28] =	ssyncset.done $0x0  }
0x1f0: {  	v11 =	vadd.s32 $0x7F, v10;
	[sflag:s28] =	ssyncadd.s32 $0xFFFFD870  }
0x1f1: {  	_ =	swait.ge [sflag:s28], $0x2710  }
0x1f2: {  	[sflag:s28] =	ssyncset.done $0x0  }
0x1f3: {  	[sflag:s28] =	ssyncadd.s32 $0xFFFFD8F0  }
0x1f4: {  	v10 =	vld.idx.msk [tilespmem:v10+s29+$0x0], $0xffff  }
0x1f5: {  	v11 =	vld.idx.msk [tilespmem:v11+s29+$0x0], $0xffff;
	_ =	sdelay $0x3  }
0x1f6: {  	s14 =	simm.s32 $0x10  }
0x1f7: {  	v12 =	vor.u32 s14, v3;
	vm1 =	vlt.s32 v10, v0;
	vm2 =	vge.s32 v11, v1  }
0x1f8: {  	v10 =	vshll.u32 v12, $0x7;
	vm1 =	vmand vm1, vm2;
	vm2 =	vlt.u32 v9, $0x4F  }
0x1f9: {  	v9 =	vmin.u32 v10, $0x2690;
	v10 =	vor.u32 s12, v5;
	vm1 =	vmand vm2, vm1  }
0x1fa: {  	v13 =	vadd.s32 s12, v6;
	v10 =	vnsel vm1, $0x8000004F, v10  }
0x1fb: {  	v11 =	vadd.s32 $0x7F, v9;
	v13 =	vnsel vm1, $0x80000000, v13;
	(xrf0) =	vmin.scan.msk.u32 $0xffff, v10  }
0x1fc: {  	(xrf0) =	vmax.scan.msk.u32 $0xffff, v13;
	_ =	sdelay $0x2  }
0x1fd: {  	v9 =	vld.idx.msk [tilespmem:v9+s29+$0x0], $0xffff  }
0x1fe: {  	v10 =	vld.idx.msk [tilespmem:v11+s29+$0x0], $0xffff  }
0x1ff: {  	v11, _, _ =	vpop (xrf0)  }
0x200: {  	(v2sf) =	vpush v11, $0xF;
	v11, _, _ =	vpop (xrf0)  }
0x201: {  	(v2sf) =	vpush v11, $0xF;
	_ =	sdelay $0x1  }
0x202: {  	s16 =	simm.s32 $0x20;
	vm1 =	vlt.s32 v9, v0;
	vm2 =	vge.s32 v10, v1  }
0x203: {  	v9 =	vor.u32 s16, v3;
	vm1 =	vmand vm1, vm2;
	vm2 =	vlt.u32 v12, $0x4F  }
0x204: {  	s0 =	simm.s32 $0x4F;
	s2 =	simm.s32 $0x30;
	v10 =	vshll.u32 v9, $0x7;
	v11 =	vor.u32 s14, v5;
	vm1 =	vmand vm2, vm1  }
.LBB2_15:
0x205: {  	s3 =	smov.u32 s12;
	s4 =	smov.u32 s0  }
0x206: {  	p0 =	sne.s32 s2, $0x40;
	v10 =	vmin.u32 v10, $0x2690;
	v11 =	vnsel vm1, $0x8000004F, v11;
	v12 =	vadd.s32 s14, v6;
	s14 =	smov.u32 s16;
	s16 =	smov.u32 s2  }
0x207: {  	v13 =	vadd.s32 $0x7F, v10;
	v12 =	vnsel vm1, $0x80000000, v12;
	(xrf0) =	vmin.scan.msk.u32 $0xffff, v11  }
0x208: {  	(xrf0) =	vmax.scan.msk.u32 $0xffff, v12;
	_ =	sdelay $0x2  }
0x209: {  	v10 =	vld.idx.msk [tilespmem:v10+s29+$0x0], $0xffff  }
0x20a: {  	v11 =	vld.idx.msk [tilespmem:v13+s29+$0x0], $0xffff  }
0x20b: {  	v12, _, _ =	vpop (xrf0)  }
0x20c: {  	(v2sf) =	vpush v12, $0xF;
	v12, _, _ =	vpop (xrf0);
	s0 =	spop (v2sf)  }
0x20d: {  	(v2sf) =	vpush v12, $0xF;
	s6 =	spop (v2sf)  }
.Ltmp9:
0x20e: {  	s0 =	sxor.u32 $0x80000000, s0;
	s12 =	sxor.u32 $0x80000000, s6;
	(pc) =	sbr.rel @p0 .LBB2_15-.Ltmp9, $4  }
0x20f: {  	p1 =	slt.s32 s4, s0;
	p2 =	sgt.s32 s3, s12  }
0x210: {  	vm1 =	vlt.s32 v10, v0;
	vm2 =	vge.s32 v11, v1;
	s0 =	smov.u32 @p1 s4;
	s12 =	smov.u32 @p2 s3  }
0x211: {  	vm1 =	vmand vm1, vm2;
	vm2 =	vlt.u32 v9, $0x4F;
	v9 =	vor.u32 s2, v3  }
0x212: {  	v11 =	vor.u32 s14, v5;
	s2 =	sadd.s32 $0x10, s2;
	v10 =	vshll.u32 v9, $0x7;
	vm1 =	vmand vm2, vm1  }
0x213: {  	v10 =	vmin.u32 v10, $0x2690  }
0x214: {  	v12 =	vadd.s32 $0x7F, v10;
	_ =	sdelay $0x3  }
0x215: {  	v10 =	vld.idx.msk [tilespmem:v10+s29+$0x0], $0xffff  }
0x216: {  	v12 =	vld.idx.msk [tilespmem:v12+s29+$0x0], $0xffff;
	_ =	sdelay $0x4  }
0x217: {  	v11 =	vnsel vm1, $0x8000004F, v11;
	vm2 =	vlt.s32 v10, v0;
	vm3 =	vge.s32 v12, v1  }
0x218: {  	v10 =	vadd.s32 s14, v6;
	vm2 =	vmand vm2, vm3;
	vm3 =	vlt.u32 v9, $0x4F  }
0x219: {  	(xrf0) =	vmin.scan.msk.u32 $0xffff, v11;
	v9 =	vnsel vm1, $0x80000000, v10;
	v10 =	vor.u32 s16, v5;
	vm1 =	vmand vm3, vm2  }
0x21a: {  	(xrf0) =	vmax.scan.msk.u32 $0xffff, v9;
	v9 =	vnsel vm1, $0x8000004F, v10  }
0x21b: {  	(xrf0) =	vmin.scan.msk.u32 $0xffff, v9;
	_ =	sdelay $0x3  }
0x21c: {  	v9, _, _ =	vpop (xrf0)  }
0x21d: {  	(v2sf) =	vpush v9, $0xF;
	v9, _, _ =	vpop (xrf0)  }
0x21e: {  	v10 =	vadd.s32 s16, v6;
	(v2sf) =	vpush v9, $0xF;
	v9, _, _ =	vpop (xrf0)  }
0x21f: {  	(v2sf) =	vpush v9, $0xF;
	v9 =	vnsel vm1, $0x80000000, v10  }
0x220: {  	(xrf0) =	vmax.scan.msk.u32 $0xffff, v9;
	_ =	sdelay $0x5  }
0x221: {  	v9, _, _ =	vpop (xrf0)  }
0x222: {  	(v2sf) =	vpush v9, $0xF;
	_ =	sdelay $0x2  }
0x223: {  	s2 =	spop (v2sf)  }
0x224: {  	s3 =	spop (v2sf);
	s4 =	sxor.u32 $0x80000000, s2  }
0x225: {  	p0 =	slt.s32 s0, s4;
	s16 =	spop (v2sf)  }
0x226: {  	s4 =	smov.u32 @p0 s0;
	s2 =	sxor.u32 $0x80000000, s16;
	s6 =	spop (v2sf)  }
0x227: {  	p0 =	slt.s32 s4, s2;
	s0 =	spop (v2sf)  }
0x228: {  	s2 =	smov.u32 @p0 s4;
	s25 =	sxor.u32 $0x80000000, s0  }
0x229: {  	p0 =	slt.s32 s2, s25  }
0x22a: {  	s25 =	smov.u32 @p0 s2  }
0x22b: {  	p0 =	slt.s32 s25, $0x4E;
	s4 =	smov.u32 s25  }
0x22c: {  	s3 =	sxor.u32 $0x80000000, s3;
	s4 =	simm.s32 @!p0 $0x4E  }
0x22d: {  	p0 =	sgt.s32 s12, s3;
	s4 =	sshll.u32 s4, $0x7  }
0x22e: {  	s6 =	sxor.u32 $0x80000000, s6;
	s3 =	smov.u32 @p0 s12;
	p1 =	slt.s32 s4, $0x2690  }
0x22f: {  	p0 =	sgt.s32 s3, s6;
	s4 =	simm.s32 @!p1 $0x2690;
	s17 =	spop (v2sf)  }
0x230: {  	s6 =	smov.u32 @p0 s3;
	s4 =	sadd.s32 s8, s4;
	s17 =	sxor.u32 $0x80000000, s17  }
0x231: {  	s18 =	sshll.u32 s4, $0x4;
	p0 =	sgt.s32 s6, s17  }
0x232: {  	s3 =	sadd.s32 s1, s18;
	s17 =	smov.u32 @p0 s6  }
0x233: {  	[tilespmem:s24], [sflag:$0x1] =	stream.linear.gather [hbm4b:s3+s24], $0x4000, $0x38;
	[tilespmem:$0x1B880] =	vst v63  }
0x234: {  	p0 =	slt.s32 s25, $0x4D;
	s3 =	smov.u32 s25;
	s4 =	ssub.s32 s17, s25  }
0x235: {  	s3 =	simm.s32 @!p0 $0x4D;
	p0 =	sgt.s32 s4, $0x0  }
0x236: {  	s3 =	sshll.u32 s3, $0x7;
	s4 =	simm.s32 @!p0 $0x0  }
0x237: {  	s3 =	sadd.s32 $0x80, s3;
	s19 =	sadd.s32 $0x2, s4  }
0x238: {  	p0 =	slt.s32 s3, $0x2690;
	s20 =	smulhi.u32 $0x55555556, s19;
	s21 =	sshra.s32 s19, $0x1F  }
0x239: {  	s3 =	simm.s32 @!p0 $0x2690;
	s14 =	smul.u32 $0x55555556, s21  }
0x23a: {  	s3 =	sadd.s32 s8, s3  }
0x23b: {  	s3 =	sshll.u32 s3, $0x4;
	s12 =	sadd.s32 s14, s20  }
0x23c: {  	s3 =	sadd.s32 s1, s3;
	s23 =	sshrl.u32 s12, $0x1F  }
0x23d: {  	[tilespmem:s5], [sflag:$0x1] =	stream.linear.gather [hbm4b:s3+s24], $0x4000, $0x38;
	[tilespmem:$0x1B880] =	vst v63  }
0x23e: {  	p0 =	slt.s32 s25, $0x4C;
	s14 =	smov.u32 s25;
	s3 =	sadd.s32 s23, s12  }
0x23f: {  	s14 =	simm.s32 @!p0 $0x4C;
	s12 =	smul.u32 $0xFFFFFFFD, s3  }
0x240: {  	s4 =	ssub.s32 $0xFFFFFFFE, s4;
	s14 =	sshll.u32 s14, $0x7  }
0x241: {  	p5 =	slt.s32 s19, $0x0;
	s14 =	sadd.s32 $0x100, s14;
	p6 =	sne.s32 s12, s4  }
0x242: {  	p2 =	slt.s32 s14, $0x2690;
	p0 =	por !p5, !p6  }
0x243: {  	s14 =	simm.s32 @!p2 $0x2690;
	s4 =	simm.s32 $0x1;
	p0 =	por !p0, !p0  }
0x244: {  	s26 =	sadd.s32 s8, s14;
	s4 =	simm.s32 @!p0 $0x0  }
0x245: {  	s6 =	sshll.u32 s26, $0x4;
	s26 =	ssub.s32 s3, s4  }
0x246: {  	p0 =	slt.s32 s26, $0x1  }
.Ltmp10:
0x247: {  	_ = 	snop;
	(pc) =	sbr.rel @p0 .LBB2_25-.Ltmp10, $3  }
0x248: {  	_ =	sdelay $0x1  }
0x249: {  	s28 =	sadd.s32 s1, s6  }
0x24a: {  	[tilespmem:s22], [sflag:$0x1] =	stream.linear.gather [hbm4b:s28+s24], $0x4000, $0x38;
	[tilespmem:$0x1B880] =	vst v63  }
0x24b: {  	s0 =	sadd.s32 $0x80000000, s0  }
0x24c: {  	p0 =	slt.s32 s2, s0  }
0x24d: {  	s0 =	smov.u32 @p0 s2  }
0x24e: {  	s18 =	sshll.u32 s0, $0x7  }
0x24f: {  	s21 =	simm.s32 $0x0;
	s19 =	sadd.s32 $0x80, s18;
	s20 =	sadd.s32 $0x100, s18  }
.LBB2_18:
0x250: {  	p0 =	slt.s32 s18, $0x2690;
	s0 =	smov.u32 s18  }
0x251: {  	s0 =	simm.s32 @!p0 $0x2690  }
0x252: {  	s2 =	sshll.u32 s0, $0x2  }
0x253: {  	s2 =	sshra.s32 s2, $0x2  }
0x254: {  	s3 =	sadd.s32 $0xC380, s2  }
0x255: {  	v9 =	vmov s3  }
0x256: {  	v10 =	vadd.s32 s0, v7  }
0x257: {  	_ =	swait.ge [sflag:s31], $0x4000  }
0x258: {  	[sflag:s31] =	ssyncset.done $0x0  }
0x259: {  	s28 =	simm.s32 $0x0;
	[sflag:s31] =	ssyncadd.s32 $0xFFFFC000  }
0x25a: {  	s14 =	smul.u32 $0x3, s21;
	v12 =	vld.idx.msk [tilespmem:v9+s28+$0x0 ss:$0x1], $0xffff  }
0x25b: {  	v13 =	vld.idx.msk [tilespmem:v10+s29+$0x0], $0xffff  }
0x25c: {  	s22 =	sadd.s32 s25, s14  }
0x25d: {  	vm1 =	vmmov vm0;
	p0 =	slt.s32 s22, s17  }
0x25e: {  	v14 =	vadd.s32 s0, v8;
	v15 =	vor.u32 s0, v3;
	s2 =	sadd.s32 $0xEB80, s2;
	vm1 =	vmneg @p0 vm1;
	s3 =	sshll.u32 s22, $0x7  }
0x25f: {  	v11 =	vmov s3;
	v10 =	vmov s2;
	v16 =	vsub.s32 v12, v1  }
0x260: {  	vm2 =	vge.s32 v15, v11;
	vm3 =	vne.s32 v13, v12;
	vm4 =	vlt.u32 v16, $0x1388  }
0x261: {  	vm2 =	vmand vm1, vm2;
	vm3 =	vmand vm3, vm4  }
0x262: {  	vm3 =	vmand vm2, vm3  }
0x263: {  	v13 =	vld.idx.msk [tilespmem:v14+s29+$0x0], $0xffff;
	v14 =	vnsel vm3, $0x1390, v16  }
0x264: {  	[tilespmem:s28+$0xC000] =	vst v14  }
0x265: {  	s23 =	smov.u32 s20;
	p0 =	slt.s32 s20, $0x2690;
	v14 =	vld.idx.msk [tilespmem:v10+s28+$0x0 ss:$0x1], $0xffff  }
0x266: {  	s14 =	smov.u32 s19;
	s23 =	simm.s32 @!p0 $0x2690;
	p0 =	slt.s32 s19, $0x2690  }
0x267: {  	s6 =	sadd.s32 $0x10, s0;
	s16 =	sshll.u32 s23, $0x2;
	s14 =	simm.s32 @!p0 $0x2690  }
0x268: {  	s0 =	simm.s32 $0x10;
	s2 =	sshra.s32 s16, $0x2;
	s24 =	sshll.u32 s14, $0x2;
	vm3 =	vne.s32 v13, v12;
	v12 =	vadd.s32 s6, v7  }
0x269: {  	s12 =	sadd.s32 $0xC380, s2;
	s3 =	sshra.s32 s24, $0x2;
	s24 =	sadd.s32 $0xEB80, s2;
	vm2 =	vmand vm2, vm3  }
0x26a: {  	s2 =	sadd.s32 $0xC380, s3;
	s16 =	sadd.s32 $0xEB80, s3;
	s3 =	simm.s32 $0x80;
	v13 =	vnsel vm2, $0x0, v14  }
.LBB2_19:
0x26b: {  	s4 =	sshra.s32 s3, $0x2;
	p0 =	sne.s32 s3, $0x1C0;
	s3 =	sadd.s32 $0x40, s3;
	[tilespmem:s28+$0xC180] =	vst v13  }
0x26c: {  	s28 =	smov.u32 s0;
	v13 =	vld.idx.msk [tilespmem:v9+s0+$0x0 ss:$0x1], $0xffff;
	s0 =	smov.u32 s4  }
0x26d: {  	v12 =	vld.idx.msk [tilespmem:v12+s29+$0x0], $0xffff;
	_ =	sdelay $0x3  }
0x26e: {  	v14 =	vadd.s32 s6, v8  }
0x26f: {  	v15 =	vor.u32 s6, v3;
	v16 =	vsub.s32 v13, v1  }
0x270: {  	vm2 =	vge.s32 v15, v11;
	vm3 =	vne.s32 v12, v13;
	vm4 =	vlt.u32 v16, $0x1388  }
0x271: {  	vm2 =	vmand vm1, vm2;
	vm3 =	vmand vm3, vm4  }
0x272: {  	vm3 =	vmand vm2, vm3  }
0x273: {  	v12 =	vnsel vm3, $0x1390, v16;
	v14 =	vld.idx.msk [tilespmem:v14+s29+$0x0], $0xffff  }
0x274: {  	[tilespmem:s28+$0xC000] =	vst v12  }
0x275: {  	v15 =	vld.idx.msk [tilespmem:v10+s28+$0x0 ss:$0x1], $0xffff;
	_ =	sdelay $0x1  }
.Ltmp11:
0x276: {  	(pc) =	sbr.rel @p0 .LBB2_19-.Ltmp11, $4  }
0x277: {  	s6 =	sadd.s32 $0x10, s6  }
0x278: {  	v12 =	vadd.s32 s6, v7;
	vm3 =	vne.s32 v14, v13  }
0x279: {  	vm2 =	vmand vm2, vm3  }
0x27a: {  	v13 =	vnsel vm2, $0x0, v15  }
0x27b: {  	_ =	sdelay $0x2  }
0x27c: {  	[tilespmem:s28+$0xC180] =	vst v13  }
0x27d: {  	v9 =	vld.idx.msk [tilespmem:v9+s0+$0x0 ss:$0x1], $0xffff  }
0x27e: {  	v12 =	vld.idx.msk [tilespmem:v12+s29+$0x0], $0xffff;
	_ =	sdelay $0x2  }
0x27f: {  	v13 =	vadd.s32 s6, v8  }
0x280: {  	v14 =	vor.u32 s6, v3;
	v15 =	vsub.s32 v9, v1  }
0x281: {  	vm2 =	vge.s32 v14, v11;
	vm3 =	vne.s32 v12, v9;
	vm4 =	vlt.u32 v15, $0x1388  }
0x282: {  	vm1 =	vmand vm1, vm2;
	vm2 =	vmand vm3, vm4  }
0x283: {  	vm2 =	vmand vm1, vm2  }
0x284: {  	v11 =	vld.idx.msk [tilespmem:v13+s29+$0x0], $0xffff;
	v12 =	vnsel vm2, $0x1390, v15  }
0x285: {  	[tilespmem:s0+$0xC000] =	vst v12  }
0x286: {  	v10 =	vld.idx.msk [tilespmem:v10+s0+$0x0 ss:$0x1], $0xffff;
	_ =	sdelay $0x2  }
0x287: {  	vm2 =	vne.s32 v11, v9  }
0x288: {  	vm1 =	vmand vm1, vm2  }
0x289: {  	v9 =	vnsel vm1, $0x0, v10  }
0x28a: {  	s4 =	simm.s32 $0x0;
	s28 =	rddreg [dreg:$0x5];
	s3 =	simm.s32 $0xC000;
	[tilespmem:s0+$0xC180] =	vst v9  }
0x28b: {  	[spmem:s28] =	stream.indirect.scatter.add.f32 [tilespmem:s4], [sflag:$0x2], $0x80, s3, s9, $0xb8;
	[tilespmem:$0x1B880] =	vst v63  }
0x28c: {  	s6 =	rddreg [dreg:$0x6]  }
0x28d: {  	[spmem:s6] =	stream.indirect.scatter.add.f32 [tilespmem:s11], [sflag:$0x2], $0x1, s3, s9, $0xb8;
	[tilespmem:$0x1B880] =	vst v63  }
0x28e: {  	v9 =	vmov s2;
	s2 =	simm.s32 $0xC180  }
0x28f: {  	v10 =	vadd.s32 s14, v7;
	[spmem:s10] =	stream.indirect.scatter.add.f32 [tilespmem:s2], [sflag:$0x2], $0x1, s3, s9, $0xb8;
	[tilespmem:$0x1B880] =	vst v63  }
0x290: {  	_ =	swait.ge [sflag:s31], $0x4000  }
0x291: {  	[sflag:s31] =	ssyncset.done $0x0  }
0x292: {  	s2 =	simm.s32 $0x0;
	[sflag:s31] =	ssyncadd.s32 $0xFFFFC000  }
0x293: {  	v12 =	vld.idx.msk [tilespmem:v9+s2+$0x0 ss:$0x1], $0xffff  }
0x294: {  	v13 =	vld.idx.msk [tilespmem:v10+s29+$0x0], $0xffff  }
0x295: {  	s4 =	sadd.s32 $0x1, s22  }
0x296: {  	v14 =	vadd.s32 s14, v8;
	s6 =	sshll.u32 s4, $0x7  }
0x297: {  	v15 =	vor.u32 s14, v3;
	vm1 =	vmmov vm0;
	p0 =	slt.s32 s4, s17;
	v11 =	vmov s6  }
0x298: {  	vm1 =	vmneg @p0 vm1;
	vm2 =	vge.s32 v15, v11;
	v16 =	vsub.s32 v12, v1  }
0x299: {  	v10 =	vmov s16;
	vm3 =	vne.s32 v13, v12;
	vm15 =	vlt.u32 v16, $0x1388  }
0x29a: {  	vm2 =	vmand vm1, vm2;
	vm3 =	vmand vm3, vm15  }
0x29b: {  	vm3 =	vmand vm2, vm3  }
0x29c: {  	v13 =	vld.idx.msk [tilespmem:v14+s29+$0x0], $0xffff;
	v14 =	vnsel vm3, $0x1390, v16  }
0x29d: {  	[tilespmem:s2+$0xC080] =	vst v14  }
0x29e: {  	v14 =	vld.idx.msk [tilespmem:v10+s2+$0x0 ss:$0x1], $0xffff;
	_ =	sdelay $0x1  }
0x29f: {  	s6 =	sadd.s32 $0x10, s14  }
0x2a0: {  	vm3 =	vne.s32 v13, v12;
	v12 =	vadd.s32 s6, v7  }
0x2a1: {  	vm2 =	vmand vm2, vm3  }
0x2a2: {  	s0 =	simm.s32 $0x10;
	s3 =	simm.s32 $0x80;
	v13 =	vnsel vm2, $0x0, v14  }
.LBB2_21:
0x2a3: {  	s4 =	sshra.s32 s3, $0x2;
	p0 =	sne.s32 s3, $0x1C0;
	s3 =	sadd.s32 $0x40, s3;
	[tilespmem:s2+$0xC200] =	vst v13  }
0x2a4: {  	s2 =	smov.u32 s0;
	v13 =	vld.idx.msk [tilespmem:v9+s0+$0x0 ss:$0x1], $0xffff;
	s0 =	smov.u32 s4  }
0x2a5: {  	v12 =	vld.idx.msk [tilespmem:v12+s29+$0x0], $0xffff;
	_ =	sdelay $0x3  }
0x2a6: {  	v14 =	vadd.s32 s6, v8  }
0x2a7: {  	v15 =	vor.u32 s6, v3;
	v16 =	vsub.s32 v13, v1  }
0x2a8: {  	vm2 =	vge.s32 v15, v11;
	vm3 =	vne.s32 v12, v13;
	vm4 =	vlt.u32 v16, $0x1388  }
0x2a9: {  	vm2 =	vmand vm1, vm2;
	vm3 =	vmand vm3, vm4  }
0x2aa: {  	vm3 =	vmand vm2, vm3  }
0x2ab: {  	v12 =	vnsel vm3, $0x1390, v16;
	v14 =	vld.idx.msk [tilespmem:v14+s29+$0x0], $0xffff  }
0x2ac: {  	[tilespmem:s2+$0xC080] =	vst v12  }
0x2ad: {  	v15 =	vld.idx.msk [tilespmem:v10+s2+$0x0 ss:$0x1], $0xffff;
	_ =	sdelay $0x1  }
.Ltmp12:
0x2ae: {  	(pc) =	sbr.rel @p0 .LBB2_21-.Ltmp12, $4  }
0x2af: {  	s6 =	sadd.s32 $0x10, s6  }
0x2b0: {  	v12 =	vadd.s32 s6, v7;
	vm3 =	vne.s32 v14, v13  }
0x2b1: {  	vm2 =	vmand vm2, vm3  }
0x2b2: {  	v13 =	vnsel vm2, $0x0, v15  }
0x2b3: {  	_ =	sdelay $0x2  }
0x2b4: {  	[tilespmem:s2+$0xC200] =	vst v13  }
0x2b5: {  	v9 =	vld.idx.msk [tilespmem:v9+s0+$0x0 ss:$0x1], $0xffff  }
0x2b6: {  	v12 =	vld.idx.msk [tilespmem:v12+s29+$0x0], $0xffff;
	_ =	sdelay $0x2  }
0x2b7: {  	v13 =	vadd.s32 s6, v8  }
0x2b8: {  	v14 =	vor.u32 s6, v3;
	v15 =	vsub.s32 v9, v1  }
0x2b9: {  	vm2 =	vge.s32 v14, v11;
	vm3 =	vne.s32 v12, v9;
	vm4 =	vlt.u32 v15, $0x1388  }
0x2ba: {  	vm1 =	vmand vm1, vm2;
	vm2 =	vmand vm3, vm4  }
0x2bb: {  	vm2 =	vmand vm1, vm2  }
0x2bc: {  	v11 =	vld.idx.msk [tilespmem:v13+s29+$0x0], $0xffff;
	v12 =	vnsel vm2, $0x1390, v15  }
0x2bd: {  	[tilespmem:s0+$0xC080] =	vst v12  }
0x2be: {  	v10 =	vld.idx.msk [tilespmem:v10+s0+$0x0 ss:$0x1], $0xffff;
	_ =	sdelay $0x2  }
0x2bf: {  	vm2 =	vne.s32 v11, v9  }
0x2c0: {  	vm1 =	vmand vm1, vm2  }
0x2c1: {  	v9 =	vnsel vm1, $0x0, v10  }
0x2c2: {  	[tilespmem:s0+$0xC200] =	vst v9  }
0x2c3: {  	[spmem:s28] =	stream.indirect.scatter.add.f32 [tilespmem:s5], [sflag:$0x2], $0x80, s13, s9, $0xb8;
	[tilespmem:$0x1B880] =	vst v63  }
0x2c4: {  	s4 =	rddreg [dreg:$0x6]  }
0x2c5: {  	[spmem:s4] =	stream.indirect.scatter.add.f32 [tilespmem:s11], [sflag:$0x2], $0x1, s13, s9, $0xb8;
	[tilespmem:$0x1B880] =	vst v63  }
0x2c6: {  	s6 =	simm.s32 $0xC200  }
0x2c7: {  	[spmem:s10] =	stream.indirect.scatter.add.f32 [tilespmem:s6], [sflag:$0x2], $0x1, s13, s9, $0xb8;
	[tilespmem:$0x1B880] =	vst v63  }
0x2c8: {  	s0 =	sadd.s32 $0x3, s22;
	_ =	swait.ge [sflag:s15], $0x4000  }
0x2c9: {  	p0 =	slt.s32 s0, $0x4E;
	[sflag:s15] =	ssyncset.done $0x0  }
0x2ca: {  	s0 =	simm.s32 @!p0 $0x4E;
	[sflag:s15] =	ssyncadd.s32 $0xFFFFC000  }
0x2cb: {  	s0 =	sshll.u32 s0, $0x7;
	_ =	swait.ge [sflag:s15], $0x80  }
0x2cc: {  	p0 =	slt.s32 s0, $0x2690;
	[sflag:s15] =	ssyncset.done $0x0  }
0x2cd: {  	s0 =	simm.s32 @!p0 $0x2690;
	[sflag:s15] =	ssyncadd.s32 $0xFFFFFF80  }
0x2ce: {  	s0 =	sadd.s32 s8, s0;
	_ =	swait.ge [sflag:s15], $0x80  }
0x2cf: {  	s0 =	sshll.u32 s0, $0x4;
	[sflag:s15] =	ssyncset.done $0x0  }
0x2d0: {  	s14 =	simm.s32 $0x0;
	v9 =	vmov s12;
	s0 =	sadd.s32 s1, s0;
	[sflag:s15] =	ssyncadd.s32 $0xFFFFFF80  }
0x2d1: {  	v10 =	vadd.s32 s23, v7;
	[tilespmem:s14], [sflag:$0x1] =	stream.linear.gather [hbm4b:s0+s14], $0x4000, $0x38;
	[tilespmem:$0x1B880] =	vst v63  }
0x2d2: {  	_ =	swait.ge [sflag:s31], $0x4000  }
0x2d3: {  	[sflag:s31] =	ssyncset.done $0x0  }
0x2d4: {  	s2 =	simm.s32 $0x0;
	[sflag:s31] =	ssyncadd.s32 $0xFFFFC000  }
0x2d5: {  	v12 =	vld.idx.msk [tilespmem:v9+s2+$0x0 ss:$0x1], $0xffff  }
0x2d6: {  	v13 =	vld.idx.msk [tilespmem:v10+s29+$0x0], $0xffff  }
0x2d7: {  	s16 =	sadd.s32 $0x2, s22  }
0x2d8: {  	s3 =	sshll.u32 s16, $0x7;
	v14 =	vadd.s32 s23, v8  }
0x2d9: {  	v11 =	vmov s3;
	v15 =	vor.u32 s23, v3;
	vm1 =	vmmov vm0;
	p0 =	slt.s32 s16, s17  }
0x2da: {  	vm2 =	vge.s32 v15, v11;
	vm1 =	vmneg @p0 vm1;
	v16 =	vsub.s32 v12, v1  }
0x2db: {  	v10 =	vmov s24;
	vm3 =	vne.s32 v13, v12;
	vm15 =	vlt.u32 v16, $0x1388  }
0x2dc: {  	vm2 =	vmand vm1, vm2;
	vm3 =	vmand vm3, vm15  }
0x2dd: {  	vm3 =	vmand vm2, vm3  }
0x2de: {  	v13 =	vld.idx.msk [tilespmem:v14+s29+$0x0], $0xffff;
	v14 =	vnsel vm3, $0x1390, v16  }
0x2df: {  	[tilespmem:s2+$0xC100] =	vst v14  }
0x2e0: {  	v14 =	vld.idx.msk [tilespmem:v10+s2+$0x0 ss:$0x1], $0xffff;
	_ =	sdelay $0x1  }
0x2e1: {  	s6 =	sadd.s32 $0x10, s23  }
0x2e2: {  	vm3 =	vne.s32 v13, v12;
	v12 =	vadd.s32 s6, v7  }
0x2e3: {  	vm2 =	vmand vm2, vm3  }
0x2e4: {  	s3 =	simm.s32 $0x80;
	s0 =	simm.s32 $0x10;
	v13 =	vnsel vm2, $0x0, v14  }
.LBB2_23:
0x2e5: {  	s4 =	sshra.s32 s3, $0x2;
	p0 =	sne.s32 s3, $0x1C0;
	s3 =	sadd.s32 $0x40, s3;
	[tilespmem:s2+$0xC280] =	vst v13  }
0x2e6: {  	s2 =	smov.u32 s0;
	v13 =	vld.idx.msk [tilespmem:v9+s0+$0x0 ss:$0x1], $0xffff;
	s0 =	smov.u32 s4  }
0x2e7: {  	v12 =	vld.idx.msk [tilespmem:v12+s29+$0x0], $0xffff;
	_ =	sdelay $0x3  }
0x2e8: {  	v14 =	vadd.s32 s6, v8  }
0x2e9: {  	v15 =	vor.u32 s6, v3;
	v16 =	vsub.s32 v13, v1  }
0x2ea: {  	vm2 =	vge.s32 v15, v11;
	vm3 =	vne.s32 v12, v13;
	vm4 =	vlt.u32 v16, $0x1388  }
0x2eb: {  	vm2 =	vmand vm1, vm2;
	vm3 =	vmand vm3, vm4  }
0x2ec: {  	vm3 =	vmand vm2, vm3  }
0x2ed: {  	v12 =	vnsel vm3, $0x1390, v16;
	v14 =	vld.idx.msk [tilespmem:v14+s29+$0x0], $0xffff  }
0x2ee: {  	[tilespmem:s2+$0xC100] =	vst v12  }
0x2ef: {  	v15 =	vld.idx.msk [tilespmem:v10+s2+$0x0 ss:$0x1], $0xffff;
	_ =	sdelay $0x1  }
.Ltmp13:
0x2f0: {  	(pc) =	sbr.rel @p0 .LBB2_23-.Ltmp13, $4  }
0x2f1: {  	s6 =	sadd.s32 $0x10, s6  }
0x2f2: {  	v12 =	vadd.s32 s6, v7;
	vm3 =	vne.s32 v14, v13  }
0x2f3: {  	vm2 =	vmand vm2, vm3  }
0x2f4: {  	v13 =	vnsel vm2, $0x0, v15  }
0x2f5: {  	_ =	sdelay $0x2  }
0x2f6: {  	[tilespmem:s2+$0xC280] =	vst v13  }
0x2f7: {  	v9 =	vld.idx.msk [tilespmem:v9+s0+$0x0 ss:$0x1], $0xffff  }
0x2f8: {  	v12 =	vld.idx.msk [tilespmem:v12+s29+$0x0], $0xffff;
	_ =	sdelay $0x2  }
0x2f9: {  	v62 =	vadd.s32 s6, v8  }
0x2fa: {  	v14 =	vor.u32 s6, v3;
	v15 =	vsub.s32 v9, v1  }
0x2fb: {  	vm2 =	vge.s32 v14, v11;
	vm3 =	vne.s32 v12, v9;
	vm4 =	vlt.u32 v15, $0x1388  }
0x2fc: {  	vm1 =	vmand vm1, vm2;
	vm2 =	vmand vm3, vm4  }
0x2fd: {  	vm2 =	vmand vm1, vm2  }
0x2fe: {  	v11 =	vld.idx.msk [tilespmem:v62+s29+$0x0], $0xffff;
	v63 =	vnsel vm2, $0x1390, v15  }
0x2ff: {  	[tilespmem:s0+$0xC100] =	vst v63  }
0x300: {  	v10 =	vld.idx.msk [tilespmem:v10+s0+$0x0 ss:$0x1], $0xffff;
	_ =	sdelay $0x2  }
0x301: {  	vm2 =	vne.s32 v11, v9  }
0x302: {  	vm1 =	vmand vm1, vm2  }
0x303: {  	v9 =	vnsel vm1, $0x0, v10  }
0x304: {  	s23 =	simm.s32 $0x8000;
	[tilespmem:s0+$0xC280] =	vst v9  }
0x305: {  	[spmem:s28] =	stream.indirect.scatter.add.f32 [tilespmem:s23], [sflag:$0x2], $0x80, s30, s9, $0xb8;
	[tilespmem:$0x1B880] =	vst v63  }
0x306: {  	s24 =	rddreg [dreg:$0x6]  }
0x307: {  	[spmem:s24] =	stream.indirect.scatter.add.f32 [tilespmem:s11], [sflag:$0x2], $0x1, s30, s9, $0xb8;
	[tilespmem:$0x1B880] =	vst v63  }
0x308: {  	s28 =	simm.s32 $0xC280  }
0x309: {  	[spmem:s10] =	stream.indirect.scatter.add.f32 [tilespmem:s28], [sflag:$0x2], $0x1, s30, s9, $0xb8;
	[tilespmem:$0x1B880] =	vst v63  }
0x30a: {  	s0 =	sadd.s32 $0x4, s22;
	_ =	swait.ge [sflag:s15], $0x4000  }
0x30b: {  	p0 =	slt.s32 s0, $0x4E;
	[sflag:s15] =	ssyncset.done $0x0  }
0x30c: {  	s0 =	simm.s32 @!p0 $0x4E;
	[sflag:s15] =	ssyncadd.s32 $0xFFFFC000  }
0x30d: {  	s0 =	sshll.u32 s0, $0x7;
	_ =	swait.ge [sflag:s15], $0x80  }
0x30e: {  	p0 =	slt.s32 s0, $0x2690;
	[sflag:s15] =	ssyncset.done $0x0  }
0x30f: {  	s0 =	simm.s32 @!p0 $0x2690;
	[sflag:s15] =	ssyncadd.s32 $0xFFFFFF80  }
0x310: {  	s0 =	sadd.s32 s8, s0;
	_ =	swait.ge [sflag:s15], $0x80  }
0x311: {  	s0 =	sshll.u32 s0, $0x4;
	[sflag:s15] =	ssyncset.done $0x0  }
0x312: {  	s24 =	simm.s32 $0x0;
	s0 =	sadd.s32 s1, s0;
	[sflag:s15] =	ssyncadd.s32 $0xFFFFFF80  }
0x313: {  	[tilespmem:s5], [sflag:$0x1] =	stream.linear.gather [hbm4b:s0+s24], $0x4000, $0x38;
	[tilespmem:$0x1B880] =	vst v63  }
0x314: {  	s0 =	sadd.s32 $0x5, s22  }
0x315: {  	_ =	swait.ge [sflag:s15], $0x4000;
	p0 =	slt.s32 s0, $0x4E  }
0x316: {  	[sflag:s15] =	ssyncset.done $0x0;
	s0 =	simm.s32 @!p0 $0x4E  }
0x317: {  	[sflag:s15] =	ssyncadd.s32 $0xFFFFC000;
	s0 =	sshll.u32 s0, $0x7  }
0x318: {  	s21 =	sadd.s32 $0x1, s21;
	_ =	swait.ge [sflag:s15], $0x80;
	p0 =	slt.s32 s0, $0x2690  }
0x319: {  	[sflag:s15] =	ssyncset.done $0x0;
	s0 =	simm.s32 @!p0 $0x2690;
	p0 =	sne.s32 s21, s26  }
.Ltmp14:
0x31a: {  	s18 =	sadd.s32 $0x180, s18;
	[sflag:s15] =	ssyncadd.s32 $0xFFFFFF80;
	(pc) =	sbr.rel @p0 .LBB2_18-.Ltmp14, $4  }
.Ltmp15:
0x31b: {  	s0 =	sadd.s32 s8, s0;
	_ =	swait.ge [sflag:s15], $0x80;
	(pc) =	sbr.rel @!p0 .LBB2_25-.Ltmp15, $4  }
0x31c: {  	s19 =	sadd.s32 $0x180, s19;
	s0 =	sshll.u32 s0, $0x4;
	[sflag:s15] =	ssyncset.done $0x0  }
0x31d: {  	s20 =	sadd.s32 $0x180, s20;
	s0 =	sadd.s32 s1, s0;
	[sflag:s15] =	ssyncadd.s32 $0xFFFFFF80  }
0x31e: {  	[tilespmem:s23], [sflag:$0x1] =	stream.linear.gather [hbm4b:s0+s24], $0x4000, $0x38;
	[tilespmem:$0x1B880] =	vst v63  }
0x31f: {  	_ = 	snop  }
.LBB2_26:
0x320: {  	_ =	sfence.sel $0x180000  }
0x321: {  	[bflag:$0x0] =	sbarrier.arrive $0xFFFF  }
0x322: {  	_ =	strace $0x90000047  }
0x323: {  	s0 =	stileid.u32;
	[bflag:$0x2] =	sbarrier.arrive $0xFFFF  }
0x324: {  	p0 =	sne.s32 s0, $0x0;
	s0 =	rddreg [dreg:$0x8]  }
0x325: {  	s0 =	sadd.s32 @!p0 $0x100000, s0  }
0x326: {  	[sflag:s0] =	ssyncadd.tile.s32 @!p0 $0x1;
	_ =	shalt  }
.Lfunc_end2:
_tile_overlayer_lowered:
.L_overlay_start_2:
0x327: {  	(tag) =	ssettag $0x2  }
0x328: {  	s0 =	rddreg [dreg:$0x0];
	s2 =	stileid.u32  }
0x329: {  	s1 =	rddreg [dreg:$0x1];
	p0 =	sne.s32 s2, $0x0  }
0x32a: {  	s3 =	rddreg [dreg:$0x2];
	[bflag:$0x3] =	sbarrier.arrive $0xFFFF;
	s2 =	simm.s32 @!p0 $0x1C04  }
0x32b: {  	[timem:s3], [sflag:s2] =	dma.local @!p0 [hbm:s0], s1  }
0x32c: {  	s0 =	simm.s32 @!p0 $0x4  }
0x32d: {  	_ =	swait.ge @!p0 [sflag:s0], s1  }
0x32e: {  	s1 =	ssub.s32 @!p0 $0x0, s1;
	[sflag:s0] =	ssyncset.done @!p0 $0x0  }
0x32f: {  	[sflag:s0] =	ssyncadd.s32 @!p0 s1  }
0x330: {  	[bflag:$0x3] =	sbarrier.arrive $0xFFFF  }
0x331: {  	_ =	shalt  }

</sc_bundles>
